<compile_context>
chip_gen: v7x
topology: tpu7x:2x2x1
jax: 0.10.2.dev20260603
libtpu: 0.0.44.dev20260713+nightly
codegen_flags: <defaults>
</compile_context>

<pallas_src>
import functools

import jax
import jax.numpy as jnp
from jax import lax
from jax.experimental import pallas as pl
from jax.experimental.pallas import tpu as pltpu
from jax.experimental.pallas import tpu_sc as plsc

NC = 2
NS = 16
L = 16
NW = NC * NS


def kernel(x, pos_embedding, token_embedding):
    B, S = x.shape
    V, D = token_embedding.shape
    CH = S // NW
    PH = 32
    NPH = CH // PH
    RPP = B * PH

    xr = (x.astype(jnp.int32)
          .reshape(B, NW, NPH, PH)
          .transpose(1, 2, 0, 3)
          .reshape(NW, NPH, RPP))

    mesh = plsc.VectorSubcoreMesh(core_axis_name="c", subcore_axis_name="s")

    @functools.partial(
        pl.kernel,
        out_type=jax.ShapeDtypeStruct((B, S, D), jnp.float32),
        mesh=mesh,
        scratch_types=(
            [pltpu.VMEM((NPH, RPP), jnp.int32),
             pltpu.VMEM((CH, D), jnp.float32)]
            + [pltpu.VMEM((RPP, D), jnp.float32)] * NPH
            + [pltpu.SemaphoreType.DMA] * (NPH + 2)
        ),
    )
    def run(x_hbm, pos_hbm, tok_hbm, out_hbm, idx_v, pos_v, *rest):
        toks = list(rest[:NPH])
        gsems = list(rest[NPH:2 * NPH])
        ssem, psem = rest[2 * NPH:]

        wid = lax.axis_index("c") * NS + lax.axis_index("s")
        pbase = wid * CH

        pltpu.sync_copy(x_hbm.at[wid], idx_v)
        pcp = pltpu.async_copy(pos_hbm.at[pl.ds(pbase, CH)], pos_v, psem)

        gcp = [
            pltpu.async_copy(tok_hbm.at[idx_v.at[p]], toks[p], gsems[p])
            for p in range(NPH)
        ]
        pcp.wait()

        stcp = []
        for p in range(NPH):
            gcp[p].wait()
            tok_v = toks[p]

            def row_add(j, carry):
                pv = [pos_v[p * PH + j, pl.ds(k * L, L)] for k in range(D // L)]
                for b in range(B):
                    for k in range(D // L):
                        plsc.addupdate(
                            tok_v.at[b * PH + j, pl.ds(k * L, L)], pv[k])
                return carry

            lax.fori_loop(0, PH, row_add, 0)

            stcp.extend(
                pltpu.async_copy(
                    tok_v.at[pl.ds(b * PH, PH)],
                    out_hbm.at[b, pl.ds(pbase + p * PH, PH)], ssem)
                for b in range(B)
            )

        for h in stcp:
            h.wait()

    return run(xr, pos_embedding, token_embedding)

# --- scband reference (transcript-rebuilt; emitter-appended) ---
"""Pipeline reference for scband-embedding-layer-59536836657381 (READ-ONLY COPY).

The authoritative reference and input builder live on the scoring server;
editing this copy changes nothing except your own understanding.
"""

import jax, jax.numpy as jnp
import numpy as np

MAX_LEN = 8192
HIDDEN = 128
VOCAB = 100000
BATCH = 4
SEQ = 4096

def setup_inputs(seed: int = 0) -> dict:
    key = jax.random.key(seed)
    k_x, k_pos, k_tok = jax.random.split(key, 3)
    x = jax.random.randint(k_x, (BATCH, SEQ), 0, VOCAB, dtype=jnp.int64 if jax.config.jax_enable_x64 else jnp.int32)
    pos_embedding = jax.random.normal(k_pos, (MAX_LEN, HIDDEN), dtype=jnp.float32) * 0.02
    token_embedding = jax.random.normal(k_tok, (VOCAB, HIDDEN), dtype=jnp.float32) * 0.02
    return {"x": x, "pos_embedding": pos_embedding, "token_embedding": token_embedding}

def reference(x, pos_embedding, token_embedding):
    seq_len = x.shape[1]
    position = jnp.arange(0, seq_len, dtype=x.dtype)
    position = position.reshape(1, -1)
    position = jnp.broadcast_to(position, x.shape)
    pos_emb = jnp.take(pos_embedding, position, axis=0)
    token_emb = jnp.take(token_embedding, x, axis=0)
    emb = pos_emb + token_emb
    return emb

if __name__ == "__main__":
    import jax
    _d = setup_inputs()
    print(jax.jit(kernel)(*tuple(_d.values())))

</pallas_src>

<mosaic_0001>
#map = affine_map<(d0, d1) -> (0, 0, 0)>
#map1 = affine_map<(d0, d1) -> (0, 0)>
module attributes {stable_mosaic.version = 14 : i64} {
  func.func @run(%arg0: i32, %arg1: i32, %arg2: memref<32x4x128xi32, #tpu.memory_space<hbm>>, %arg3: memref<8192x128xf32, #tpu.memory_space<hbm>>, %arg4: memref<100000x128xf32, #tpu.memory_space<hbm>>, %arg5: memref<4x4096x128xf32, #tpu.memory_space<hbm>>, %arg6: memref<4x128xi32, #tpu.memory_space<vmem>>, %arg7: memref<128x128xf32, #tpu.memory_space<vmem>>, %arg8: memref<128x128xf32, #tpu.memory_space<vmem>>, %arg9: memref<128x128xf32, #tpu.memory_space<vmem>>, %arg10: memref<128x128xf32, #tpu.memory_space<vmem>>, %arg11: memref<128x128xf32, #tpu.memory_space<vmem>>, %arg12: memref<!tpu.dma_semaphore, #tpu.memory_space<semaphore_mem>>, %arg13: memref<!tpu.dma_semaphore, #tpu.memory_space<semaphore_mem>>, %arg14: memref<!tpu.dma_semaphore, #tpu.memory_space<semaphore_mem>>, %arg15: memref<!tpu.dma_semaphore, #tpu.memory_space<semaphore_mem>>, %arg16: memref<!tpu.dma_semaphore, #tpu.memory_space<semaphore_mem>>, %arg17: memref<!tpu.dma_semaphore, #tpu.memory_space<semaphore_mem>>) attributes {dimension_semantics = [#tpu.dimension_semantics<core_parallel>, #tpu.dimension_semantics<subcore_parallel>], iteration_bounds = array<i64: 2, 16>, scalar_prefetch = 0 : i64, scratch_operands = 12 : i64, tpu.core_type = #tpu.core_type<sc_vector_subcore>, window_params = [{transform_indices = #map}, {transform_indices = #map1}, {transform_indices = #map1}, {transform_indices = #map}]} {
    %mul3A = arith.constant 16 : i32
    %mul3A_0 = arith.muli %arg0, %mul3A : i32
    %add3A = arith.addi %mul3A_0, %arg1 : i32
    %mul3A_1 = arith.constant 128 : i32
    %mul3A_2 = arith.muli %add3A, %mul3A_1 : i32
    "tpu.region"() ({
      %run_scoped3A = tpu.sem_alloc : memref<!tpu.dma_semaphore, #tpu.memory_space<semaphore_mem>>
      %dma_start3A_536 = arith.constant 0 : i32
      %dma_start3A_537 = arith.constant 0 : i32
      %dma_start3A_538 = tpu.memref_slice %arg2[%add3A, %dma_start3A_536, %dma_start3A_537] : memref<32x4x128xi32, #tpu.memory_space<hbm>> -> memref<1x4x128xi32, #tpu.memory_space<hbm>>
      %dma_start3A_539 = tpu.memref_squeeze %dma_start3A_538 : memref<1x4x128xi32, #tpu.memory_space<hbm>> -> memref<4x128xi32, #tpu.memory_space<hbm>>
      %dma_start3A_540 = arith.constant 0 : i32
      %dma_start3A_541 = arith.constant 0 : i32
      %dma_start3A_542 = tpu.memref_slice %arg2[%add3A, %dma_start3A_540, %dma_start3A_541] : memref<32x4x128xi32, #tpu.memory_space<hbm>> -> memref<1x4x128xi32, #tpu.memory_space<hbm>>
      %dma_start3A_543 = tpu.memref_squeeze %dma_start3A_542 : memref<1x4x128xi32, #tpu.memory_space<hbm>> -> memref<4x128xi32, #tpu.memory_space<hbm>>
      tpu.enqueue_dma source(%dma_start3A_543 : memref<4x128xi32, #tpu.memory_space<hbm>>) target(%arg6 : memref<4x128xi32, #tpu.memory_space<vmem>>) target_semaphore(%run_scoped3A : memref<!tpu.dma_semaphore, #tpu.memory_space<semaphore_mem>>)
      %dma_wait3A_544 = arith.constant 0 : i32
      %dma_wait3A_545 = arith.constant 0 : i32
      %dma_wait3A_546 = tpu.memref_slice %arg2[%add3A, %dma_wait3A_544, %dma_wait3A_545] : memref<32x4x128xi32, #tpu.memory_space<hbm>> -> memref<1x4x128xi32, #tpu.memory_space<hbm>>
      %dma_wait3A_547 = tpu.memref_squeeze %dma_wait3A_546 : memref<1x4x128xi32, #tpu.memory_space<hbm>> -> memref<4x128xi32, #tpu.memory_space<hbm>>
      %dma_wait3A_548 = arith.constant 0 : i32
      %dma_wait3A_549 = arith.constant 0 : i32
      %dma_wait3A_550 = tpu.memref_slice %arg2[%add3A, %dma_wait3A_548, %dma_wait3A_549] : memref<32x4x128xi32, #tpu.memory_space<hbm>> -> memref<1x4x128xi32, #tpu.memory_space<hbm>>
      %dma_wait3A_551 = tpu.memref_squeeze %dma_wait3A_550 : memref<1x4x128xi32, #tpu.memory_space<hbm>> -> memref<4x128xi32, #tpu.memory_space<hbm>>
      tpu.wait_dma2 semaphore(%run_scoped3A : memref<!tpu.dma_semaphore, #tpu.memory_space<semaphore_mem>>) src(%dma_wait3A_551 : memref<4x128xi32, #tpu.memory_space<hbm>>) dst(%arg6 : memref<4x128xi32, #tpu.memory_space<vmem>>)
      tpu.yield
    }) : () -> ()
    %dma_start3A = arith.constant 0 : i32
    %dma_start3A_3 = tpu.memref_slice %arg3[%mul3A_2, %dma_start3A] : memref<8192x128xf32, #tpu.memory_space<hbm>> -> memref<128x128xf32, #tpu.memory_space<hbm>>
    %dma_start3A_4 = arith.constant 0 : i32
    %dma_start3A_5 = tpu.memref_slice %arg3[%mul3A_2, %dma_start3A_4] : memref<8192x128xf32, #tpu.memory_space<hbm>> -> memref<128x128xf32, #tpu.memory_space<hbm>>
    tpu.enqueue_dma source(%dma_start3A_5 : memref<128x128xf32, #tpu.memory_space<hbm>>) target(%arg7 : memref<128x128xf32, #tpu.memory_space<vmem>>) target_semaphore(%arg17 : memref<!tpu.dma_semaphore, #tpu.memory_space<semaphore_mem>>)
    %dma_start3A_6 = arith.constant 0 : i32
    %dma_start3A_7 = arith.constant 0 : i32
    %dma_start3A_8 = tpu.memref_slice %arg6[%dma_start3A_6, %dma_start3A_7] : memref<4x128xi32, #tpu.memory_space<vmem>> -> memref<1x128xi32, #tpu.memory_space<vmem>>
    %dma_start3A_9 = tpu.memref_squeeze %dma_start3A_8 : memref<1x128xi32, #tpu.memory_space<vmem>> -> memref<128xi32, #tpu.memory_space<vmem>>
    %dma_start3A_10 = arith.constant 0 : i32
    %dma_start3A_11 = arith.constant 0 : i32
    %dma_start3A_12 = tpu.memref_slice %arg4[%dma_start3A_10, %dma_start3A_11] : memref<100000x128xf32, #tpu.memory_space<hbm>> -> memref<100000x128xf32, #tpu.memory_space<hbm>>
    tpu.enqueue_indirect_dma source(%dma_start3A_12 : memref<100000x128xf32, #tpu.memory_space<hbm>>) target(%arg8 : memref<128x128xf32, #tpu.memory_space<vmem>>) offsets(%dma_start3A_9 : memref<128xi32, #tpu.memory_space<vmem>>) semaphore(%arg12 : memref<!tpu.dma_semaphore, #tpu.memory_space<semaphore_mem>>)
    %dma_start3A_13 = arith.constant 1 : i32
    %dma_start3A_14 = arith.constant 0 : i32
    %dma_start3A_15 = tpu.memref_slice %arg6[%dma_start3A_13, %dma_start3A_14] : memref<4x128xi32, #tpu.memory_space<vmem>> -> memref<1x128xi32, #tpu.memory_space<vmem>>
    %dma_start3A_16 = tpu.memref_squeeze %dma_start3A_15 : memref<1x128xi32, #tpu.memory_space<vmem>> -> memref<128xi32, #tpu.memory_space<vmem>>
    %dma_start3A_17 = arith.constant 0 : i32
    %dma_start3A_18 = arith.constant 0 : i32
    %dma_start3A_19 = tpu.memref_slice %arg4[%dma_start3A_17, %dma_start3A_18] : memref<100000x128xf32, #tpu.memory_space<hbm>> -> memref<100000x128xf32, #tpu.memory_space<hbm>>
    tpu.enqueue_indirect_dma source(%dma_start3A_19 : memref<100000x128xf32, #tpu.memory_space<hbm>>) target(%arg9 : memref<128x128xf32, #tpu.memory_space<vmem>>) offsets(%dma_start3A_16 : memref<128xi32, #tpu.memory_space<vmem>>) semaphore(%arg13 : memref<!tpu.dma_semaphore, #tpu.memory_space<semaphore_mem>>)
    %dma_start3A_20 = arith.constant 2 : i32
    %dma_start3A_21 = arith.constant 0 : i32
    %dma_start3A_22 = tpu.memref_slice %arg6[%dma_start3A_20, %dma_start3A_21] : memref<4x128xi32, #tpu.memory_space<vmem>> -> memref<1x128xi32, #tpu.memory_space<vmem>>
    %dma_start3A_23 = tpu.memref_squeeze %dma_start3A_22 : memref<1x128xi32, #tpu.memory_space<vmem>> -> memref<128xi32, #tpu.memory_space<vmem>>
    %dma_start3A_24 = arith.constant 0 : i32
    %dma_start3A_25 = arith.constant 0 : i32
    %dma_start3A_26 = tpu.memref_slice %arg4[%dma_start3A_24, %dma_start3A_25] : memref<100000x128xf32, #tpu.memory_space<hbm>> -> memref<100000x128xf32, #tpu.memory_space<hbm>>
    tpu.enqueue_indirect_dma source(%dma_start3A_26 : memref<100000x128xf32, #tpu.memory_space<hbm>>) target(%arg10 : memref<128x128xf32, #tpu.memory_space<vmem>>) offsets(%dma_start3A_23 : memref<128xi32, #tpu.memory_space<vmem>>) semaphore(%arg14 : memref<!tpu.dma_semaphore, #tpu.memory_space<semaphore_mem>>)
    %dma_start3A_27 = arith.constant 3 : i32
    %dma_start3A_28 = arith.constant 0 : i32
    %dma_start3A_29 = tpu.memref_slice %arg6[%dma_start3A_27, %dma_start3A_28] : memref<4x128xi32, #tpu.memory_space<vmem>> -> memref<1x128xi32, #tpu.memory_space<vmem>>
    %dma_start3A_30 = tpu.memref_squeeze %dma_start3A_29 : memref<1x128xi32, #tpu.memory_space<vmem>> -> memref<128xi32, #tpu.memory_space<vmem>>
    %dma_start3A_31 = arith.constant 0 : i32
    %dma_start3A_32 = arith.constant 0 : i32
    %dma_start3A_33 = tpu.memref_slice %arg4[%dma_start3A_31, %dma_start3A_32] : memref<100000x128xf32, #tpu.memory_space<hbm>> -> memref<100000x128xf32, #tpu.memory_space<hbm>>
    tpu.enqueue_indirect_dma source(%dma_start3A_33 : memref<100000x128xf32, #tpu.memory_space<hbm>>) target(%arg11 : memref<128x128xf32, #tpu.memory_space<vmem>>) offsets(%dma_start3A_30 : memref<128xi32, #tpu.memory_space<vmem>>) semaphore(%arg15 : memref<!tpu.dma_semaphore, #tpu.memory_space<semaphore_mem>>)
    %dma_wait3A = arith.constant 0 : i32
    %dma_wait3A_34 = tpu.memref_slice %arg3[%mul3A_2, %dma_wait3A] : memref<8192x128xf32, #tpu.memory_space<hbm>> -> memref<128x128xf32, #tpu.memory_space<hbm>>
    %dma_wait3A_35 = arith.constant 0 : i32
    %dma_wait3A_36 = tpu.memref_slice %arg3[%mul3A_2, %dma_wait3A_35] : memref<8192x128xf32, #tpu.memory_space<hbm>> -> memref<128x128xf32, #tpu.memory_space<hbm>>
    tpu.wait_dma2 semaphore(%arg17 : memref<!tpu.dma_semaphore, #tpu.memory_space<semaphore_mem>>) src(%dma_wait3A_36 : memref<128x128xf32, #tpu.memory_space<hbm>>) dst(%arg7 : memref<128x128xf32, #tpu.memory_space<vmem>>)
    %dma_wait3A_37 = arith.constant 0 : i32
    %dma_wait3A_38 = arith.constant 0 : i32
    %dma_wait3A_39 = tpu.memref_slice %arg6[%dma_wait3A_37, %dma_wait3A_38] : memref<4x128xi32, #tpu.memory_space<vmem>> -> memref<1x128xi32, #tpu.memory_space<vmem>>
    %dma_wait3A_40 = tpu.memref_squeeze %dma_wait3A_39 : memref<1x128xi32, #tpu.memory_space<vmem>> -> memref<128xi32, #tpu.memory_space<vmem>>
    %dma_wait3A_41 = arith.constant 0 : i32
    %dma_wait3A_42 = arith.constant 0 : i32
    %dma_wait3A_43 = tpu.memref_slice %arg4[%dma_wait3A_41, %dma_wait3A_42] : memref<100000x128xf32, #tpu.memory_space<hbm>> -> memref<100000x128xf32, #tpu.memory_space<hbm>>
    tpu.wait_indirect_dma semaphore(%arg12 : memref<!tpu.dma_semaphore, #tpu.memory_space<semaphore_mem>>) src(%dma_wait3A_43 : memref<100000x128xf32, #tpu.memory_space<hbm>>) dst(%arg8 : memref<128x128xf32, #tpu.memory_space<vmem>>)
    %scan3A = arith.constant 0 : i32
    %scan3A_44 = arith.constant 0 : i32
    %scan3A_45 = arith.constant 32 : i32
    %scan3A_46 = arith.addi %scan3A_44, %scan3A_45 : i32
    %scan3A_47 = arith.constant 1 : i32
    scf.for %scan3A_536 = %scan3A_44 to %scan3A_46 step %scan3A_47  : i32 {
      %add3A_537 = arith.constant 0 : i32
      %add3A_538 = arith.addi %add3A_537, %scan3A_536 : i32
      %get3A = arith.index_cast %add3A_538 : i32 to index
      %get3A_539 = arith.constant 0 : index
      %get3A_540 = tpu.vector_load %arg7[%get3A, %get3A_539] {strides = array<i32>} : memref<128x128xf32, #tpu.memory_space<vmem>>, vector<1x16xf32>,
      %get3A_541 = vector.shape_cast %get3A_540 : vector<1x16xf32> to vector<16xf32>
      %add3A_542 = arith.constant 0 : i32
      %add3A_543 = arith.addi %add3A_542, %scan3A_536 : i32
      %get3A_544 = arith.index_cast %add3A_543 : i32 to index
      %get3A_545 = arith.constant 16 : index
      %get3A_546 = tpu.vector_load %arg7[%get3A_544, %get3A_545] {strides = array<i32>} : memref<128x128xf32, #tpu.memory_space<vmem>>, vector<1x16xf32>,
      %get3A_547 = vector.shape_cast %get3A_546 : vector<1x16xf32> to vector<16xf32>
      %add3A_548 = arith.constant 0 : i32
      %add3A_549 = arith.addi %add3A_548, %scan3A_536 : i32
      %get3A_550 = arith.index_cast %add3A_549 : i32 to index
      %get3A_551 = arith.constant 32 : index
      %get3A_552 = tpu.vector_load %arg7[%get3A_550, %get3A_551] {strides = array<i32>} : memref<128x128xf32, #tpu.memory_space<vmem>>, vector<1x16xf32>,
      %get3A_553 = vector.shape_cast %get3A_552 : vector<1x16xf32> to vector<16xf32>
      %add3A_554 = arith.constant 0 : i32
      %add3A_555 = arith.addi %add3A_554, %scan3A_536 : i32
      %get3A_556 = arith.index_cast %add3A_555 : i32 to index
      %get3A_557 = arith.constant 48 : index
      %get3A_558 = tpu.vector_load %arg7[%get3A_556, %get3A_557] {strides = array<i32>} : memref<128x128xf32, #tpu.memory_space<vmem>>, vector<1x16xf32>,
      %get3A_559 = vector.shape_cast %get3A_558 : vector<1x16xf32> to vector<16xf32>
      %add3A_560 = arith.constant 0 : i32
      %add3A_561 = arith.addi %add3A_560, %scan3A_536 : i32
      %get3A_562 = arith.index_cast %add3A_561 : i32 to index
      %get3A_563 = arith.constant 64 : index
      %get3A_564 = tpu.vector_load %arg7[%get3A_562, %get3A_563] {strides = array<i32>} : memref<128x128xf32, #tpu.memory_space<vmem>>, vector<1x16xf32>,
      %get3A_565 = vector.shape_cast %get3A_564 : vector<1x16xf32> to vector<16xf32>
      %add3A_566 = arith.constant 0 : i32
      %add3A_567 = arith.addi %add3A_566, %scan3A_536 : i32
      %get3A_568 = arith.index_cast %add3A_567 : i32 to index
      %get3A_569 = arith.constant 80 : index
      %get3A_570 = tpu.vector_load %arg7[%get3A_568, %get3A_569] {strides = array<i32>} : memref<128x128xf32, #tpu.memory_space<vmem>>, vector<1x16xf32>,
      %get3A_571 = vector.shape_cast %get3A_570 : vector<1x16xf32> to vector<16xf32>
      %add3A_572 = arith.constant 0 : i32
      %add3A_573 = arith.addi %add3A_572, %scan3A_536 : i32
      %get3A_574 = arith.index_cast %add3A_573 : i32 to index
      %get3A_575 = arith.constant 96 : index
      %get3A_576 = tpu.vector_load %arg7[%get3A_574, %get3A_575] {strides = array<i32>} : memref<128x128xf32, #tpu.memory_space<vmem>>, vector<1x16xf32>,
      %get3A_577 = vector.shape_cast %get3A_576 : vector<1x16xf32> to vector<16xf32>
      %add3A_578 = arith.constant 0 : i32
      %add3A_579 = arith.addi %add3A_578, %scan3A_536 : i32
      %get3A_580 = arith.index_cast %add3A_579 : i32 to index
      %get3A_581 = arith.constant 112 : index
      %get3A_582 = tpu.vector_load %arg7[%get3A_580, %get3A_581] {strides = array<i32>} : memref<128x128xf32, #tpu.memory_space<vmem>>, vector<1x16xf32>,
      %get3A_583 = vector.shape_cast %get3A_582 : vector<1x16xf32> to vector<16xf32>
      %add3A_584 = arith.constant 0 : i32
      %add3A_585 = arith.addi %add3A_584, %scan3A_536 : i32
      %swap3A = arith.index_cast %add3A_585 : i32 to index
      %swap3A_586 = arith.constant 0 : index
      %swap3A_587 = tpu.vector_load %arg8[%swap3A, %swap3A_586] {strides = array<i32>} : memref<128x128xf32, #tpu.memory_space<vmem>>, vector<1x16xf32>,
      %swap3A_588 = vector.shape_cast %swap3A_587 : vector<1x16xf32> to vector<16xf32>
      %swap3A_589 = vector.shape_cast %get3A_541 : vector<16xf32> to vector<1x16xf32>
      tpu.vector_store %arg8[%swap3A, %swap3A_586], %swap3A_589 {add = true, strides = array<i32>} : memref<128x128xf32, #tpu.memory_space<vmem>>, vector<1x16xf32>,
      %add3A_590 = arith.constant 0 : i32
      %add3A_591 = arith.addi %add3A_590, %scan3A_536 : i32
      %swap3A_592 = arith.index_cast %add3A_591 : i32 to index
      %swap3A_593 = arith.constant 16 : index
      %swap3A_594 = tpu.vector_load %arg8[%swap3A_592, %swap3A_593] {strides = array<i32>} : memref<128x128xf32, #tpu.memory_space<vmem>>, vector<1x16xf32>,
      %swap3A_595 = vector.shape_cast %swap3A_594 : vector<1x16xf32> to vector<16xf32>
      %swap3A_596 = vector.shape_cast %get3A_547 : vector<16xf32> to vector<1x16xf32>
      tpu.vector_store %arg8[%swap3A_592, %swap3A_593], %swap3A_596 {add = true, strides = array<i32>} : memref<128x128xf32, #tpu.memory_space<vmem>>, vector<1x16xf32>,
      %add3A_597 = arith.constant 0 : i32
      %add3A_598 = arith.addi %add3A_597, %scan3A_536 : i32
      %swap3A_599 = arith.index_cast %add3A_598 : i32 to index
      %swap3A_600 = arith.constant 32 : index
      %swap3A_601 = tpu.vector_load %arg8[%swap3A_599, %swap3A_600] {strides = array<i32>} : memref<128x128xf32, #tpu.memory_space<vmem>>, vector<1x16xf32>,
      %swap3A_602 = vector.shape_cast %swap3A_601 : vector<1x16xf32> to vector<16xf32>
      %swap3A_603 = vector.shape_cast %get3A_553 : vector<16xf32> to vector<1x16xf32>
      tpu.vector_store %arg8[%swap3A_599, %swap3A_600], %swap3A_603 {add = true, strides = array<i32>} : memref<128x128xf32, #tpu.memory_space<vmem>>, vector<1x16xf32>,
      %add3A_604 = arith.constant 0 : i32
      %add3A_605 = arith.addi %add3A_604, %scan3A_536 : i32
      %swap3A_606 = arith.index_cast %add3A_605 : i32 to index
      %swap3A_607 = arith.constant 48 : index
      %swap3A_608 = tpu.vector_load %arg8[%swap3A_606, %swap3A_607] {strides = array<i32>} : memref<128x128xf32, #tpu.memory_space<vmem>>, vector<1x16xf32>,
      %swap3A_609 = vector.shape_cast %swap3A_608 : vector<1x16xf32> to vector<16xf32>
      %swap3A_610 = vector.shape_cast %get3A_559 : vector<16xf32> to vector<1x16xf32>
      tpu.vector_store %arg8[%swap3A_606, %swap3A_607], %swap3A_610 {add = true, strides = array<i32>} : memref<128x128xf32, #tpu.memory_space<vmem>>, vector<1x16xf32>,
      %add3A_611 = arith.constant 0 : i32
      %add3A_612 = arith.addi %add3A_611, %scan3A_536 : i32
      %swap3A_613 = arith.index_cast %add3A_612 : i32 to index
      %swap3A_614 = arith.constant 64 : index
      %swap3A_615 = tpu.vector_load %arg8[%swap3A_613, %swap3A_614] {strides = array<i32>} : memref<128x128xf32, #tpu.memory_space<vmem>>, vector<1x16xf32>,
      %swap3A_616 = vector.shape_cast %swap3A_615 : vector<1x16xf32> to vector<16xf32>
      %swap3A_617 = vector.shape_cast %get3A_565 : vector<16xf32> to vector<1x16xf32>
      tpu.vector_store %arg8[%swap3A_613, %swap3A_614], %swap3A_617 {add = true, strides = array<i32>} : memref<128x128xf32, #tpu.memory_space<vmem>>, vector<1x16xf32>,
      %add3A_618 = arith.constant 0 : i32
      %add3A_619 = arith.addi %add3A_618, %scan3A_536 : i32
      %swap3A_620 = arith.index_cast %add3A_619 : i32 to index
      %swap3A_621 = arith.constant 80 : index
      %swap3A_622 = tpu.vector_load %arg8[%swap3A_620, %swap3A_621] {strides = array<i32>} : memref<128x128xf32, #tpu.memory_space<vmem>>, vector<1x16xf32>,
      %swap3A_623 = vector.shape_cast %swap3A_622 : vector<1x16xf32> to vector<16xf32>
      %swap3A_624 = vector.shape_cast %get3A_571 : vector<16xf32> to vector<1x16xf32>
      tpu.vector_store %arg8[%swap3A_620, %swap3A_621], %swap3A_624 {add = true, strides = array<i32>} : memref<128x128xf32, #tpu.memory_space<vmem>>, vector<1x16xf32>,
      %add3A_625 = arith.constant 0 : i32
      %add3A_626 = arith.addi %add3A_625, %scan3A_536 : i32
      %swap3A_627 = arith.index_cast %add3A_626 : i32 to index
      %swap3A_628 = arith.constant 96 : index
      %swap3A_629 = tpu.vector_load %arg8[%swap3A_627, %swap3A_628] {strides = array<i32>} : memref<128x128xf32, #tpu.memory_space<vmem>>, vector<1x16xf32>,
      %swap3A_630 = vector.shape_cast %swap3A_629 : vector<1x16xf32> to vector<16xf32>
      %swap3A_631 = vector.shape_cast %get3A_577 : vector<16xf32> to vector<1x16xf32>
      tpu.vector_store %arg8[%swap3A_627, %swap3A_628], %swap3A_631 {add = true, strides = array<i32>} : memref<128x128xf32, #tpu.memory_space<vmem>>, vector<1x16xf32>,
      %add3A_632 = arith.constant 0 : i32
      %add3A_633 = arith.addi %add3A_632, %scan3A_536 : i32
      %swap3A_634 = arith.index_cast %add3A_633 : i32 to index
      %swap3A_635 = arith.constant 112 : index
      %swap3A_636 = tpu.vector_load %arg8[%swap3A_634, %swap3A_635] {strides = array<i32>} : memref<128x128xf32, #tpu.memory_space<vmem>>, vector<1x16xf32>,
      %swap3A_637 = vector.shape_cast %swap3A_636 : vector<1x16xf32> to vector<16xf32>
      %swap3A_638 = vector.shape_cast %get3A_583 : vector<16xf32> to vector<1x16xf32>
      tpu.vector_store %arg8[%swap3A_634, %swap3A_635], %swap3A_638 {add = true, strides = array<i32>} : memref<128x128xf32, #tpu.memory_space<vmem>>, vector<1x16xf32>,
      %add3A_639 = arith.constant 32 : i32
      %add3A_640 = arith.addi %add3A_639, %scan3A_536 : i32
      %swap3A_641 = arith.index_cast %add3A_640 : i32 to index
      %swap3A_642 = arith.constant 0 : index
      %swap3A_643 = tpu.vector_load %arg8[%swap3A_641, %swap3A_642] {strides = array<i32>} : memref<128x128xf32, #tpu.memory_space<vmem>>, vector<1x16xf32>,
      %swap3A_644 = vector.shape_cast %swap3A_643 : vector<1x16xf32> to vector<16xf32>
      %swap3A_645 = vector.shape_cast %get3A_541 : vector<16xf32> to vector<1x16xf32>
      tpu.vector_store %arg8[%swap3A_641, %swap3A_642], %swap3A_645 {add = true, strides = array<i32>} : memref<128x128xf32, #tpu.memory_space<vmem>>, vector<1x16xf32>,
      %add3A_646 = arith.constant 32 : i32
      %add3A_647 = arith.addi %add3A_646, %scan3A_536 : i32
      %swap3A_648 = arith.index_cast %add3A_647 : i32 to index
      %swap3A_649 = arith.constant 16 : index
      %swap3A_650 = tpu.vector_load %arg8[%swap3A_648, %swap3A_649] {strides = array<i32>} : memref<128x128xf32, #tpu.memory_space<vmem>>, vector<1x16xf32>,
      %swap3A_651 = vector.shape_cast %swap3A_650 : vector<1x16xf32> to vector<16xf32>
      %swap3A_652 = vector.shape_cast %get3A_547 : vector<16xf32> to vector<1x16xf32>
      tpu.vector_store %arg8[%swap3A_648, %swap3A_649], %swap3A_652 {add = true, strides = array<i32>} : memref<128x128xf32, #tpu.memory_space<vmem>>, vector<1x16xf32>,
      %add3A_653 = arith.constant 32 : i32
      %add3A_654 = arith.addi %add3A_653, %scan3A_536 : i32
      %swap3A_655 = arith.index_cast %add3A_654 : i32 to index
      %swap3A_656 = arith.constant 32 : index
      %swap3A_657 = tpu.vector_load %arg8[%swap3A_655, %swap3A_656] {strides = array<i32>} : memref<128x128xf32, #tpu.memory_space<vmem>>, vector<1x16xf32>,
      %swap3A_658 = vector.shape_cast %swap3A_657 : vector<1x16xf32> to vector<16xf32>
      %swap3A_659 = vector.shape_cast %get3A_553 : vector<16xf32> to vector<1x16xf32>
      tpu.vector_store %arg8[%swap3A_655, %swap3A_656], %swap3A_659 {add = true, strides = array<i32>} : memref<128x128xf32, #tpu.memory_space<vmem>>, vector<1x16xf32>,
      %add3A_660 = arith.constant 32 : i32
      %add3A_661 = arith.addi %add3A_660, %scan3A_536 : i32
      %swap3A_662 = arith.index_cast %add3A_661 : i32 to index
      %swap3A_663 = arith.constant 48 : index
      %swap3A_664 = tpu.vector_load %arg8[%swap3A_662, %swap3A_663] {strides = array<i32>} : memref<128x128xf32, #tpu.memory_space<vmem>>, vector<1x16xf32>,
      %swap3A_665 = vector.shape_cast %swap3A_664 : vector<1x16xf32> to vector<16xf32>
      %swap3A_666 = vector.shape_cast %get3A_559 : vector<16xf32> to vector<1x16xf32>
      tpu.vector_store %arg8[%swap3A_662, %swap3A_663], %swap3A_666 {add = true, strides = array<i32>} : memref<128x128xf32, #tpu.memory_space<vmem>>, vector<1x16xf32>,
      %add3A_667 = arith.constant 32 : i32
      %add3A_668 = arith.addi %add3A_667, %scan3A_536 : i32
      %swap3A_669 = arith.index_cast %add3A_668 : i32 to index
      %swap3A_670 = arith.constant 64 : index
      %swap3A_671 = tpu.vector_load %arg8[%swap3A_669, %swap3A_670] {strides = array<i32>} : memref<128x128xf32, #tpu.memory_space<vmem>>, vector<1x16xf32>,
      %swap3A_672 = vector.shape_cast %swap3A_671 : vector<1x16xf32> to vector<16xf32>
      %swap3A_673 = vector.shape_cast %get3A_565 : vector<16xf32> to vector<1x16xf32>
      tpu.vector_store %arg8[%swap3A_669, %swap3A_670], %swap3A_673 {add = true, strides = array<i32>} : memref<128x128xf32, #tpu.memory_space<vmem>>, vector<1x16xf32>,
      %add3A_674 = arith.constant 32 : i32
      %add3A_675 = arith.addi %add3A_674, %scan3A_536 : i32
      %swap3A_676 = arith.index_cast %add3A_675 : i32 to index
      %swap3A_677 = arith.constant 80 : index
      %swap3A_678 = tpu.vector_load %arg8[%swap3A_676, %swap3A_677] {strides = array<i32>} : memref<128x128xf32, #tpu.memory_space<vmem>>, vector<1x16xf32>,
      %swap3A_679 = vector.shape_cast %swap3A_678 : vector<1x16xf32> to vector<16xf32>
      %swap3A_680 = vector.shape_cast %get3A_571 : vector<16xf32> to vector<1x16xf32>
      tpu.vector_store %arg8[%swap3A_676, %swap3A_677], %swap3A_680 {add = true, strides = array<i32>} : memref<128x128xf32, #tpu.memory_space<vmem>>, vector<1x16xf32>,
      %add3A_681 = arith.constant 32 : i32
      %add3A_682 = arith.addi %add3A_681, %scan3A_536 : i32
      %swap3A_683 = arith.index_cast %add3A_682 : i32 to index
      %swap3A_684 = arith.constant 96 : index
      %swap3A_685 = tpu.vector_load %arg8[%swap3A_683, %swap3A_684] {strides = array<i32>} : memref<128x128xf32, #tpu.memory_space<vmem>>, vector<1x16xf32>,
      %swap3A_686 = vector.shape_cast %swap3A_685 : vector<1x16xf32> to vector<16xf32>
      %swap3A_687 = vector.shape_cast %get3A_577 : vector<16xf32> to vector<1x16xf32>
      tpu.vector_store %arg8[%swap3A_683, %swap3A_684], %swap3A_687 {add = true, strides = array<i32>} : memref<128x128xf32, #tpu.memory_space<vmem>>, vector<1x16xf32>,
      %add3A_688 = arith.constant 32 : i32
      %add3A_689 = arith.addi %add3A_688, %scan3A_536 : i32
      %swap3A_690 = arith.index_cast %add3A_689 : i32 to index
      %swap3A_691 = arith.constant 112 : index
      %swap3A_692 = tpu.vector_load %arg8[%swap3A_690, %swap3A_691] {strides = array<i32>} : memref<128x128xf32, #tpu.memory_space<vmem>>, vector<1x16xf32>,
      %swap3A_693 = vector.shape_cast %swap3A_692 : vector<1x16xf32> to vector<16xf32>
      %swap3A_694 = vector.shape_cast %get3A_583 : vector<16xf32> to vector<1x16xf32>
      tpu.vector_store %arg8[%swap3A_690, %swap3A_691], %swap3A_694 {add = true, strides = array<i32>} : memref<128x128xf32, #tpu.memory_space<vmem>>, vector<1x16xf32>,
      %add3A_695 = arith.constant 64 : i32
      %add3A_696 = arith.addi %add3A_695, %scan3A_536 : i32
      %swap3A_697 = arith.index_cast %add3A_696 : i32 to index
      %swap3A_698 = arith.constant 0 : index
      %swap3A_699 = tpu.vector_load %arg8[%swap3A_697, %swap3A_698] {strides = array<i32>} : memref<128x128xf32, #tpu.memory_space<vmem>>, vector<1x16xf32>,
      %swap3A_700 = vector.shape_cast %swap3A_699 : vector<1x16xf32> to vector<16xf32>
      %swap3A_701 = vector.shape_cast %get3A_541 : vector<16xf32> to vector<1x16xf32>
      tpu.vector_store %arg8[%swap3A_697, %swap3A_698], %swap3A_701 {add = true, strides = array<i32>} : memref<128x128xf32, #tpu.memory_space<vmem>>, vector<1x16xf32>,
      %add3A_702 = arith.constant 64 : i32
      %add3A_703 = arith.addi %add3A_702, %scan3A_536 : i32
      %swap3A_704 = arith.index_cast %add3A_703 : i32 to index
      %swap3A_705 = arith.constant 16 : index
      %swap3A_706 = tpu.vector_load %arg8[%swap3A_704, %swap3A_705] {strides = array<i32>} : memref<128x128xf32, #tpu.memory_space<vmem>>, vector<1x16xf32>,
      %swap3A_707 = vector.shape_cast %swap3A_706 : vector<1x16xf32> to vector<16xf32>
      %swap3A_708 = vector.shape_cast %get3A_547 : vector<16xf32> to vector<1x16xf32>
      tpu.vector_store %arg8[%swap3A_704, %swap3A_705], %swap3A_708 {add = true, strides = array<i32>} : memref<128x128xf32, #tpu.memory_space<vmem>>, vector<1x16xf32>,
      %add3A_709 = arith.constant 64 : i32
      %add3A_710 = arith.addi %add3A_709, %scan3A_536 : i32
      %swap3A_711 = arith.index_cast %add3A_710 : i32 to index
      %swap3A_712 = arith.constant 32 : index
      %swap3A_713 = tpu.vector_load %arg8[%swap3A_711, %swap3A_712] {strides = array<i32>} : memref<128x128xf32, #tpu.memory_space<vmem>>, vector<1x16xf32>,
      %swap3A_714 = vector.shape_cast %swap3A_713 : vector<1x16xf32> to vector<16xf32>
      %swap3A_715 = vector.shape_cast %get3A_553 : vector<16xf32> to vector<1x16xf32>
      tpu.vector_store %arg8[%swap3A_711, %swap3A_712], %swap3A_715 {add = true, strides = array<i32>} : memref<128x128xf32, #tpu.memory_space<vmem>>, vector<1x16xf32>,
      %add3A_716 = arith.constant 64 : i32
      %add3A_717 = arith.addi %add3A_716, %scan3A_536 : i32
      %swap3A_718 = arith.index_cast %add3A_717 : i32 to index
      %swap3A_719 = arith.constant 48 : index
      %swap3A_720 = tpu.vector_load %arg8[%swap3A_718, %swap3A_719] {strides = array<i32>} : memref<128x128xf32, #tpu.memory_space<vmem>>, vector<1x16xf32>,
      %swap3A_721 = vector.shape_cast %swap3A_720 : vector<1x16xf32> to vector<16xf32>
      %swap3A_722 = vector.shape_cast %get3A_559 : vector<16xf32> to vector<1x16xf32>
      tpu.vector_store %arg8[%swap3A_718, %swap3A_719], %swap3A_722 {add = true, strides = array<i32>} : memref<128x128xf32, #tpu.memory_space<vmem>>, vector<1x16xf32>,
      %add3A_723 = arith.constant 64 : i32
      %add3A_724 = arith.addi %add3A_723, %scan3A_536 : i32
      %swap3A_725 = arith.index_cast %add3A_724 : i32 to index
      %swap3A_726 = arith.constant 64 : index
      %swap3A_727 = tpu.vector_load %arg8[%swap3A_725, %swap3A_726] {strides = array<i32>} : memref<128x128xf32, #tpu.memory_space<vmem>>, vector<1x16xf32>,
      %swap3A_728 = vector.shape_cast %swap3A_727 : vector<1x16xf32> to vector<16xf32>
      %swap3A_729 = vector.shape_cast %get3A_565 : vector<16xf32> to vector<1x16xf32>
      tpu.vector_store %arg8[%swap3A_725, %swap3A_726], %swap3A_729 {add = true, strides = array<i32>} : memref<128x128xf32, #tpu.memory_space<vmem>>, vector<1x16xf32>,
      %add3A_730 = arith.constant 64 : i32
      %add3A_731 = arith.addi %add3A_730, %scan3A_536 : i32
      %swap3A_732 = arith.index_cast %add3A_731 : i32 to index
      %swap3A_733 = arith.constant 80 : index
      %swap3A_734 = tpu.vector_load %arg8[%swap3A_732, %swap3A_733] {strides = array<i32>} : memref<128x128xf32, #tpu.memory_space<vmem>>, vector<1x16xf32>,
      %swap3A_735 = vector.shape_cast %swap3A_734 : vector<1x16xf32> to vector<16xf32>
      %swap3A_736 = vector.shape_cast %get3A_571 : vector<16xf32> to vector<1x16xf32>
      tpu.vector_store %arg8[%swap3A_732, %swap3A_733], %swap3A_736 {add = true, strides = array<i32>} : memref<128x128xf32, #tpu.memory_space<vmem>>, vector<1x16xf32>,
      %add3A_737 = arith.constant 64 : i32
      %add3A_738 = arith.addi %add3A_737, %scan3A_536 : i32
      %swap3A_739 = arith.index_cast %add3A_738 : i32 to index
      %swap3A_740 = arith.constant 96 : index
      %swap3A_741 = tpu.vector_load %arg8[%swap3A_739, %swap3A_740] {strides = array<i32>} : memref<128x128xf32, #tpu.memory_space<vmem>>, vector<1x16xf32>,
      %swap3A_742 = vector.shape_cast %swap3A_741 : vector<1x16xf32> to vector<16xf32>
      %swap3A_743 = vector.shape_cast %get3A_577 : vector<16xf32> to vector<1x16xf32>
      tpu.vector_store %arg8[%swap3A_739, %swap3A_740], %swap3A_743 {add = true, strides = array<i32>} : memref<128x128xf32, #tpu.memory_space<vmem>>, vector<1x16xf32>,
      %add3A_744 = arith.constant 64 : i32
      %add3A_745 = arith.addi %add3A_744, %scan3A_536 : i32
      %swap3A_746 = arith.index_cast %add3A_745 : i32 to index
      %swap3A_747 = arith.constant 112 : index
      %swap3A_748 = tpu.vector_load %arg8[%swap3A_746, %swap3A_747] {strides = array<i32>} : memref<128x128xf32, #tpu.memory_space<vmem>>, vector<1x16xf32>,
      %swap3A_749 = vector.shape_cast %swap3A_748 : vector<1x16xf32> to vector<16xf32>
      %swap3A_750 = vector.shape_cast %get3A_583 : vector<16xf32> to vector<1x16xf32>
      tpu.vector_store %arg8[%swap3A_746, %swap3A_747], %swap3A_750 {add = true, strides = array<i32>} : memref<128x128xf32, #tpu.memory_space<vmem>>, vector<1x16xf32>,
      %add3A_751 = arith.constant 96 : i32
      %add3A_752 = arith.addi %add3A_751, %scan3A_536 : i32
      %swap3A_753 = arith.index_cast %add3A_752 : i32 to index
      %swap3A_754 = arith.constant 0 : index
      %swap3A_755 = tpu.vector_load %arg8[%swap3A_753, %swap3A_754] {strides = array<i32>} : memref<128x128xf32, #tpu.memory_space<vmem>>, vector<1x16xf32>,
      %swap3A_756 = vector.shape_cast %swap3A_755 : vector<1x16xf32> to vector<16xf32>
      %swap3A_757 = vector.shape_cast %get3A_541 : vector<16xf32> to vector<1x16xf32>
      tpu.vector_store %arg8[%swap3A_753, %swap3A_754], %swap3A_757 {add = true, strides = array<i32>} : memref<128x128xf32, #tpu.memory_space<vmem>>, vector<1x16xf32>,
      %add3A_758 = arith.constant 96 : i32
      %add3A_759 = arith.addi %add3A_758, %scan3A_536 : i32
      %swap3A_760 = arith.index_cast %add3A_759 : i32 to index
      %swap3A_761 = arith.constant 16 : index
      %swap3A_762 = tpu.vector_load %arg8[%swap3A_760, %swap3A_761] {strides = array<i32>} : memref<128x128xf32, #tpu.memory_space<vmem>>, vector<1x16xf32>,
      %swap3A_763 = vector.shape_cast %swap3A_762 : vector<1x16xf32> to vector<16xf32>
      %swap3A_764 = vector.shape_cast %get3A_547 : vector<16xf32> to vector<1x16xf32>
      tpu.vector_store %arg8[%swap3A_760, %swap3A_761], %swap3A_764 {add = true, strides = array<i32>} : memref<128x128xf32, #tpu.memory_space<vmem>>, vector<1x16xf32>,
      %add3A_765 = arith.constant 96 : i32
      %add3A_766 = arith.addi %add3A_765, %scan3A_536 : i32
      %swap3A_767 = arith.index_cast %add3A_766 : i32 to index
      %swap3A_768 = arith.constant 32 : index
      %swap3A_769 = tpu.vector_load %arg8[%swap3A_767, %swap3A_768] {strides = array<i32>} : memref<128x128xf32, #tpu.memory_space<vmem>>, vector<1x16xf32>,
      %swap3A_770 = vector.shape_cast %swap3A_769 : vector<1x16xf32> to vector<16xf32>
      %swap3A_771 = vector.shape_cast %get3A_553 : vector<16xf32> to vector<1x16xf32>
      tpu.vector_store %arg8[%swap3A_767, %swap3A_768], %swap3A_771 {add = true, strides = array<i32>} : memref<128x128xf32, #tpu.memory_space<vmem>>, vector<1x16xf32>,
      %add3A_772 = arith.constant 96 : i32
      %add3A_773 = arith.addi %add3A_772, %scan3A_536 : i32
      %swap3A_774 = arith.index_cast %add3A_773 : i32 to index
      %swap3A_775 = arith.constant 48 : index
      %swap3A_776 = tpu.vector_load %arg8[%swap3A_774, %swap3A_775] {strides = array<i32>} : memref<128x128xf32, #tpu.memory_space<vmem>>, vector<1x16xf32>,
      %swap3A_777 = vector.shape_cast %swap3A_776 : vector<1x16xf32> to vector<16xf32>
      %swap3A_778 = vector.shape_cast %get3A_559 : vector<16xf32> to vector<1x16xf32>
      tpu.vector_store %arg8[%swap3A_774, %swap3A_775], %swap3A_778 {add = true, strides = array<i32>} : memref<128x128xf32, #tpu.memory_space<vmem>>, vector<1x16xf32>,
      %add3A_779 = arith.constant 96 : i32
      %add3A_780 = arith.addi %add3A_779, %scan3A_536 : i32
      %swap3A_781 = arith.index_cast %add3A_780 : i32 to index
      %swap3A_782 = arith.constant 64 : index
      %swap3A_783 = tpu.vector_load %arg8[%swap3A_781, %swap3A_782] {strides = array<i32>} : memref<128x128xf32, #tpu.memory_space<vmem>>, vector<1x16xf32>,
      %swap3A_784 = vector.shape_cast %swap3A_783 : vector<1x16xf32> to vector<16xf32>
      %swap3A_785 = vector.shape_cast %get3A_565 : vector<16xf32> to vector<1x16xf32>
      tpu.vector_store %arg8[%swap3A_781, %swap3A_782], %swap3A_785 {add = true, strides = array<i32>} : memref<128x128xf32, #tpu.memory_space<vmem>>, vector<1x16xf32>,
      %add3A_786 = arith.constant 96 : i32
      %add3A_787 = arith.addi %add3A_786, %scan3A_536 : i32
      %swap3A_788 = arith.index_cast %add3A_787 : i32 to index
      %swap3A_789 = arith.constant 80 : index
      %swap3A_790 = tpu.vector_load %arg8[%swap3A_788, %swap3A_789] {strides = array<i32>} : memref<128x128xf32, #tpu.memory_space<vmem>>, vector<1x16xf32>,
      %swap3A_791 = vector.shape_cast %swap3A_790 : vector<1x16xf32> to vector<16xf32>
      %swap3A_792 = vector.shape_cast %get3A_571 : vector<16xf32> to vector<1x16xf32>
      tpu.vector_store %arg8[%swap3A_788, %swap3A_789], %swap3A_792 {add = true, strides = array<i32>} : memref<128x128xf32, #tpu.memory_space<vmem>>, vector<1x16xf32>,
      %add3A_793 = arith.constant 96 : i32
      %add3A_794 = arith.addi %add3A_793, %scan3A_536 : i32
      %swap3A_795 = arith.index_cast %add3A_794 : i32 to index
      %swap3A_796 = arith.constant 96 : index
      %swap3A_797 = tpu.vector_load %arg8[%swap3A_795, %swap3A_796] {strides = array<i32>} : memref<128x128xf32, #tpu.memory_space<vmem>>, vector<1x16xf32>,
      %swap3A_798 = vector.shape_cast %swap3A_797 : vector<1x16xf32> to vector<16xf32>
      %swap3A_799 = vector.shape_cast %get3A_577 : vector<16xf32> to vector<1x16xf32>
      tpu.vector_store %arg8[%swap3A_795, %swap3A_796], %swap3A_799 {add = true, strides = array<i32>} : memref<128x128xf32, #tpu.memory_space<vmem>>, vector<1x16xf32>,
      %add3A_800 = arith.constant 96 : i32
      %add3A_801 = arith.addi %add3A_800, %scan3A_536 : i32
      %swap3A_802 = arith.index_cast %add3A_801 : i32 to index
      %swap3A_803 = arith.constant 112 : index
      %swap3A_804 = tpu.vector_load %arg8[%swap3A_802, %swap3A_803] {strides = array<i32>} : memref<128x128xf32, #tpu.memory_space<vmem>>, vector<1x16xf32>,
      %swap3A_805 = vector.shape_cast %swap3A_804 : vector<1x16xf32> to vector<16xf32>
      %swap3A_806 = vector.shape_cast %get3A_583 : vector<16xf32> to vector<1x16xf32>
      tpu.vector_store %arg8[%swap3A_802, %swap3A_803], %swap3A_806 {add = true, strides = array<i32>} : memref<128x128xf32, #tpu.memory_space<vmem>>, vector<1x16xf32>,
    }
    %scan3A_48 = arith.constant 32 : i32
    %add3A_49 = arith.constant 0 : i32
    %add3A_50 = arith.addi %mul3A_2, %add3A_49 : i32
    %dma_start3A_51 = arith.constant 0 : i32
    %dma_start3A_52 = arith.constant 0 : i32
    %dma_start3A_53 = arith.constant 0 : i32
    %dma_start3A_54 = tpu.memref_slice %arg8[%dma_start3A_52, %dma_start3A_53] : memref<128x128xf32, #tpu.memory_space<vmem>> -> memref<32x128xf32, #tpu.memory_space<vmem>>
    %dma_start3A_55 = arith.constant 0 : i32
    %dma_start3A_56 = tpu.memref_slice %arg5[%dma_start3A_51, %add3A_50, %dma_start3A_55] : memref<4x4096x128xf32, #tpu.memory_space<hbm>> -> memref<1x32x128xf32, #tpu.memory_space<hbm>>
    %dma_start3A_57 = tpu.memref_squeeze %dma_start3A_56 : memref<1x32x128xf32, #tpu.memory_space<hbm>> -> memref<32x128xf32, #tpu.memory_space<hbm>>
    %dma_start3A_58 = arith.constant 0 : i32
    %dma_start3A_59 = tpu.memref_slice %arg5[%dma_start3A_51, %add3A_50, %dma_start3A_58] : memref<4x4096x128xf32, #tpu.memory_space<hbm>> -> memref<1x32x128xf32, #tpu.memory_space<hbm>>
    %dma_start3A_60 = tpu.memref_squeeze %dma_start3A_59 : memref<1x32x128xf32, #tpu.memory_space<hbm>> -> memref<32x128xf32, #tpu.memory_space<hbm>>
    %dma_start3A_61 = arith.constant 0 : i32
    %dma_start3A_62 = arith.constant 0 : i32
    %dma_start3A_63 = tpu.memref_slice %arg8[%dma_start3A_61, %dma_start3A_62] : memref<128x128xf32, #tpu.memory_space<vmem>> -> memref<32x128xf32, #tpu.memory_space<vmem>>
    tpu.enqueue_dma source(%dma_start3A_63 : memref<32x128xf32, #tpu.memory_space<vmem>>) target(%dma_start3A_60 : memref<32x128xf32, #tpu.memory_space<hbm>>) target_semaphore(%arg16 : memref<!tpu.dma_semaphore, #tpu.memory_space<semaphore_mem>>)
    %add3A_64 = arith.constant 0 : i32
    %add3A_65 = arith.addi %mul3A_2, %add3A_64 : i32
    %dma_start3A_66 = arith.constant 1 : i32
    %dma_start3A_67 = arith.constant 32 : i32
    %dma_start3A_68 = arith.constant 0 : i32
    %dma_start3A_69 = tpu.memref_slice %arg8[%dma_start3A_67, %dma_start3A_68] : memref<128x128xf32, #tpu.memory_space<vmem>> -> memref<32x128xf32, #tpu.memory_space<vmem>>
    %dma_start3A_70 = arith.constant 0 : i32
    %dma_start3A_71 = tpu.memref_slice %arg5[%dma_start3A_66, %add3A_65, %dma_start3A_70] : memref<4x4096x128xf32, #tpu.memory_space<hbm>> -> memref<1x32x128xf32, #tpu.memory_space<hbm>>
    %dma_start3A_72 = tpu.memref_squeeze %dma_start3A_71 : memref<1x32x128xf32, #tpu.memory_space<hbm>> -> memref<32x128xf32, #tpu.memory_space<hbm>>
    %dma_start3A_73 = arith.constant 0 : i32
    %dma_start3A_74 = tpu.memref_slice %arg5[%dma_start3A_66, %add3A_65, %dma_start3A_73] : memref<4x4096x128xf32, #tpu.memory_space<hbm>> -> memref<1x32x128xf32, #tpu.memory_space<hbm>>
    %dma_start3A_75 = tpu.memref_squeeze %dma_start3A_74 : memref<1x32x128xf32, #tpu.memory_space<hbm>> -> memref<32x128xf32, #tpu.memory_space<hbm>>
    %dma_start3A_76 = arith.constant 32 : i32
    %dma_start3A_77 = arith.constant 0 : i32
    %dma_start3A_78 = tpu.memref_slice %arg8[%dma_start3A_76, %dma_start3A_77] : memref<128x128xf32, #tpu.memory_space<vmem>> -> memref<32x128xf32, #tpu.memory_space<vmem>>
    tpu.enqueue_dma source(%dma_start3A_78 : memref<32x128xf32, #tpu.memory_space<vmem>>) target(%dma_start3A_75 : memref<32x128xf32, #tpu.memory_space<hbm>>) target_semaphore(%arg16 : memref<!tpu.dma_semaphore, #tpu.memory_space<semaphore_mem>>)
    %add3A_79 = arith.constant 0 : i32
    %add3A_80 = arith.addi %mul3A_2, %add3A_79 : i32
    %dma_start3A_81 = arith.constant 2 : i32
    %dma_start3A_82 = arith.constant 64 : i32
    %dma_start3A_83 = arith.constant 0 : i32
    %dma_start3A_84 = tpu.memref_slice %arg8[%dma_start3A_82, %dma_start3A_83] : memref<128x128xf32, #tpu.memory_space<vmem>> -> memref<32x128xf32, #tpu.memory_space<vmem>>
    %dma_start3A_85 = arith.constant 0 : i32
    %dma_start3A_86 = tpu.memref_slice %arg5[%dma_start3A_81, %add3A_80, %dma_start3A_85] : memref<4x4096x128xf32, #tpu.memory_space<hbm>> -> memref<1x32x128xf32, #tpu.memory_space<hbm>>
    %dma_start3A_87 = tpu.memref_squeeze %dma_start3A_86 : memref<1x32x128xf32, #tpu.memory_space<hbm>> -> memref<32x128xf32, #tpu.memory_space<hbm>>
    %dma_start3A_88 = arith.constant 0 : i32
    %dma_start3A_89 = tpu.memref_slice %arg5[%dma_start3A_81, %add3A_80, %dma_start3A_88] : memref<4x4096x128xf32, #tpu.memory_space<hbm>> -> memref<1x32x128xf32, #tpu.memory_space<hbm>>
    %dma_start3A_90 = tpu.memref_squeeze %dma_start3A_89 : memref<1x32x128xf32, #tpu.memory_space<hbm>> -> memref<32x128xf32, #tpu.memory_space<hbm>>
    %dma_start3A_91 = arith.constant 64 : i32
    %dma_start3A_92 = arith.constant 0 : i32
    %dma_start3A_93 = tpu.memref_slice %arg8[%dma_start3A_91, %dma_start3A_92] : memref<128x128xf32, #tpu.memory_space<vmem>> -> memref<32x128xf32, #tpu.memory_space<vmem>>
    tpu.enqueue_dma source(%dma_start3A_93 : memref<32x128xf32, #tpu.memory_space<vmem>>) target(%dma_start3A_90 : memref<32x128xf32, #tpu.memory_space<hbm>>) target_semaphore(%arg16 : memref<!tpu.dma_semaphore, #tpu.memory_space<semaphore_mem>>)
    %add3A_94 = arith.constant 0 : i32
    %add3A_95 = arith.addi %mul3A_2, %add3A_94 : i32
    %dma_start3A_96 = arith.constant 3 : i32
    %dma_start3A_97 = arith.constant 96 : i32
    %dma_start3A_98 = arith.constant 0 : i32
    %dma_start3A_99 = tpu.memref_slice %arg8[%dma_start3A_97, %dma_start3A_98] : memref<128x128xf32, #tpu.memory_space<vmem>> -> memref<32x128xf32, #tpu.memory_space<vmem>>
    %dma_start3A_100 = arith.constant 0 : i32
    %dma_start3A_101 = tpu.memref_slice %arg5[%dma_start3A_96, %add3A_95, %dma_start3A_100] : memref<4x4096x128xf32, #tpu.memory_space<hbm>> -> memref<1x32x128xf32, #tpu.memory_space<hbm>>
    %dma_start3A_102 = tpu.memref_squeeze %dma_start3A_101 : memref<1x32x128xf32, #tpu.memory_space<hbm>> -> memref<32x128xf32, #tpu.memory_space<hbm>>
    %dma_start3A_103 = arith.constant 0 : i32
    %dma_start3A_104 = tpu.memref_slice %arg5[%dma_start3A_96, %add3A_95, %dma_start3A_103] : memref<4x4096x128xf32, #tpu.memory_space<hbm>> -> memref<1x32x128xf32, #tpu.memory_space<hbm>>
    %dma_start3A_105 = tpu.memref_squeeze %dma_start3A_104 : memref<1x32x128xf32, #tpu.memory_space<hbm>> -> memref<32x128xf32, #tpu.memory_space<hbm>>
    %dma_start3A_106 = arith.constant 96 : i32
    %dma_start3A_107 = arith.constant 0 : i32
    %dma_start3A_108 = tpu.memref_slice %arg8[%dma_start3A_106, %dma_start3A_107] : memref<128x128xf32, #tpu.memory_space<vmem>> -> memref<32x128xf32, #tpu.memory_space<vmem>>
    tpu.enqueue_dma source(%dma_start3A_108 : memref<32x128xf32, #tpu.memory_space<vmem>>) target(%dma_start3A_105 : memref<32x128xf32, #tpu.memory_space<hbm>>) target_semaphore(%arg16 : memref<!tpu.dma_semaphore, #tpu.memory_space<semaphore_mem>>)
    %dma_wait3A_109 = arith.constant 1 : i32
    %dma_wait3A_110 = arith.constant 0 : i32
    %dma_wait3A_111 = tpu.memref_slice %arg6[%dma_wait3A_109, %dma_wait3A_110] : memref<4x128xi32, #tpu.memory_space<vmem>> -> memref<1x128xi32, #tpu.memory_space<vmem>>
    %dma_wait3A_112 = tpu.memref_squeeze %dma_wait3A_111 : memref<1x128xi32, #tpu.memory_space<vmem>> -> memref<128xi32, #tpu.memory_space<vmem>>
    %dma_wait3A_113 = arith.constant 0 : i32
    %dma_wait3A_114 = arith.constant 0 : i32
    %dma_wait3A_115 = tpu.memref_slice %arg4[%dma_wait3A_113, %dma_wait3A_114] : memref<100000x128xf32, #tpu.memory_space<hbm>> -> memref<100000x128xf32, #tpu.memory_space<hbm>>
    tpu.wait_indirect_dma semaphore(%arg13 : memref<!tpu.dma_semaphore, #tpu.memory_space<semaphore_mem>>) src(%dma_wait3A_115 : memref<100000x128xf32, #tpu.memory_space<hbm>>) dst(%arg9 : memref<128x128xf32, #tpu.memory_space<vmem>>)
    %scan3A_116 = arith.constant 0 : i32
    %scan3A_117 = arith.constant 0 : i32
    %scan3A_118 = arith.constant 32 : i32
    %scan3A_119 = arith.addi %scan3A_117, %scan3A_118 : i32
    %scan3A_120 = arith.constant 1 : i32
    scf.for %scan3A_536 = %scan3A_117 to %scan3A_119 step %scan3A_120  : i32 {
      %add3A_537 = arith.constant 32 : i32
      %add3A_538 = arith.addi %add3A_537, %scan3A_536 : i32
      %get3A = arith.index_cast %add3A_538 : i32 to index
      %get3A_539 = arith.constant 0 : index
      %get3A_540 = tpu.vector_load %arg7[%get3A, %get3A_539] {strides = array<i32>} : memref<128x128xf32, #tpu.memory_space<vmem>>, vector<1x16xf32>,
      %get3A_541 = vector.shape_cast %get3A_540 : vector<1x16xf32> to vector<16xf32>
      %add3A_542 = arith.constant 32 : i32
      %add3A_543 = arith.addi %add3A_542, %scan3A_536 : i32
      %get3A_544 = arith.index_cast %add3A_543 : i32 to index
      %get3A_545 = arith.constant 16 : index
      %get3A_546 = tpu.vector_load %arg7[%get3A_544, %get3A_545] {strides = array<i32>} : memref<128x128xf32, #tpu.memory_space<vmem>>, vector<1x16xf32>,
      %get3A_547 = vector.shape_cast %get3A_546 : vector<1x16xf32> to vector<16xf32>
      %add3A_548 = arith.constant 32 : i32
      %add3A_549 = arith.addi %add3A_548, %scan3A_536 : i32
      %get3A_550 = arith.index_cast %add3A_549 : i32 to index
      %get3A_551 = arith.constant 32 : index
      %get3A_552 = tpu.vector_load %arg7[%get3A_550, %get3A_551] {strides = array<i32>} : memref<128x128xf32, #tpu.memory_space<vmem>>, vector<1x16xf32>,
      %get3A_553 = vector.shape_cast %get3A_552 : vector<1x16xf32> to vector<16xf32>
      %add3A_554 = arith.constant 32 : i32
      %add3A_555 = arith.addi %add3A_554, %scan3A_536 : i32
      %get3A_556 = arith.index_cast %add3A_555 : i32 to index
      %get3A_557 = arith.constant 48 : index
      %get3A_558 = tpu.vector_load %arg7[%get3A_556, %get3A_557] {strides = array<i32>} : memref<128x128xf32, #tpu.memory_space<vmem>>, vector<1x16xf32>,
      %get3A_559 = vector.shape_cast %get3A_558 : vector<1x16xf32> to vector<16xf32>
      %add3A_560 = arith.constant 32 : i32
      %add3A_561 = arith.addi %add3A_560, %scan3A_536 : i32
      %get3A_562 = arith.index_cast %add3A_561 : i32 to index
      %get3A_563 = arith.constant 64 : index
      %get3A_564 = tpu.vector_load %arg7[%get3A_562, %get3A_563] {strides = array<i32>} : memref<128x128xf32, #tpu.memory_space<vmem>>, vector<1x16xf32>,
      %get3A_565 = vector.shape_cast %get3A_564 : vector<1x16xf32> to vector<16xf32>
      %add3A_566 = arith.constant 32 : i32
      %add3A_567 = arith.addi %add3A_566, %scan3A_536 : i32
      %get3A_568 = arith.index_cast %add3A_567 : i32 to index
      %get3A_569 = arith.constant 80 : index
      %get3A_570 = tpu.vector_load %arg7[%get3A_568, %get3A_569] {strides = array<i32>} : memref<128x128xf32, #tpu.memory_space<vmem>>, vector<1x16xf32>,
      %get3A_571 = vector.shape_cast %get3A_570 : vector<1x16xf32> to vector<16xf32>
      %add3A_572 = arith.constant 32 : i32
      %add3A_573 = arith.addi %add3A_572, %scan3A_536 : i32
      %get3A_574 = arith.index_cast %add3A_573 : i32 to index
      %get3A_575 = arith.constant 96 : index
      %get3A_576 = tpu.vector_load %arg7[%get3A_574, %get3A_575] {strides = array<i32>} : memref<128x128xf32, #tpu.memory_space<vmem>>, vector<1x16xf32>,
      %get3A_577 = vector.shape_cast %get3A_576 : vector<1x16xf32> to vector<16xf32>
      %add3A_578 = arith.constant 32 : i32
      %add3A_579 = arith.addi %add3A_578, %scan3A_536 : i32
      %get3A_580 = arith.index_cast %add3A_579 : i32 to index
      %get3A_581 = arith.constant 112 : index
      %get3A_582 = tpu.vector_load %arg7[%get3A_580, %get3A_581] {strides = array<i32>} : memref<128x128xf32, #tpu.memory_space<vmem>>, vector<1x16xf32>,
      %get3A_583 = vector.shape_cast %get3A_582 : vector<1x16xf32> to vector<16xf32>
      %add3A_584 = arith.constant 0 : i32
      %add3A_585 = arith.addi %add3A_584, %scan3A_536 : i32
      %swap3A = arith.index_cast %add3A_585 : i32 to index
      %swap3A_586 = arith.constant 0 : index
      %swap3A_587 = tpu.vector_load %arg9[%swap3A, %swap3A_586] {strides = array<i32>} : memref<128x128xf32, #tpu.memory_space<vmem>>, vector<1x16xf32>,
      %swap3A_588 = vector.shape_cast %swap3A_587 : vector<1x16xf32> to vector<16xf32>
      %swap3A_589 = vector.shape_cast %get3A_541 : vector<16xf32> to vector<1x16xf32>
      tpu.vector_store %arg9[%swap3A, %swap3A_586], %swap3A_589 {add = true, strides = array<i32>} : memref<128x128xf32, #tpu.memory_space<vmem>>, vector<1x16xf32>,
      %add3A_590 = arith.constant 0 : i32
      %add3A_591 = arith.addi %add3A_590, %scan3A_536 : i32
      %swap3A_592 = arith.index_cast %add3A_591 : i32 to index
      %swap3A_593 = arith.constant 16 : index
      %swap3A_594 = tpu.vector_load %arg9[%swap3A_592, %swap3A_593] {strides = array<i32>} : memref<128x128xf32, #tpu.memory_space<vmem>>, vector<1x16xf32>,
      %swap3A_595 = vector.shape_cast %swap3A_594 : vector<1x16xf32> to vector<16xf32>
      %swap3A_596 = vector.shape_cast %get3A_547 : vector<16xf32> to vector<1x16xf32>
      tpu.vector_store %arg9[%swap3A_592, %swap3A_593], %swap3A_596 {add = true, strides = array<i32>} : memref<128x128xf32, #tpu.memory_space<vmem>>, vector<1x16xf32>,
      %add3A_597 = arith.constant 0 : i32
      %add3A_598 = arith.addi %add3A_597, %scan3A_536 : i32
      %swap3A_599 = arith.index_cast %add3A_598 : i32 to index
      %swap3A_600 = arith.constant 32 : index
      %swap3A_601 = tpu.vector_load %arg9[%swap3A_599, %swap3A_600] {strides = array<i32>} : memref<128x128xf32, #tpu.memory_space<vmem>>, vector<1x16xf32>,
      %swap3A_602 = vector.shape_cast %swap3A_601 : vector<1x16xf32> to vector<16xf32>
      %swap3A_603 = vector.shape_cast %get3A_553 : vector<16xf32> to vector<1x16xf32>
      tpu.vector_store %arg9[%swap3A_599, %swap3A_600], %swap3A_603 {add = true, strides = array<i32>} : memref<128x128xf32, #tpu.memory_space<vmem>>, vector<1x16xf32>,
      %add3A_604 = arith.constant 0 : i32
      %add3A_605 = arith.addi %add3A_604, %scan3A_536 : i32
      %swap3A_606 = arith.index_cast %add3A_605 : i32 to index
      %swap3A_607 = arith.constant 48 : index
      %swap3A_608 = tpu.vector_load %arg9[%swap3A_606, %swap3A_607] {strides = array<i32>} : memref<128x128xf32, #tpu.memory_space<vmem>>, vector<1x16xf32>,
      %swap3A_609 = vector.shape_cast %swap3A_608 : vector<1x16xf32> to vector<16xf32>
      %swap3A_610 = vector.shape_cast %get3A_559 : vector<16xf32> to vector<1x16xf32>
      tpu.vector_store %arg9[%swap3A_606, %swap3A_607], %swap3A_610 {add = true, strides = array<i32>} : memref<128x128xf32, #tpu.memory_space<vmem>>, vector<1x16xf32>,
      %add3A_611 = arith.constant 0 : i32
      %add3A_612 = arith.addi %add3A_611, %scan3A_536 : i32
      %swap3A_613 = arith.index_cast %add3A_612 : i32 to index
      %swap3A_614 = arith.constant 64 : index
      %swap3A_615 = tpu.vector_load %arg9[%swap3A_613, %swap3A_614] {strides = array<i32>} : memref<128x128xf32, #tpu.memory_space<vmem>>, vector<1x16xf32>,
      %swap3A_616 = vector.shape_cast %swap3A_615 : vector<1x16xf32> to vector<16xf32>
      %swap3A_617 = vector.shape_cast %get3A_565 : vector<16xf32> to vector<1x16xf32>
      tpu.vector_store %arg9[%swap3A_613, %swap3A_614], %swap3A_617 {add = true, strides = array<i32>} : memref<128x128xf32, #tpu.memory_space<vmem>>, vector<1x16xf32>,
      %add3A_618 = arith.constant 0 : i32
      %add3A_619 = arith.addi %add3A_618, %scan3A_536 : i32
      %swap3A_620 = arith.index_cast %add3A_619 : i32 to index
      %swap3A_621 = arith.constant 80 : index
      %swap3A_622 = tpu.vector_load %arg9[%swap3A_620, %swap3A_621] {strides = array<i32>} : memref<128x128xf32, #tpu.memory_space<vmem>>, vector<1x16xf32>,
      %swap3A_623 = vector.shape_cast %swap3A_622 : vector<1x16xf32> to vector<16xf32>
      %swap3A_624 = vector.shape_cast %get3A_571 : vector<16xf32> to vector<1x16xf32>
      tpu.vector_store %arg9[%swap3A_620, %swap3A_621], %swap3A_624 {add = true, strides = array<i32>} : memref<128x128xf32, #tpu.memory_space<vmem>>, vector<1x16xf32>,
      %add3A_625 = arith.constant 0 : i32
      %add3A_626 = arith.addi %add3A_625, %scan3A_536 : i32
      %swap3A_627 = arith.index_cast %add3A_626 : i32 to index
      %swap3A_628 = arith.constant 96 : index
      %swap3A_629 = tpu.vector_load %arg9[%swap3A_627, %swap3A_628] {strides = array<i32>} : memref<128x128xf32, #tpu.memory_space<vmem>>, vector<1x16xf32>,
      %swap3A_630 = vector.shape_cast %swap3A_629 : vector<1x16xf32> to vector<16xf32>
      %swap3A_631 = vector.shape_cast %get3A_577 : vector<16xf32> to vector<1x16xf32>
      tpu.vector_store %arg9[%swap3A_627, %swap3A_628], %swap3A_631 {add = true, strides = array<i32>} : memref<128x128xf32, #tpu.memory_space<vmem>>, vector<1x16xf32>,
      %add3A_632 = arith.constant 0 : i32
      %add3A_633 = arith.addi %add3A_632, %scan3A_536 : i32
      %swap3A_634 = arith.index_cast %add3A_633 : i32 to index
      %swap3A_635 = arith.constant 112 : index
      %swap3A_636 = tpu.vector_load %arg9[%swap3A_634, %swap3A_635] {strides = array<i32>} : memref<128x128xf32, #tpu.memory_space<vmem>>, vector<1x16xf32>,
      %swap3A_637 = vector.shape_cast %swap3A_636 : vector<1x16xf32> to vector<16xf32>
      %swap3A_638 = vector.shape_cast %get3A_583 : vector<16xf32> to vector<1x16xf32>
      tpu.vector_store %arg9[%swap3A_634, %swap3A_635], %swap3A_638 {add = true, strides = array<i32>} : memref<128x128xf32, #tpu.memory_space<vmem>>, vector<1x16xf32>,
      %add3A_639 = arith.constant 32 : i32
      %add3A_640 = arith.addi %add3A_639, %scan3A_536 : i32
      %swap3A_641 = arith.index_cast %add3A_640 : i32 to index
      %swap3A_642 = arith.constant 0 : index
      %swap3A_643 = tpu.vector_load %arg9[%swap3A_641, %swap3A_642] {strides = array<i32>} : memref<128x128xf32, #tpu.memory_space<vmem>>, vector<1x16xf32>,
      %swap3A_644 = vector.shape_cast %swap3A_643 : vector<1x16xf32> to vector<16xf32>
      %swap3A_645 = vector.shape_cast %get3A_541 : vector<16xf32> to vector<1x16xf32>
      tpu.vector_store %arg9[%swap3A_641, %swap3A_642], %swap3A_645 {add = true, strides = array<i32>} : memref<128x128xf32, #tpu.memory_space<vmem>>, vector<1x16xf32>,
      %add3A_646 = arith.constant 32 : i32
      %add3A_647 = arith.addi %add3A_646, %scan3A_536 : i32
      %swap3A_648 = arith.index_cast %add3A_647 : i32 to index
      %swap3A_649 = arith.constant 16 : index
      %swap3A_650 = tpu.vector_load %arg9[%swap3A_648, %swap3A_649] {strides = array<i32>} : memref<128x128xf32, #tpu.memory_space<vmem>>, vector<1x16xf32>,
      %swap3A_651 = vector.shape_cast %swap3A_650 : vector<1x16xf32> to vector<16xf32>
      %swap3A_652 = vector.shape_cast %get3A_547 : vector<16xf32> to vector<1x16xf32>
      tpu.vector_store %arg9[%swap3A_648, %swap3A_649], %swap3A_652 {add = true, strides = array<i32>} : memref<128x128xf32, #tpu.memory_space<vmem>>, vector<1x16xf32>,
      %add3A_653 = arith.constant 32 : i32
      %add3A_654 = arith.addi %add3A_653, %scan3A_536 : i32
      %swap3A_655 = arith.index_cast %add3A_654 : i32 to index
      %swap3A_656 = arith.constant 32 : index
      %swap3A_657 = tpu.vector_load %arg9[%swap3A_655, %swap3A_656] {strides = array<i32>} : memref<128x128xf32, #tpu.memory_space<vmem>>, vector<1x16xf32>,
      %swap3A_658 = vector.shape_cast %swap3A_657 : vector<1x16xf32> to vector<16xf32>
      %swap3A_659 = vector.shape_cast %get3A_553 : vector<16xf32> to vector<1x16xf32>
      tpu.vector_store %arg9[%swap3A_655, %swap3A_656], %swap3A_659 {add = true, strides = array<i32>} : memref<128x128xf32, #tpu.memory_space<vmem>>, vector<1x16xf32>,
      %add3A_660 = arith.constant 32 : i32
      %add3A_661 = arith.addi %add3A_660, %scan3A_536 : i32
      %swap3A_662 = arith.index_cast %add3A_661 : i32 to index
      %swap3A_663 = arith.constant 48 : index
      %swap3A_664 = tpu.vector_load %arg9[%swap3A_662, %swap3A_663] {strides = array<i32>} : memref<128x128xf32, #tpu.memory_space<vmem>>, vector<1x16xf32>,
      %swap3A_665 = vector.shape_cast %swap3A_664 : vector<1x16xf32> to vector<16xf32>
      %swap3A_666 = vector.shape_cast %get3A_559 : vector<16xf32> to vector<1x16xf32>
      tpu.vector_store %arg9[%swap3A_662, %swap3A_663], %swap3A_666 {add = true, strides = array<i32>} : memref<128x128xf32, #tpu.memory_space<vmem>>, vector<1x16xf32>,
      %add3A_667 = arith.constant 32 : i32
      %add3A_668 = arith.addi %add3A_667, %scan3A_536 : i32
      %swap3A_669 = arith.index_cast %add3A_668 : i32 to index
      %swap3A_670 = arith.constant 64 : index
      %swap3A_671 = tpu.vector_load %arg9[%swap3A_669, %swap3A_670] {strides = array<i32>} : memref<128x128xf32, #tpu.memory_space<vmem>>, vector<1x16xf32>,
      %swap3A_672 = vector.shape_cast %swap3A_671 : vector<1x16xf32> to vector<16xf32>
      %swap3A_673 = vector.shape_cast %get3A_565 : vector<16xf32> to vector<1x16xf32>
      tpu.vector_store %arg9[%swap3A_669, %swap3A_670], %swap3A_673 {add = true, strides = array<i32>} : memref<128x128xf32, #tpu.memory_space<vmem>>, vector<1x16xf32>,
      %add3A_674 = arith.constant 32 : i32
      %add3A_675 = arith.addi %add3A_674, %scan3A_536 : i32
      %swap3A_676 = arith.index_cast %add3A_675 : i32 to index
      %swap3A_677 = arith.constant 80 : index
      %swap3A_678 = tpu.vector_load %arg9[%swap3A_676, %swap3A_677] {strides = array<i32>} : memref<128x128xf32, #tpu.memory_space<vmem>>, vector<1x16xf32>,
      %swap3A_679 = vector.shape_cast %swap3A_678 : vector<1x16xf32> to vector<16xf32>
      %swap3A_680 = vector.shape_cast %get3A_571 : vector<16xf32> to vector<1x16xf32>
      tpu.vector_store %arg9[%swap3A_676, %swap3A_677], %swap3A_680 {add = true, strides = array<i32>} : memref<128x128xf32, #tpu.memory_space<vmem>>, vector<1x16xf32>,
      %add3A_681 = arith.constant 32 : i32
      %add3A_682 = arith.addi %add3A_681, %scan3A_536 : i32
      %swap3A_683 = arith.index_cast %add3A_682 : i32 to index
      %swap3A_684 = arith.constant 96 : index
      %swap3A_685 = tpu.vector_load %arg9[%swap3A_683, %swap3A_684] {strides = array<i32>} : memref<128x128xf32, #tpu.memory_space<vmem>>, vector<1x16xf32>,
      %swap3A_686 = vector.shape_cast %swap3A_685 : vector<1x16xf32> to vector<16xf32>
      %swap3A_687 = vector.shape_cast %get3A_577 : vector<16xf32> to vector<1x16xf32>
      tpu.vector_store %arg9[%swap3A_683, %swap3A_684], %swap3A_687 {add = true, strides = array<i32>} : memref<128x128xf32, #tpu.memory_space<vmem>>, vector<1x16xf32>,
      %add3A_688 = arith.constant 32 : i32
      %add3A_689 = arith.addi %add3A_688, %scan3A_536 : i32
      %swap3A_690 = arith.index_cast %add3A_689 : i32 to index
      %swap3A_691 = arith.constant 112 : index
      %swap3A_692 = tpu.vector_load %arg9[%swap3A_690, %swap3A_691] {strides = array<i32>} : memref<128x128xf32, #tpu.memory_space<vmem>>, vector<1x16xf32>,
      %swap3A_693 = vector.shape_cast %swap3A_692 : vector<1x16xf32> to vector<16xf32>
      %swap3A_694 = vector.shape_cast %get3A_583 : vector<16xf32> to vector<1x16xf32>
      tpu.vector_store %arg9[%swap3A_690, %swap3A_691], %swap3A_694 {add = true, strides = array<i32>} : memref<128x128xf32, #tpu.memory_space<vmem>>, vector<1x16xf32>,
      %add3A_695 = arith.constant 64 : i32
      %add3A_696 = arith.addi %add3A_695, %scan3A_536 : i32
      %swap3A_697 = arith.index_cast %add3A_696 : i32 to index
      %swap3A_698 = arith.constant 0 : index
      %swap3A_699 = tpu.vector_load %arg9[%swap3A_697, %swap3A_698] {strides = array<i32>} : memref<128x128xf32, #tpu.memory_space<vmem>>, vector<1x16xf32>,
      %swap3A_700 = vector.shape_cast %swap3A_699 : vector<1x16xf32> to vector<16xf32>
      %swap3A_701 = vector.shape_cast %get3A_541 : vector<16xf32> to vector<1x16xf32>
      tpu.vector_store %arg9[%swap3A_697, %swap3A_698], %swap3A_701 {add = true, strides = array<i32>} : memref<128x128xf32, #tpu.memory_space<vmem>>, vector<1x16xf32>,
      %add3A_702 = arith.constant 64 : i32
      %add3A_703 = arith.addi %add3A_702, %scan3A_536 : i32
      %swap3A_704 = arith.index_cast %add3A_703 : i32 to index
      %swap3A_705 = arith.constant 16 : index
      %swap3A_706 = tpu.vector_load %arg9[%swap3A_704, %swap3A_705] {strides = array<i32>} : memref<128x128xf32, #tpu.memory_space<vmem>>, vector<1x16xf32>,
      %swap3A_707 = vector.shape_cast %swap3A_706 : vector<1x16xf32> to vector<16xf32>
      %swap3A_708 = vector.shape_cast %get3A_547 : vector<16xf32> to vector<1x16xf32>
      tpu.vector_store %arg9[%swap3A_704, %swap3A_705], %swap3A_708 {add = true, strides = array<i32>} : memref<128x128xf32, #tpu.memory_space<vmem>>, vector<1x16xf32>,
      %add3A_709 = arith.constant 64 : i32
      %add3A_710 = arith.addi %add3A_709, %scan3A_536 : i32
      %swap3A_711 = arith.index_cast %add3A_710 : i32 to index
      %swap3A_712 = arith.constant 32 : index
      %swap3A_713 = tpu.vector_load %arg9[%swap3A_711, %swap3A_712] {strides = array<i32>} : memref<128x128xf32, #tpu.memory_space<vmem>>, vector<1x16xf32>,
      %swap3A_714 = vector.shape_cast %swap3A_713 : vector<1x16xf32> to vector<16xf32>
      %swap3A_715 = vector.shape_cast %get3A_553 : vector<16xf32> to vector<1x16xf32>
      tpu.vector_store %arg9[%swap3A_711, %swap3A_712], %swap3A_715 {add = true, strides = array<i32>} : memref<128x128xf32, #tpu.memory_space<vmem>>, vector<1x16xf32>,
      %add3A_716 = arith.constant 64 : i32
      %add3A_717 = arith.addi %add3A_716, %scan3A_536 : i32
      %swap3A_718 = arith.index_cast %add3A_717 : i32 to index
      %swap3A_719 = arith.constant 48 : index
      %swap3A_720 = tpu.vector_load %arg9[%swap3A_718, %swap3A_719] {strides = array<i32>} : memref<128x128xf32, #tpu.memory_space<vmem>>, vector<1x16xf32>,
      %swap3A_721 = vector.shape_cast %swap3A_720 : vector<1x16xf32> to vector<16xf32>
      %swap3A_722 = vector.shape_cast %get3A_559 : vector<16xf32> to vector<1x16xf32>
      tpu.vector_store %arg9[%swap3A_718, %swap3A_719], %swap3A_722 {add = true, strides = array<i32>} : memref<128x128xf32, #tpu.memory_space<vmem>>, vector<1x16xf32>,
      %add3A_723 = arith.constant 64 : i32
      %add3A_724 = arith.addi %add3A_723, %scan3A_536 : i32
      %swap3A_725 = arith.index_cast %add3A_724 : i32 to index
      %swap3A_726 = arith.constant 64 : index
      %swap3A_727 = tpu.vector_load %arg9[%swap3A_725, %swap3A_726] {strides = array<i32>} : memref<128x128xf32, #tpu.memory_space<vmem>>, vector<1x16xf32>,
      %swap3A_728 = vector.shape_cast %swap3A_727 : vector<1x16xf32> to vector<16xf32>
      %swap3A_729 = vector.shape_cast %get3A_565 : vector<16xf32> to vector<1x16xf32>
      tpu.vector_store %arg9[%swap3A_725, %swap3A_726], %swap3A_729 {add = true, strides = array<i32>} : memref<128x128xf32, #tpu.memory_space<vmem>>, vector<1x16xf32>,
      %add3A_730 = arith.constant 64 : i32
      %add3A_731 = arith.addi %add3A_730, %scan3A_536 : i32
      %swap3A_732 = arith.index_cast %add3A_731 : i32 to index
      %swap3A_733 = arith.constant 80 : index
      %swap3A_734 = tpu.vector_load %arg9[%swap3A_732, %swap3A_733] {strides = array<i32>} : memref<128x128xf32, #tpu.memory_space<vmem>>, vector<1x16xf32>,
      %swap3A_735 = vector.shape_cast %swap3A_734 : vector<1x16xf32> to vector<16xf32>
      %swap3A_736 = vector.shape_cast %get3A_571 : vector<16xf32> to vector<1x16xf32>
      tpu.vector_store %arg9[%swap3A_732, %swap3A_733], %swap3A_736 {add = true, strides = array<i32>} : memref<128x128xf32, #tpu.memory_space<vmem>>, vector<1x16xf32>,
      %add3A_737 = arith.constant 64 : i32
      %add3A_738 = arith.addi %add3A_737, %scan3A_536 : i32
      %swap3A_739 = arith.index_cast %add3A_738 : i32 to index
      %swap3A_740 = arith.constant 96 : index
      %swap3A_741 = tpu.vector_load %arg9[%swap3A_739, %swap3A_740] {strides = array<i32>} : memref<128x128xf32, #tpu.memory_space<vmem>>, vector<1x16xf32>,
      %swap3A_742 = vector.shape_cast %swap3A_741 : vector<1x16xf32> to vector<16xf32>
      %swap3A_743 = vector.shape_cast %get3A_577 : vector<16xf32> to vector<1x16xf32>
      tpu.vector_store %arg9[%swap3A_739, %swap3A_740], %swap3A_743 {add = true, strides = array<i32>} : memref<128x128xf32, #tpu.memory_space<vmem>>, vector<1x16xf32>,
      %add3A_744 = arith.constant 64 : i32
      %add3A_745 = arith.addi %add3A_744, %scan3A_536 : i32
      %swap3A_746 = arith.index_cast %add3A_745 : i32 to index
      %swap3A_747 = arith.constant 112 : index
      %swap3A_748 = tpu.vector_load %arg9[%swap3A_746, %swap3A_747] {strides = array<i32>} : memref<128x128xf32, #tpu.memory_space<vmem>>, vector<1x16xf32>,
      %swap3A_749 = vector.shape_cast %swap3A_748 : vector<1x16xf32> to vector<16xf32>
      %swap3A_750 = vector.shape_cast %get3A_583 : vector<16xf32> to vector<1x16xf32>
      tpu.vector_store %arg9[%swap3A_746, %swap3A_747], %swap3A_750 {add = true, strides = array<i32>} : memref<128x128xf32, #tpu.memory_space<vmem>>, vector<1x16xf32>,
      %add3A_751 = arith.constant 96 : i32
      %add3A_752 = arith.addi %add3A_751, %scan3A_536 : i32
      %swap3A_753 = arith.index_cast %add3A_752 : i32 to index
      %swap3A_754 = arith.constant 0 : index
      %swap3A_755 = tpu.vector_load %arg9[%swap3A_753, %swap3A_754] {strides = array<i32>} : memref<128x128xf32, #tpu.memory_space<vmem>>, vector<1x16xf32>,
      %swap3A_756 = vector.shape_cast %swap3A_755 : vector<1x16xf32> to vector<16xf32>
      %swap3A_757 = vector.shape_cast %get3A_541 : vector<16xf32> to vector<1x16xf32>
      tpu.vector_store %arg9[%swap3A_753, %swap3A_754], %swap3A_757 {add = true, strides = array<i32>} : memref<128x128xf32, #tpu.memory_space<vmem>>, vector<1x16xf32>,
      %add3A_758 = arith.constant 96 : i32
      %add3A_759 = arith.addi %add3A_758, %scan3A_536 : i32
      %swap3A_760 = arith.index_cast %add3A_759 : i32 to index
      %swap3A_761 = arith.constant 16 : index
      %swap3A_762 = tpu.vector_load %arg9[%swap3A_760, %swap3A_761] {strides = array<i32>} : memref<128x128xf32, #tpu.memory_space<vmem>>, vector<1x16xf32>,
      %swap3A_763 = vector.shape_cast %swap3A_762 : vector<1x16xf32> to vector<16xf32>
      %swap3A_764 = vector.shape_cast %get3A_547 : vector<16xf32> to vector<1x16xf32>
      tpu.vector_store %arg9[%swap3A_760, %swap3A_761], %swap3A_764 {add = true, strides = array<i32>} : memref<128x128xf32, #tpu.memory_space<vmem>>, vector<1x16xf32>,
      %add3A_765 = arith.constant 96 : i32
      %add3A_766 = arith.addi %add3A_765, %scan3A_536 : i32
      %swap3A_767 = arith.index_cast %add3A_766 : i32 to index
      %swap3A_768 = arith.constant 32 : index
      %swap3A_769 = tpu.vector_load %arg9[%swap3A_767, %swap3A_768] {strides = array<i32>} : memref<128x128xf32, #tpu.memory_space<vmem>>, vector<1x16xf32>,
      %swap3A_770 = vector.shape_cast %swap3A_769 : vector<1x16xf32> to vector<16xf32>
      %swap3A_771 = vector.shape_cast %get3A_553 : vector<16xf32> to vector<1x16xf32>
      tpu.vector_store %arg9[%swap3A_767, %swap3A_768], %swap3A_771 {add = true, strides = array<i32>} : memref<128x128xf32, #tpu.memory_space<vmem>>, vector<1x16xf32>,
      %add3A_772 = arith.constant 96 : i32
      %add3A_773 = arith.addi %add3A_772, %scan3A_536 : i32
      %swap3A_774 = arith.index_cast %add3A_773 : i32 to index
      %swap3A_775 = arith.constant 48 : index
      %swap3A_776 = tpu.vector_load %arg9[%swap3A_774, %swap3A_775] {strides = array<i32>} : memref<128x128xf32, #tpu.memory_space<vmem>>, vector<1x16xf32>,
      %swap3A_777 = vector.shape_cast %swap3A_776 : vector<1x16xf32> to vector<16xf32>
      %swap3A_778 = vector.shape_cast %get3A_559 : vector<16xf32> to vector<1x16xf32>
      tpu.vector_store %arg9[%swap3A_774, %swap3A_775], %swap3A_778 {add = true, strides = array<i32>} : memref<128x128xf32, #tpu.memory_space<vmem>>, vector<1x16xf32>,
      %add3A_779 = arith.constant 96 : i32
      %add3A_780 = arith.addi %add3A_779, %scan3A_536 : i32
      %swap3A_781 = arith.index_cast %add3A_780 : i32 to index
      %swap3A_782 = arith.constant 64 : index
      %swap3A_783 = tpu.vector_load %arg9[%swap3A_781, %swap3A_782] {strides = array<i32>} : memref<128x128xf32, #tpu.memory_space<vmem>>, vector<1x16xf32>,
      %swap3A_784 = vector.shape_cast %swap3A_783 : vector<1x16xf32> to vector<16xf32>
      %swap3A_785 = vector.shape_cast %get3A_565 : vector<16xf32> to vector<1x16xf32>
      tpu.vector_store %arg9[%swap3A_781, %swap3A_782], %swap3A_785 {add = true, strides = array<i32>} : memref<128x128xf32, #tpu.memory_space<vmem>>, vector<1x16xf32>,
      %add3A_786 = arith.constant 96 : i32
      %add3A_787 = arith.addi %add3A_786, %scan3A_536 : i32
      %swap3A_788 = arith.index_cast %add3A_787 : i32 to index
      %swap3A_789 = arith.constant 80 : index
      %swap3A_790 = tpu.vector_load %arg9[%swap3A_788, %swap3A_789] {strides = array<i32>} : memref<128x128xf32, #tpu.memory_space<vmem>>, vector<1x16xf32>,
      %swap3A_791 = vector.shape_cast %swap3A_790 : vector<1x16xf32> to vector<16xf32>
      %swap3A_792 = vector.shape_cast %get3A_571 : vector<16xf32> to vector<1x16xf32>
      tpu.vector_store %arg9[%swap3A_788, %swap3A_789], %swap3A_792 {add = true, strides = array<i32>} : memref<128x128xf32, #tpu.memory_space<vmem>>, vector<1x16xf32>,
      %add3A_793 = arith.constant 96 : i32
      %add3A_794 = arith.addi %add3A_793, %scan3A_536 : i32
      %swap3A_795 = arith.index_cast %add3A_794 : i32 to index
      %swap3A_796 = arith.constant 96 : index
      %swap3A_797 = tpu.vector_load %arg9[%swap3A_795, %swap3A_796] {strides = array<i32>} : memref<128x128xf32, #tpu.memory_space<vmem>>, vector<1x16xf32>,
      %swap3A_798 = vector.shape_cast %swap3A_797 : vector<1x16xf32> to vector<16xf32>
      %swap3A_799 = vector.shape_cast %get3A_577 : vector<16xf32> to vector<1x16xf32>
      tpu.vector_store %arg9[%swap3A_795, %swap3A_796], %swap3A_799 {add = true, strides = array<i32>} : memref<128x128xf32, #tpu.memory_space<vmem>>, vector<1x16xf32>,
      %add3A_800 = arith.constant 96 : i32
      %add3A_801 = arith.addi %add3A_800, %scan3A_536 : i32
      %swap3A_802 = arith.index_cast %add3A_801 : i32 to index
      %swap3A_803 = arith.constant 112 : index
      %swap3A_804 = tpu.vector_load %arg9[%swap3A_802, %swap3A_803] {strides = array<i32>} : memref<128x128xf32, #tpu.memory_space<vmem>>, vector<1x16xf32>,
      %swap3A_805 = vector.shape_cast %swap3A_804 : vector<1x16xf32> to vector<16xf32>
      %swap3A_806 = vector.shape_cast %get3A_583 : vector<16xf32> to vector<1x16xf32>
      tpu.vector_store %arg9[%swap3A_802, %swap3A_803], %swap3A_806 {add = true, strides = array<i32>} : memref<128x128xf32, #tpu.memory_space<vmem>>, vector<1x16xf32>,
    }
    %scan3A_121 = arith.constant 32 : i32
    %add3A_122 = arith.constant 32 : i32
    %add3A_123 = arith.addi %mul3A_2, %add3A_122 : i32
    %dma_start3A_124 = arith.constant 0 : i32
    %dma_start3A_125 = arith.constant 0 : i32
    %dma_start3A_126 = arith.constant 0 : i32
    %dma_start3A_127 = tpu.memref_slice %arg9[%dma_start3A_125, %dma_start3A_126] : memref<128x128xf32, #tpu.memory_space<vmem>> -> memref<32x128xf32, #tpu.memory_space<vmem>>
    %dma_start3A_128 = arith.constant 0 : i32
    %dma_start3A_129 = tpu.memref_slice %arg5[%dma_start3A_124, %add3A_123, %dma_start3A_128] : memref<4x4096x128xf32, #tpu.memory_space<hbm>> -> memref<1x32x128xf32, #tpu.memory_space<hbm>>
    %dma_start3A_130 = tpu.memref_squeeze %dma_start3A_129 : memref<1x32x128xf32, #tpu.memory_space<hbm>> -> memref<32x128xf32, #tpu.memory_space<hbm>>
    %dma_start3A_131 = arith.constant 0 : i32
    %dma_start3A_132 = tpu.memref_slice %arg5[%dma_start3A_124, %add3A_123, %dma_start3A_131] : memref<4x4096x128xf32, #tpu.memory_space<hbm>> -> memref<1x32x128xf32, #tpu.memory_space<hbm>>
    %dma_start3A_133 = tpu.memref_squeeze %dma_start3A_132 : memref<1x32x128xf32, #tpu.memory_space<hbm>> -> memref<32x128xf32, #tpu.memory_space<hbm>>
    %dma_start3A_134 = arith.constant 0 : i32
    %dma_start3A_135 = arith.constant 0 : i32
    %dma_start3A_136 = tpu.memref_slice %arg9[%dma_start3A_134, %dma_start3A_135] : memref<128x128xf32, #tpu.memory_space<vmem>> -> memref<32x128xf32, #tpu.memory_space<vmem>>
    tpu.enqueue_dma source(%dma_start3A_136 : memref<32x128xf32, #tpu.memory_space<vmem>>) target(%dma_start3A_133 : memref<32x128xf32, #tpu.memory_space<hbm>>) target_semaphore(%arg16 : memref<!tpu.dma_semaphore, #tpu.memory_space<semaphore_mem>>)
    %add3A_137 = arith.constant 32 : i32
    %add3A_138 = arith.addi %mul3A_2, %add3A_137 : i32
    %dma_start3A_139 = arith.constant 1 : i32
    %dma_start3A_140 = arith.constant 32 : i32
    %dma_start3A_141 = arith.constant 0 : i32
    %dma_start3A_142 = tpu.memref_slice %arg9[%dma_start3A_140, %dma_start3A_141] : memref<128x128xf32, #tpu.memory_space<vmem>> -> memref<32x128xf32, #tpu.memory_space<vmem>>
    %dma_start3A_143 = arith.constant 0 : i32
    %dma_start3A_144 = tpu.memref_slice %arg5[%dma_start3A_139, %add3A_138, %dma_start3A_143] : memref<4x4096x128xf32, #tpu.memory_space<hbm>> -> memref<1x32x128xf32, #tpu.memory_space<hbm>>
    %dma_start3A_145 = tpu.memref_squeeze %dma_start3A_144 : memref<1x32x128xf32, #tpu.memory_space<hbm>> -> memref<32x128xf32, #tpu.memory_space<hbm>>
    %dma_start3A_146 = arith.constant 0 : i32
    %dma_start3A_147 = tpu.memref_slice %arg5[%dma_start3A_139, %add3A_138, %dma_start3A_146] : memref<4x4096x128xf32, #tpu.memory_space<hbm>> -> memref<1x32x128xf32, #tpu.memory_space<hbm>>
    %dma_start3A_148 = tpu.memref_squeeze %dma_start3A_147 : memref<1x32x128xf32, #tpu.memory_space<hbm>> -> memref<32x128xf32, #tpu.memory_space<hbm>>
    %dma_start3A_149 = arith.constant 32 : i32
    %dma_start3A_150 = arith.constant 0 : i32
    %dma_start3A_151 = tpu.memref_slice %arg9[%dma_start3A_149, %dma_start3A_150] : memref<128x128xf32, #tpu.memory_space<vmem>> -> memref<32x128xf32, #tpu.memory_space<vmem>>
    tpu.enqueue_dma source(%dma_start3A_151 : memref<32x128xf32, #tpu.memory_space<vmem>>) target(%dma_start3A_148 : memref<32x128xf32, #tpu.memory_space<hbm>>) target_semaphore(%arg16 : memref<!tpu.dma_semaphore, #tpu.memory_space<semaphore_mem>>)
    %add3A_152 = arith.constant 32 : i32
    %add3A_153 = arith.addi %mul3A_2, %add3A_152 : i32
    %dma_start3A_154 = arith.constant 2 : i32
    %dma_start3A_155 = arith.constant 64 : i32
    %dma_start3A_156 = arith.constant 0 : i32
    %dma_start3A_157 = tpu.memref_slice %arg9[%dma_start3A_155, %dma_start3A_156] : memref<128x128xf32, #tpu.memory_space<vmem>> -> memref<32x128xf32, #tpu.memory_space<vmem>>
    %dma_start3A_158 = arith.constant 0 : i32
    %dma_start3A_159 = tpu.memref_slice %arg5[%dma_start3A_154, %add3A_153, %dma_start3A_158] : memref<4x4096x128xf32, #tpu.memory_space<hbm>> -> memref<1x32x128xf32, #tpu.memory_space<hbm>>
    %dma_start3A_160 = tpu.memref_squeeze %dma_start3A_159 : memref<1x32x128xf32, #tpu.memory_space<hbm>> -> memref<32x128xf32, #tpu.memory_space<hbm>>
    %dma_start3A_161 = arith.constant 0 : i32
    %dma_start3A_162 = tpu.memref_slice %arg5[%dma_start3A_154, %add3A_153, %dma_start3A_161] : memref<4x4096x128xf32, #tpu.memory_space<hbm>> -> memref<1x32x128xf32, #tpu.memory_space<hbm>>
    %dma_start3A_163 = tpu.memref_squeeze %dma_start3A_162 : memref<1x32x128xf32, #tpu.memory_space<hbm>> -> memref<32x128xf32, #tpu.memory_space<hbm>>
    %dma_start3A_164 = arith.constant 64 : i32
    %dma_start3A_165 = arith.constant 0 : i32
    %dma_start3A_166 = tpu.memref_slice %arg9[%dma_start3A_164, %dma_start3A_165] : memref<128x128xf32, #tpu.memory_space<vmem>> -> memref<32x128xf32, #tpu.memory_space<vmem>>
    tpu.enqueue_dma source(%dma_start3A_166 : memref<32x128xf32, #tpu.memory_space<vmem>>) target(%dma_start3A_163 : memref<32x128xf32, #tpu.memory_space<hbm>>) target_semaphore(%arg16 : memref<!tpu.dma_semaphore, #tpu.memory_space<semaphore_mem>>)
    %add3A_167 = arith.constant 32 : i32
    %add3A_168 = arith.addi %mul3A_2, %add3A_167 : i32
    %dma_start3A_169 = arith.constant 3 : i32
    %dma_start3A_170 = arith.constant 96 : i32
    %dma_start3A_171 = arith.constant 0 : i32
    %dma_start3A_172 = tpu.memref_slice %arg9[%dma_start3A_170, %dma_start3A_171] : memref<128x128xf32, #tpu.memory_space<vmem>> -> memref<32x128xf32, #tpu.memory_space<vmem>>
    %dma_start3A_173 = arith.constant 0 : i32
    %dma_start3A_174 = tpu.memref_slice %arg5[%dma_start3A_169, %add3A_168, %dma_start3A_173] : memref<4x4096x128xf32, #tpu.memory_space<hbm>> -> memref<1x32x128xf32, #tpu.memory_space<hbm>>
    %dma_start3A_175 = tpu.memref_squeeze %dma_start3A_174 : memref<1x32x128xf32, #tpu.memory_space<hbm>> -> memref<32x128xf32, #tpu.memory_space<hbm>>
    %dma_start3A_176 = arith.constant 0 : i32
    %dma_start3A_177 = tpu.memref_slice %arg5[%dma_start3A_169, %add3A_168, %dma_start3A_176] : memref<4x4096x128xf32, #tpu.memory_space<hbm>> -> memref<1x32x128xf32, #tpu.memory_space<hbm>>
    %dma_start3A_178 = tpu.memref_squeeze %dma_start3A_177 : memref<1x32x128xf32, #tpu.memory_space<hbm>> -> memref<32x128xf32, #tpu.memory_space<hbm>>
    %dma_start3A_179 = arith.constant 96 : i32
    %dma_start3A_180 = arith.constant 0 : i32
    %dma_start3A_181 = tpu.memref_slice %arg9[%dma_start3A_179, %dma_start3A_180] : memref<128x128xf32, #tpu.memory_space<vmem>> -> memref<32x128xf32, #tpu.memory_space<vmem>>
    tpu.enqueue_dma source(%dma_start3A_181 : memref<32x128xf32, #tpu.memory_space<vmem>>) target(%dma_start3A_178 : memref<32x128xf32, #tpu.memory_space<hbm>>) target_semaphore(%arg16 : memref<!tpu.dma_semaphore, #tpu.memory_space<semaphore_mem>>)
    %dma_wait3A_182 = arith.constant 2 : i32
    %dma_wait3A_183 = arith.constant 0 : i32
    %dma_wait3A_184 = tpu.memref_slice %arg6[%dma_wait3A_182, %dma_wait3A_183] : memref<4x128xi32, #tpu.memory_space<vmem>> -> memref<1x128xi32, #tpu.memory_space<vmem>>
    %dma_wait3A_185 = tpu.memref_squeeze %dma_wait3A_184 : memref<1x128xi32, #tpu.memory_space<vmem>> -> memref<128xi32, #tpu.memory_space<vmem>>
    %dma_wait3A_186 = arith.constant 0 : i32
    %dma_wait3A_187 = arith.constant 0 : i32
    %dma_wait3A_188 = tpu.memref_slice %arg4[%dma_wait3A_186, %dma_wait3A_187] : memref<100000x128xf32, #tpu.memory_space<hbm>> -> memref<100000x128xf32, #tpu.memory_space<hbm>>
    tpu.wait_indirect_dma semaphore(%arg14 : memref<!tpu.dma_semaphore, #tpu.memory_space<semaphore_mem>>) src(%dma_wait3A_188 : memref<100000x128xf32, #tpu.memory_space<hbm>>) dst(%arg10 : memref<128x128xf32, #tpu.memory_space<vmem>>)
    %scan3A_189 = arith.constant 0 : i32
    %scan3A_190 = arith.constant 0 : i32
    %scan3A_191 = arith.constant 32 : i32
    %scan3A_192 = arith.addi %scan3A_190, %scan3A_191 : i32
    %scan3A_193 = arith.constant 1 : i32
    scf.for %scan3A_536 = %scan3A_190 to %scan3A_192 step %scan3A_193  : i32 {
      %add3A_537 = arith.constant 64 : i32
      %add3A_538 = arith.addi %add3A_537, %scan3A_536 : i32
      %get3A = arith.index_cast %add3A_538 : i32 to index
      %get3A_539 = arith.constant 0 : index
      %get3A_540 = tpu.vector_load %arg7[%get3A, %get3A_539] {strides = array<i32>} : memref<128x128xf32, #tpu.memory_space<vmem>>, vector<1x16xf32>,
      %get3A_541 = vector.shape_cast %get3A_540 : vector<1x16xf32> to vector<16xf32>
      %add3A_542 = arith.constant 64 : i32
      %add3A_543 = arith.addi %add3A_542, %scan3A_536 : i32
      %get3A_544 = arith.index_cast %add3A_543 : i32 to index
      %get3A_545 = arith.constant 16 : index
      %get3A_546 = tpu.vector_load %arg7[%get3A_544, %get3A_545] {strides = array<i32>} : memref<128x128xf32, #tpu.memory_space<vmem>>, vector<1x16xf32>,
      %get3A_547 = vector.shape_cast %get3A_546 : vector<1x16xf32> to vector<16xf32>
      %add3A_548 = arith.constant 64 : i32
      %add3A_549 = arith.addi %add3A_548, %scan3A_536 : i32
      %get3A_550 = arith.index_cast %add3A_549 : i32 to index
      %get3A_551 = arith.constant 32 : index
      %get3A_552 = tpu.vector_load %arg7[%get3A_550, %get3A_551] {strides = array<i32>} : memref<128x128xf32, #tpu.memory_space<vmem>>, vector<1x16xf32>,
      %get3A_553 = vector.shape_cast %get3A_552 : vector<1x16xf32> to vector<16xf32>
      %add3A_554 = arith.constant 64 : i32
      %add3A_555 = arith.addi %add3A_554, %scan3A_536 : i32
      %get3A_556 = arith.index_cast %add3A_555 : i32 to index
      %get3A_557 = arith.constant 48 : index
      %get3A_558 = tpu.vector_load %arg7[%get3A_556, %get3A_557] {strides = array<i32>} : memref<128x128xf32, #tpu.memory_space<vmem>>, vector<1x16xf32>,
      %get3A_559 = vector.shape_cast %get3A_558 : vector<1x16xf32> to vector<16xf32>
      %add3A_560 = arith.constant 64 : i32
      %add3A_561 = arith.addi %add3A_560, %scan3A_536 : i32
      %get3A_562 = arith.index_cast %add3A_561 : i32 to index
      %get3A_563 = arith.constant 64 : index
      %get3A_564 = tpu.vector_load %arg7[%get3A_562, %get3A_563] {strides = array<i32>} : memref<128x128xf32, #tpu.memory_space<vmem>>, vector<1x16xf32>,
      %get3A_565 = vector.shape_cast %get3A_564 : vector<1x16xf32> to vector<16xf32>
      %add3A_566 = arith.constant 64 : i32
      %add3A_567 = arith.addi %add3A_566, %scan3A_536 : i32
      %get3A_568 = arith.index_cast %add3A_567 : i32 to index
      %get3A_569 = arith.constant 80 : index
      %get3A_570 = tpu.vector_load %arg7[%get3A_568, %get3A_569] {strides = array<i32>} : memref<128x128xf32, #tpu.memory_space<vmem>>, vector<1x16xf32>,
      %get3A_571 = vector.shape_cast %get3A_570 : vector<1x16xf32> to vector<16xf32>
      %add3A_572 = arith.constant 64 : i32
      %add3A_573 = arith.addi %add3A_572, %scan3A_536 : i32
      %get3A_574 = arith.index_cast %add3A_573 : i32 to index
      %get3A_575 = arith.constant 96 : index
      %get3A_576 = tpu.vector_load %arg7[%get3A_574, %get3A_575] {strides = array<i32>} : memref<128x128xf32, #tpu.memory_space<vmem>>, vector<1x16xf32>,
      %get3A_577 = vector.shape_cast %get3A_576 : vector<1x16xf32> to vector<16xf32>
      %add3A_578 = arith.constant 64 : i32
      %add3A_579 = arith.addi %add3A_578, %scan3A_536 : i32
      %get3A_580 = arith.index_cast %add3A_579 : i32 to index
      %get3A_581 = arith.constant 112 : index
      %get3A_582 = tpu.vector_load %arg7[%get3A_580, %get3A_581] {strides = array<i32>} : memref<128x128xf32, #tpu.memory_space<vmem>>, vector<1x16xf32>,
      %get3A_583 = vector.shape_cast %get3A_582 : vector<1x16xf32> to vector<16xf32>
      %add3A_584 = arith.constant 0 : i32
      %add3A_585 = arith.addi %add3A_584, %scan3A_536 : i32
      %swap3A = arith.index_cast %add3A_585 : i32 to index
      %swap3A_586 = arith.constant 0 : index
      %swap3A_587 = tpu.vector_load %arg10[%swap3A, %swap3A_586] {strides = array<i32>} : memref<128x128xf32, #tpu.memory_space<vmem>>, vector<1x16xf32>,
      %swap3A_588 = vector.shape_cast %swap3A_587 : vector<1x16xf32> to vector<16xf32>
      %swap3A_589 = vector.shape_cast %get3A_541 : vector<16xf32> to vector<1x16xf32>
      tpu.vector_store %arg10[%swap3A, %swap3A_586], %swap3A_589 {add = true, strides = array<i32>} : memref<128x128xf32, #tpu.memory_space<vmem>>, vector<1x16xf32>,
      %add3A_590 = arith.constant 0 : i32
      %add3A_591 = arith.addi %add3A_590, %scan3A_536 : i32
      %swap3A_592 = arith.index_cast %add3A_591 : i32 to index
      %swap3A_593 = arith.constant 16 : index
      %swap3A_594 = tpu.vector_load %arg10[%swap3A_592, %swap3A_593] {strides = array<i32>} : memref<128x128xf32, #tpu.memory_space<vmem>>, vector<1x16xf32>,
      %swap3A_595 = vector.shape_cast %swap3A_594 : vector<1x16xf32> to vector<16xf32>
      %swap3A_596 = vector.shape_cast %get3A_547 : vector<16xf32> to vector<1x16xf32>
      tpu.vector_store %arg10[%swap3A_592, %swap3A_593], %swap3A_596 {add = true, strides = array<i32>} : memref<128x128xf32, #tpu.memory_space<vmem>>, vector<1x16xf32>,
      %add3A_597 = arith.constant 0 : i32
      %add3A_598 = arith.addi %add3A_597, %scan3A_536 : i32
      %swap3A_599 = arith.index_cast %add3A_598 : i32 to index
      %swap3A_600 = arith.constant 32 : index
      %swap3A_601 = tpu.vector_load %arg10[%swap3A_599, %swap3A_600] {strides = array<i32>} : memref<128x128xf32, #tpu.memory_space<vmem>>, vector<1x16xf32>,
      %swap3A_602 = vector.shape_cast %swap3A_601 : vector<1x16xf32> to vector<16xf32>
      %swap3A_603 = vector.shape_cast %get3A_553 : vector<16xf32> to vector<1x16xf32>
      tpu.vector_store %arg10[%swap3A_599, %swap3A_600], %swap3A_603 {add = true, strides = array<i32>} : memref<128x128xf32, #tpu.memory_space<vmem>>, vector<1x16xf32>,
      %add3A_604 = arith.constant 0 : i32
      %add3A_605 = arith.addi %add3A_604, %scan3A_536 : i32
      %swap3A_606 = arith.index_cast %add3A_605 : i32 to index
      %swap3A_607 = arith.constant 48 : index
      %swap3A_608 = tpu.vector_load %arg10[%swap3A_606, %swap3A_607] {strides = array<i32>} : memref<128x128xf32, #tpu.memory_space<vmem>>, vector<1x16xf32>,
      %swap3A_609 = vector.shape_cast %swap3A_608 : vector<1x16xf32> to vector<16xf32>
      %swap3A_610 = vector.shape_cast %get3A_559 : vector<16xf32> to vector<1x16xf32>
      tpu.vector_store %arg10[%swap3A_606, %swap3A_607], %swap3A_610 {add = true, strides = array<i32>} : memref<128x128xf32, #tpu.memory_space<vmem>>, vector<1x16xf32>,
      %add3A_611 = arith.constant 0 : i32
      %add3A_612 = arith.addi %add3A_611, %scan3A_536 : i32
      %swap3A_613 = arith.index_cast %add3A_612 : i32 to index
      %swap3A_614 = arith.constant 64 : index
      %swap3A_615 = tpu.vector_load %arg10[%swap3A_613, %swap3A_614] {strides = array<i32>} : memref<128x128xf32, #tpu.memory_space<vmem>>, vector<1x16xf32>,
      %swap3A_616 = vector.shape_cast %swap3A_615 : vector<1x16xf32> to vector<16xf32>
      %swap3A_617 = vector.shape_cast %get3A_565 : vector<16xf32> to vector<1x16xf32>
      tpu.vector_store %arg10[%swap3A_613, %swap3A_614], %swap3A_617 {add = true, strides = array<i32>} : memref<128x128xf32, #tpu.memory_space<vmem>>, vector<1x16xf32>,
      %add3A_618 = arith.constant 0 : i32
      %add3A_619 = arith.addi %add3A_618, %scan3A_536 : i32
      %swap3A_620 = arith.index_cast %add3A_619 : i32 to index
      %swap3A_621 = arith.constant 80 : index
      %swap3A_622 = tpu.vector_load %arg10[%swap3A_620, %swap3A_621] {strides = array<i32>} : memref<128x128xf32, #tpu.memory_space<vmem>>, vector<1x16xf32>,
      %swap3A_623 = vector.shape_cast %swap3A_622 : vector<1x16xf32> to vector<16xf32>
      %swap3A_624 = vector.shape_cast %get3A_571 : vector<16xf32> to vector<1x16xf32>
      tpu.vector_store %arg10[%swap3A_620, %swap3A_621], %swap3A_624 {add = true, strides = array<i32>} : memref<128x128xf32, #tpu.memory_space<vmem>>, vector<1x16xf32>,
      %add3A_625 = arith.constant 0 : i32
      %add3A_626 = arith.addi %add3A_625, %scan3A_536 : i32
      %swap3A_627 = arith.index_cast %add3A_626 : i32 to index
      %swap3A_628 = arith.constant 96 : index
      %swap3A_629 = tpu.vector_load %arg10[%swap3A_627, %swap3A_628] {strides = array<i32>} : memref<128x128xf32, #tpu.memory_space<vmem>>, vector<1x16xf32>,
      %swap3A_630 = vector.shape_cast %swap3A_629 : vector<1x16xf32> to vector<16xf32>
      %swap3A_631 = vector.shape_cast %get3A_577 : vector<16xf32> to vector<1x16xf32>
      tpu.vector_store %arg10[%swap3A_627, %swap3A_628], %swap3A_631 {add = true, strides = array<i32>} : memref<128x128xf32, #tpu.memory_space<vmem>>, vector<1x16xf32>,
      %add3A_632 = arith.constant 0 : i32
      %add3A_633 = arith.addi %add3A_632, %scan3A_536 : i32
      %swap3A_634 = arith.index_cast %add3A_633 : i32 to index
      %swap3A_635 = arith.constant 112 : index
      %swap3A_636 = tpu.vector_load %arg10[%swap3A_634, %swap3A_635] {strides = array<i32>} : memref<128x128xf32, #tpu.memory_space<vmem>>, vector<1x16xf32>,
      %swap3A_637 = vector.shape_cast %swap3A_636 : vector<1x16xf32> to vector<16xf32>
      %swap3A_638 = vector.shape_cast %get3A_583 : vector<16xf32> to vector<1x16xf32>
      tpu.vector_store %arg10[%swap3A_634, %swap3A_635], %swap3A_638 {add = true, strides = array<i32>} : memref<128x128xf32, #tpu.memory_space<vmem>>, vector<1x16xf32>,
      %add3A_639 = arith.constant 32 : i32
      %add3A_640 = arith.addi %add3A_639, %scan3A_536 : i32
      %swap3A_641 = arith.index_cast %add3A_640 : i32 to index
      %swap3A_642 = arith.constant 0 : index
      %swap3A_643 = tpu.vector_load %arg10[%swap3A_641, %swap3A_642] {strides = array<i32>} : memref<128x128xf32, #tpu.memory_space<vmem>>, vector<1x16xf32>,
      %swap3A_644 = vector.shape_cast %swap3A_643 : vector<1x16xf32> to vector<16xf32>
      %swap3A_645 = vector.shape_cast %get3A_541 : vector<16xf32> to vector<1x16xf32>
      tpu.vector_store %arg10[%swap3A_641, %swap3A_642], %swap3A_645 {add = true, strides = array<i32>} : memref<128x128xf32, #tpu.memory_space<vmem>>, vector<1x16xf32>,
      %add3A_646 = arith.constant 32 : i32
      %add3A_647 = arith.addi %add3A_646, %scan3A_536 : i32
      %swap3A_648 = arith.index_cast %add3A_647 : i32 to index
      %swap3A_649 = arith.constant 16 : index
      %swap3A_650 = tpu.vector_load %arg10[%swap3A_648, %swap3A_649] {strides = array<i32>} : memref<128x128xf32, #tpu.memory_space<vmem>>, vector<1x16xf32>,
      %swap3A_651 = vector.shape_cast %swap3A_650 : vector<1x16xf32> to vector<16xf32>
      %swap3A_652 = vector.shape_cast %get3A_547 : vector<16xf32> to vector<1x16xf32>
      tpu.vector_store %arg10[%swap3A_648, %swap3A_649], %swap3A_652 {add = true, strides = array<i32>} : memref<128x128xf32, #tpu.memory_space<vmem>>, vector<1x16xf32>,
      %add3A_653 = arith.constant 32 : i32
      %add3A_654 = arith.addi %add3A_653, %scan3A_536 : i32
      %swap3A_655 = arith.index_cast %add3A_654 : i32 to index
      %swap3A_656 = arith.constant 32 : index
      %swap3A_657 = tpu.vector_load %arg10[%swap3A_655, %swap3A_656] {strides = array<i32>} : memref<128x128xf32, #tpu.memory_space<vmem>>, vector<1x16xf32>,
      %swap3A_658 = vector.shape_cast %swap3A_657 : vector<1x16xf32> to vector<16xf32>
      %swap3A_659 = vector.shape_cast %get3A_553 : vector<16xf32> to vector<1x16xf32>
      tpu.vector_store %arg10[%swap3A_655, %swap3A_656], %swap3A_659 {add = true, strides = array<i32>} : memref<128x128xf32, #tpu.memory_space<vmem>>, vector<1x16xf32>,
      %add3A_660 = arith.constant 32 : i32
      %add3A_661 = arith.addi %add3A_660, %scan3A_536 : i32
      %swap3A_662 = arith.index_cast %add3A_661 : i32 to index
      %swap3A_663 = arith.constant 48 : index
      %swap3A_664 = tpu.vector_load %arg10[%swap3A_662, %swap3A_663] {strides = array<i32>} : memref<128x128xf32, #tpu.memory_space<vmem>>, vector<1x16xf32>,
      %swap3A_665 = vector.shape_cast %swap3A_664 : vector<1x16xf32> to vector<16xf32>
      %swap3A_666 = vector.shape_cast %get3A_559 : vector<16xf32> to vector<1x16xf32>
      tpu.vector_store %arg10[%swap3A_662, %swap3A_663], %swap3A_666 {add = true, strides = array<i32>} : memref<128x128xf32, #tpu.memory_space<vmem>>, vector<1x16xf32>,
      %add3A_667 = arith.constant 32 : i32
      %add3A_668 = arith.addi %add3A_667, %scan3A_536 : i32
      %swap3A_669 = arith.index_cast %add3A_668 : i32 to index
      %swap3A_670 = arith.constant 64 : index
      %swap3A_671 = tpu.vector_load %arg10[%swap3A_669, %swap3A_670] {strides = array<i32>} : memref<128x128xf32, #tpu.memory_space<vmem>>, vector<1x16xf32>,
      %swap3A_672 = vector.shape_cast %swap3A_671 : vector<1x16xf32> to vector<16xf32>
      %swap3A_673 = vector.shape_cast %get3A_565 : vector<16xf32> to vector<1x16xf32>
      tpu.vector_store %arg10[%swap3A_669, %swap3A_670], %swap3A_673 {add = true, strides = array<i32>} : memref<128x128xf32, #tpu.memory_space<vmem>>, vector<1x16xf32>,
      %add3A_674 = arith.constant 32 : i32
      %add3A_675 = arith.addi %add3A_674, %scan3A_536 : i32
      %swap3A_676 = arith.index_cast %add3A_675 : i32 to index
      %swap3A_677 = arith.constant 80 : index
      %swap3A_678 = tpu.vector_load %arg10[%swap3A_676, %swap3A_677] {strides = array<i32>} : memref<128x128xf32, #tpu.memory_space<vmem>>, vector<1x16xf32>,
      %swap3A_679 = vector.shape_cast %swap3A_678 : vector<1x16xf32> to vector<16xf32>
      %swap3A_680 = vector.shape_cast %get3A_571 : vector<16xf32> to vector<1x16xf32>
      tpu.vector_store %arg10[%swap3A_676, %swap3A_677], %swap3A_680 {add = true, strides = array<i32>} : memref<128x128xf32, #tpu.memory_space<vmem>>, vector<1x16xf32>,
      %add3A_681 = arith.constant 32 : i32
      %add3A_682 = arith.addi %add3A_681, %scan3A_536 : i32
      %swap3A_683 = arith.index_cast %add3A_682 : i32 to index
      %swap3A_684 = arith.constant 96 : index
      %swap3A_685 = tpu.vector_load %arg10[%swap3A_683, %swap3A_684] {strides = array<i32>} : memref<128x128xf32, #tpu.memory_space<vmem>>, vector<1x16xf32>,
      %swap3A_686 = vector.shape_cast %swap3A_685 : vector<1x16xf32> to vector<16xf32>
      %swap3A_687 = vector.shape_cast %get3A_577 : vector<16xf32> to vector<1x16xf32>
      tpu.vector_store %arg10[%swap3A_683, %swap3A_684], %swap3A_687 {add = true, strides = array<i32>} : memref<128x128xf32, #tpu.memory_space<vmem>>, vector<1x16xf32>,
      %add3A_688 = arith.constant 32 : i32
      %add3A_689 = arith.addi %add3A_688, %scan3A_536 : i32
      %swap3A_690 = arith.index_cast %add3A_689 : i32 to index
      %swap3A_691 = arith.constant 112 : index
      %swap3A_692 = tpu.vector_load %arg10[%swap3A_690, %swap3A_691] {strides = array<i32>} : memref<128x128xf32, #tpu.memory_space<vmem>>, vector<1x16xf32>,
      %swap3A_693 = vector.shape_cast %swap3A_692 : vector<1x16xf32> to vector<16xf32>
      %swap3A_694 = vector.shape_cast %get3A_583 : vector<16xf32> to vector<1x16xf32>
      tpu.vector_store %arg10[%swap3A_690, %swap3A_691], %swap3A_694 {add = true, strides = array<i32>} : memref<128x128xf32, #tpu.memory_space<vmem>>, vector<1x16xf32>,
      %add3A_695 = arith.constant 64 : i32
      %add3A_696 = arith.addi %add3A_695, %scan3A_536 : i32
      %swap3A_697 = arith.index_cast %add3A_696 : i32 to index
      %swap3A_698 = arith.constant 0 : index
      %swap3A_699 = tpu.vector_load %arg10[%swap3A_697, %swap3A_698] {strides = array<i32>} : memref<128x128xf32, #tpu.memory_space<vmem>>, vector<1x16xf32>,
      %swap3A_700 = vector.shape_cast %swap3A_699 : vector<1x16xf32> to vector<16xf32>
      %swap3A_701 = vector.shape_cast %get3A_541 : vector<16xf32> to vector<1x16xf32>
      tpu.vector_store %arg10[%swap3A_697, %swap3A_698], %swap3A_701 {add = true, strides = array<i32>} : memref<128x128xf32, #tpu.memory_space<vmem>>, vector<1x16xf32>,
      %add3A_702 = arith.constant 64 : i32
      %add3A_703 = arith.addi %add3A_702, %scan3A_536 : i32
      %swap3A_704 = arith.index_cast %add3A_703 : i32 to index
      %swap3A_705 = arith.constant 16 : index
      %swap3A_706 = tpu.vector_load %arg10[%swap3A_704, %swap3A_705] {strides = array<i32>} : memref<128x128xf32, #tpu.memory_space<vmem>>, vector<1x16xf32>,
      %swap3A_707 = vector.shape_cast %swap3A_706 : vector<1x16xf32> to vector<16xf32>
      %swap3A_708 = vector.shape_cast %get3A_547 : vector<16xf32> to vector<1x16xf32>
      tpu.vector_store %arg10[%swap3A_704, %swap3A_705], %swap3A_708 {add = true, strides = array<i32>} : memref<128x128xf32, #tpu.memory_space<vmem>>, vector<1x16xf32>,
      %add3A_709 = arith.constant 64 : i32
      %add3A_710 = arith.addi %add3A_709, %scan3A_536 : i32
      %swap3A_711 = arith.index_cast %add3A_710 : i32 to index
      %swap3A_712 = arith.constant 32 : index
      %swap3A_713 = tpu.vector_load %arg10[%swap3A_711, %swap3A_712] {strides = array<i32>} : memref<128x128xf32, #tpu.memory_space<vmem>>, vector<1x16xf32>,
      %swap3A_714 = vector.shape_cast %swap3A_713 : vector<1x16xf32> to vector<16xf32>
      %swap3A_715 = vector.shape_cast %get3A_553 : vector<16xf32> to vector<1x16xf32>
      tpu.vector_store %arg10[%swap3A_711, %swap3A_712], %swap3A_715 {add = true, strides = array<i32>} : memref<128x128xf32, #tpu.memory_space<vmem>>, vector<1x16xf32>,
      %add3A_716 = arith.constant 64 : i32
      %add3A_717 = arith.addi %add3A_716, %scan3A_536 : i32
      %swap3A_718 = arith.index_cast %add3A_717 : i32 to index
      %swap3A_719 = arith.constant 48 : index
      %swap3A_720 = tpu.vector_load %arg10[%swap3A_718, %swap3A_719] {strides = array<i32>} : memref<128x128xf32, #tpu.memory_space<vmem>>, vector<1x16xf32>,
      %swap3A_721 = vector.shape_cast %swap3A_720 : vector<1x16xf32> to vector<16xf32>
      %swap3A_722 = vector.shape_cast %get3A_559 : vector<16xf32> to vector<1x16xf32>
      tpu.vector_store %arg10[%swap3A_718, %swap3A_719], %swap3A_722 {add = true, strides = array<i32>} : memref<128x128xf32, #tpu.memory_space<vmem>>, vector<1x16xf32>,
      %add3A_723 = arith.constant 64 : i32
      %add3A_724 = arith.addi %add3A_723, %scan3A_536 : i32
      %swap3A_725 = arith.index_cast %add3A_724 : i32 to index
      %swap3A_726 = arith.constant 64 : index
      %swap3A_727 = tpu.vector_load %arg10[%swap3A_725, %swap3A_726] {strides = array<i32>} : memref<128x128xf32, #tpu.memory_space<vmem>>, vector<1x16xf32>,
      %swap3A_728 = vector.shape_cast %swap3A_727 : vector<1x16xf32> to vector<16xf32>
      %swap3A_729 = vector.shape_cast %get3A_565 : vector<16xf32> to vector<1x16xf32>
      tpu.vector_store %arg10[%swap3A_725, %swap3A_726], %swap3A_729 {add = true, strides = array<i32>} : memref<128x128xf32, #tpu.memory_space<vmem>>, vector<1x16xf32>,
      %add3A_730 = arith.constant 64 : i32
      %add3A_731 = arith.addi %add3A_730, %scan3A_536 : i32
      %swap3A_732 = arith.index_cast %add3A_731 : i32 to index
      %swap3A_733 = arith.constant 80 : index
      %swap3A_734 = tpu.vector_load %arg10[%swap3A_732, %swap3A_733] {strides = array<i32>} : memref<128x128xf32, #tpu.memory_space<vmem>>, vector<1x16xf32>,
      %swap3A_735 = vector.shape_cast %swap3A_734 : vector<1x16xf32> to vector<16xf32>
      %swap3A_736 = vector.shape_cast %get3A_571 : vector<16xf32> to vector<1x16xf32>
      tpu.vector_store %arg10[%swap3A_732, %swap3A_733], %swap3A_736 {add = true, strides = array<i32>} : memref<128x128xf32, #tpu.memory_space<vmem>>, vector<1x16xf32>,
      %add3A_737 = arith.constant 64 : i32
      %add3A_738 = arith.addi %add3A_737, %scan3A_536 : i32
      %swap3A_739 = arith.index_cast %add3A_738 : i32 to index
      %swap3A_740 = arith.constant 96 : index
      %swap3A_741 = tpu.vector_load %arg10[%swap3A_739, %swap3A_740] {strides = array<i32>} : memref<128x128xf32, #tpu.memory_space<vmem>>, vector<1x16xf32>,
      %swap3A_742 = vector.shape_cast %swap3A_741 : vector<1x16xf32> to vector<16xf32>
      %swap3A_743 = vector.shape_cast %get3A_577 : vector<16xf32> to vector<1x16xf32>
      tpu.vector_store %arg10[%swap3A_739, %swap3A_740], %swap3A_743 {add = true, strides = array<i32>} : memref<128x128xf32, #tpu.memory_space<vmem>>, vector<1x16xf32>,
      %add3A_744 = arith.constant 64 : i32
      %add3A_745 = arith.addi %add3A_744, %scan3A_536 : i32
      %swap3A_746 = arith.index_cast %add3A_745 : i32 to index
      %swap3A_747 = arith.constant 112 : index
      %swap3A_748 = tpu.vector_load %arg10[%swap3A_746, %swap3A_747] {strides = array<i32>} : memref<128x128xf32, #tpu.memory_space<vmem>>, vector<1x16xf32>,
      %swap3A_749 = vector.shape_cast %swap3A_748 : vector<1x16xf32> to vector<16xf32>
      %swap3A_750 = vector.shape_cast %get3A_583 : vector<16xf32> to vector<1x16xf32>
      tpu.vector_store %arg10[%swap3A_746, %swap3A_747], %swap3A_750 {add = true, strides = array<i32>} : memref<128x128xf32, #tpu.memory_space<vmem>>, vector<1x16xf32>,
      %add3A_751 = arith.constant 96 : i32
      %add3A_752 = arith.addi %add3A_751, %scan3A_536 : i32
      %swap3A_753 = arith.index_cast %add3A_752 : i32 to index
      %swap3A_754 = arith.constant 0 : index
      %swap3A_755 = tpu.vector_load %arg10[%swap3A_753, %swap3A_754] {strides = array<i32>} : memref<128x128xf32, #tpu.memory_space<vmem>>, vector<1x16xf32>,
      %swap3A_756 = vector.shape_cast %swap3A_755 : vector<1x16xf32> to vector<16xf32>
      %swap3A_757 = vector.shape_cast %get3A_541 : vector<16xf32> to vector<1x16xf32>
      tpu.vector_store %arg10[%swap3A_753, %swap3A_754], %swap3A_757 {add = true, strides = array<i32>} : memref<128x128xf32, #tpu.memory_space<vmem>>, vector<1x16xf32>,
      %add3A_758 = arith.constant 96 : i32
      %add3A_759 = arith.addi %add3A_758, %scan3A_536 : i32
      %swap3A_760 = arith.index_cast %add3A_759 : i32 to index
      %swap3A_761 = arith.constant 16 : index
      %swap3A_762 = tpu.vector_load %arg10[%swap3A_760, %swap3A_761] {strides = array<i32>} : memref<128x128xf32, #tpu.memory_space<vmem>>, vector<1x16xf32>,
      %swap3A_763 = vector.shape_cast %swap3A_762 : vector<1x16xf32> to vector<16xf32>
      %swap3A_764 = vector.shape_cast %get3A_547 : vector<16xf32> to vector<1x16xf32>
      tpu.vector_store %arg10[%swap3A_760, %swap3A_761], %swap3A_764 {add = true, strides = array<i32>} : memref<128x128xf32, #tpu.memory_space<vmem>>, vector<1x16xf32>,
      %add3A_765 = arith.constant 96 : i32
      %add3A_766 = arith.addi %add3A_765, %scan3A_536 : i32
      %swap3A_767 = arith.index_cast %add3A_766 : i32 to index
      %swap3A_768 = arith.constant 32 : index
      %swap3A_769 = tpu.vector_load %arg10[%swap3A_767, %swap3A_768] {strides = array<i32>} : memref<128x128xf32, #tpu.memory_space<vmem>>, vector<1x16xf32>,
      %swap3A_770 = vector.shape_cast %swap3A_769 : vector<1x16xf32> to vector<16xf32>
      %swap3A_771 = vector.shape_cast %get3A_553 : vector<16xf32> to vector<1x16xf32>
      tpu.vector_store %arg10[%swap3A_767, %swap3A_768], %swap3A_771 {add = true, strides = array<i32>} : memref<128x128xf32, #tpu.memory_space<vmem>>, vector<1x16xf32>,
      %add3A_772 = arith.constant 96 : i32
      %add3A_773 = arith.addi %add3A_772, %scan3A_536 : i32
      %swap3A_774 = arith.index_cast %add3A_773 : i32 to index
      %swap3A_775 = arith.constant 48 : index
      %swap3A_776 = tpu.vector_load %arg10[%swap3A_774, %swap3A_775] {strides = array<i32>} : memref<128x128xf32, #tpu.memory_space<vmem>>, vector<1x16xf32>,
      %swap3A_777 = vector.shape_cast %swap3A_776 : vector<1x16xf32> to vector<16xf32>
      %swap3A_778 = vector.shape_cast %get3A_559 : vector<16xf32> to vector<1x16xf32>
      tpu.vector_store %arg10[%swap3A_774, %swap3A_775], %swap3A_778 {add = true, strides = array<i32>} : memref<128x128xf32, #tpu.memory_space<vmem>>, vector<1x16xf32>,
      %add3A_779 = arith.constant 96 : i32
      %add3A_780 = arith.addi %add3A_779, %scan3A_536 : i32
      %swap3A_781 = arith.index_cast %add3A_780 : i32 to index
      %swap3A_782 = arith.constant 64 : index
      %swap3A_783 = tpu.vector_load %arg10[%swap3A_781, %swap3A_782] {strides = array<i32>} : memref<128x128xf32, #tpu.memory_space<vmem>>, vector<1x16xf32>,
      %swap3A_784 = vector.shape_cast %swap3A_783 : vector<1x16xf32> to vector<16xf32>
      %swap3A_785 = vector.shape_cast %get3A_565 : vector<16xf32> to vector<1x16xf32>
      tpu.vector_store %arg10[%swap3A_781, %swap3A_782], %swap3A_785 {add = true, strides = array<i32>} : memref<128x128xf32, #tpu.memory_space<vmem>>, vector<1x16xf32>,
      %add3A_786 = arith.constant 96 : i32
      %add3A_787 = arith.addi %add3A_786, %scan3A_536 : i32
      %swap3A_788 = arith.index_cast %add3A_787 : i32 to index
      %swap3A_789 = arith.constant 80 : index
      %swap3A_790 = tpu.vector_load %arg10[%swap3A_788, %swap3A_789] {strides = array<i32>} : memref<128x128xf32, #tpu.memory_space<vmem>>, vector<1x16xf32>,
      %swap3A_791 = vector.shape_cast %swap3A_790 : vector<1x16xf32> to vector<16xf32>
      %swap3A_792 = vector.shape_cast %get3A_571 : vector<16xf32> to vector<1x16xf32>
      tpu.vector_store %arg10[%swap3A_788, %swap3A_789], %swap3A_792 {add = true, strides = array<i32>} : memref<128x128xf32, #tpu.memory_space<vmem>>, vector<1x16xf32>,
      %add3A_793 = arith.constant 96 : i32
      %add3A_794 = arith.addi %add3A_793, %scan3A_536 : i32
      %swap3A_795 = arith.index_cast %add3A_794 : i32 to index
      %swap3A_796 = arith.constant 96 : index
      %swap3A_797 = tpu.vector_load %arg10[%swap3A_795, %swap3A_796] {strides = array<i32>} : memref<128x128xf32, #tpu.memory_space<vmem>>, vector<1x16xf32>,
      %swap3A_798 = vector.shape_cast %swap3A_797 : vector<1x16xf32> to vector<16xf32>
      %swap3A_799 = vector.shape_cast %get3A_577 : vector<16xf32> to vector<1x16xf32>
      tpu.vector_store %arg10[%swap3A_795, %swap3A_796], %swap3A_799 {add = true, strides = array<i32>} : memref<128x128xf32, #tpu.memory_space<vmem>>, vector<1x16xf32>,
      %add3A_800 = arith.constant 96 : i32
      %add3A_801 = arith.addi %add3A_800, %scan3A_536 : i32
      %swap3A_802 = arith.index_cast %add3A_801 : i32 to index
      %swap3A_803 = arith.constant 112 : index
      %swap3A_804 = tpu.vector_load %arg10[%swap3A_802, %swap3A_803] {strides = array<i32>} : memref<128x128xf32, #tpu.memory_space<vmem>>, vector<1x16xf32>,
      %swap3A_805 = vector.shape_cast %swap3A_804 : vector<1x16xf32> to vector<16xf32>
      %swap3A_806 = vector.shape_cast %get3A_583 : vector<16xf32> to vector<1x16xf32>
      tpu.vector_store %arg10[%swap3A_802, %swap3A_803], %swap3A_806 {add = true, strides = array<i32>} : memref<128x128xf32, #tpu.memory_space<vmem>>, vector<1x16xf32>,
    }
    %scan3A_194 = arith.constant 32 : i32
    %add3A_195 = arith.constant 64 : i32
    %add3A_196 = arith.addi %mul3A_2, %add3A_195 : i32
    %dma_start3A_197 = arith.constant 0 : i32
    %dma_start3A_198 = arith.constant 0 : i32
    %dma_start3A_199 = arith.constant 0 : i32
    %dma_start3A_200 = tpu.memref_slice %arg10[%dma_start3A_198, %dma_start3A_199] : memref<128x128xf32, #tpu.memory_space<vmem>> -> memref<32x128xf32, #tpu.memory_space<vmem>>
    %dma_start3A_201 = arith.constant 0 : i32
    %dma_start3A_202 = tpu.memref_slice %arg5[%dma_start3A_197, %add3A_196, %dma_start3A_201] : memref<4x4096x128xf32, #tpu.memory_space<hbm>> -> memref<1x32x128xf32, #tpu.memory_space<hbm>>
    %dma_start3A_203 = tpu.memref_squeeze %dma_start3A_202 : memref<1x32x128xf32, #tpu.memory_space<hbm>> -> memref<32x128xf32, #tpu.memory_space<hbm>>
    %dma_start3A_204 = arith.constant 0 : i32
    %dma_start3A_205 = tpu.memref_slice %arg5[%dma_start3A_197, %add3A_196, %dma_start3A_204] : memref<4x4096x128xf32, #tpu.memory_space<hbm>> -> memref<1x32x128xf32, #tpu.memory_space<hbm>>
    %dma_start3A_206 = tpu.memref_squeeze %dma_start3A_205 : memref<1x32x128xf32, #tpu.memory_space<hbm>> -> memref<32x128xf32, #tpu.memory_space<hbm>>
    %dma_start3A_207 = arith.constant 0 : i32
    %dma_start3A_208 = arith.constant 0 : i32
    %dma_start3A_209 = tpu.memref_slice %arg10[%dma_start3A_207, %dma_start3A_208] : memref<128x128xf32, #tpu.memory_space<vmem>> -> memref<32x128xf32, #tpu.memory_space<vmem>>
    tpu.enqueue_dma source(%dma_start3A_209 : memref<32x128xf32, #tpu.memory_space<vmem>>) target(%dma_start3A_206 : memref<32x128xf32, #tpu.memory_space<hbm>>) target_semaphore(%arg16 : memref<!tpu.dma_semaphore, #tpu.memory_space<semaphore_mem>>)
    %add3A_210 = arith.constant 64 : i32
    %add3A_211 = arith.addi %mul3A_2, %add3A_210 : i32
    %dma_start3A_212 = arith.constant 1 : i32
    %dma_start3A_213 = arith.constant 32 : i32
    %dma_start3A_214 = arith.constant 0 : i32
    %dma_start3A_215 = tpu.memref_slice %arg10[%dma_start3A_213, %dma_start3A_214] : memref<128x128xf32, #tpu.memory_space<vmem>> -> memref<32x128xf32, #tpu.memory_space<vmem>>
    %dma_start3A_216 = arith.constant 0 : i32
    %dma_start3A_217 = tpu.memref_slice %arg5[%dma_start3A_212, %add3A_211, %dma_start3A_216] : memref<4x4096x128xf32, #tpu.memory_space<hbm>> -> memref<1x32x128xf32, #tpu.memory_space<hbm>>
    %dma_start3A_218 = tpu.memref_squeeze %dma_start3A_217 : memref<1x32x128xf32, #tpu.memory_space<hbm>> -> memref<32x128xf32, #tpu.memory_space<hbm>>
    %dma_start3A_219 = arith.constant 0 : i32
    %dma_start3A_220 = tpu.memref_slice %arg5[%dma_start3A_212, %add3A_211, %dma_start3A_219] : memref<4x4096x128xf32, #tpu.memory_space<hbm>> -> memref<1x32x128xf32, #tpu.memory_space<hbm>>
    %dma_start3A_221 = tpu.memref_squeeze %dma_start3A_220 : memref<1x32x128xf32, #tpu.memory_space<hbm>> -> memref<32x128xf32, #tpu.memory_space<hbm>>
    %dma_start3A_222 = arith.constant 32 : i32
    %dma_start3A_223 = arith.constant 0 : i32
    %dma_start3A_224 = tpu.memref_slice %arg10[%dma_start3A_222, %dma_start3A_223] : memref<128x128xf32, #tpu.memory_space<vmem>> -> memref<32x128xf32, #tpu.memory_space<vmem>>
    tpu.enqueue_dma source(%dma_start3A_224 : memref<32x128xf32, #tpu.memory_space<vmem>>) target(%dma_start3A_221 : memref<32x128xf32, #tpu.memory_space<hbm>>) target_semaphore(%arg16 : memref<!tpu.dma_semaphore, #tpu.memory_space<semaphore_mem>>)
    %add3A_225 = arith.constant 64 : i32
    %add3A_226 = arith.addi %mul3A_2, %add3A_225 : i32
    %dma_start3A_227 = arith.constant 2 : i32
    %dma_start3A_228 = arith.constant 64 : i32
    %dma_start3A_229 = arith.constant 0 : i32
    %dma_start3A_230 = tpu.memref_slice %arg10[%dma_start3A_228, %dma_start3A_229] : memref<128x128xf32, #tpu.memory_space<vmem>> -> memref<32x128xf32, #tpu.memory_space<vmem>>
    %dma_start3A_231 = arith.constant 0 : i32
    %dma_start3A_232 = tpu.memref_slice %arg5[%dma_start3A_227, %add3A_226, %dma_start3A_231] : memref<4x4096x128xf32, #tpu.memory_space<hbm>> -> memref<1x32x128xf32, #tpu.memory_space<hbm>>
    %dma_start3A_233 = tpu.memref_squeeze %dma_start3A_232 : memref<1x32x128xf32, #tpu.memory_space<hbm>> -> memref<32x128xf32, #tpu.memory_space<hbm>>
    %dma_start3A_234 = arith.constant 0 : i32
    %dma_start3A_235 = tpu.memref_slice %arg5[%dma_start3A_227, %add3A_226, %dma_start3A_234] : memref<4x4096x128xf32, #tpu.memory_space<hbm>> -> memref<1x32x128xf32, #tpu.memory_space<hbm>>
    %dma_start3A_236 = tpu.memref_squeeze %dma_start3A_235 : memref<1x32x128xf32, #tpu.memory_space<hbm>> -> memref<32x128xf32, #tpu.memory_space<hbm>>
    %dma_start3A_237 = arith.constant 64 : i32
    %dma_start3A_238 = arith.constant 0 : i32
    %dma_start3A_239 = tpu.memref_slice %arg10[%dma_start3A_237, %dma_start3A_238] : memref<128x128xf32, #tpu.memory_space<vmem>> -> memref<32x128xf32, #tpu.memory_space<vmem>>
    tpu.enqueue_dma source(%dma_start3A_239 : memref<32x128xf32, #tpu.memory_space<vmem>>) target(%dma_start3A_236 : memref<32x128xf32, #tpu.memory_space<hbm>>) target_semaphore(%arg16 : memref<!tpu.dma_semaphore, #tpu.memory_space<semaphore_mem>>)
    %add3A_240 = arith.constant 64 : i32
    %add3A_241 = arith.addi %mul3A_2, %add3A_240 : i32
    %dma_start3A_242 = arith.constant 3 : i32
    %dma_start3A_243 = arith.constant 96 : i32
    %dma_start3A_244 = arith.constant 0 : i32
    %dma_start3A_245 = tpu.memref_slice %arg10[%dma_start3A_243, %dma_start3A_244] : memref<128x128xf32, #tpu.memory_space<vmem>> -> memref<32x128xf32, #tpu.memory_space<vmem>>
    %dma_start3A_246 = arith.constant 0 : i32
    %dma_start3A_247 = tpu.memref_slice %arg5[%dma_start3A_242, %add3A_241, %dma_start3A_246] : memref<4x4096x128xf32, #tpu.memory_space<hbm>> -> memref<1x32x128xf32, #tpu.memory_space<hbm>>
    %dma_start3A_248 = tpu.memref_squeeze %dma_start3A_247 : memref<1x32x128xf32, #tpu.memory_space<hbm>> -> memref<32x128xf32, #tpu.memory_space<hbm>>
    %dma_start3A_249 = arith.constant 0 : i32
    %dma_start3A_250 = tpu.memref_slice %arg5[%dma_start3A_242, %add3A_241, %dma_start3A_249] : memref<4x4096x128xf32, #tpu.memory_space<hbm>> -> memref<1x32x128xf32, #tpu.memory_space<hbm>>
    %dma_start3A_251 = tpu.memref_squeeze %dma_start3A_250 : memref<1x32x128xf32, #tpu.memory_space<hbm>> -> memref<32x128xf32, #tpu.memory_space<hbm>>
    %dma_start3A_252 = arith.constant 96 : i32
    %dma_start3A_253 = arith.constant 0 : i32
    %dma_start3A_254 = tpu.memref_slice %arg10[%dma_start3A_252, %dma_start3A_253] : memref<128x128xf32, #tpu.memory_space<vmem>> -> memref<32x128xf32, #tpu.memory_space<vmem>>
    tpu.enqueue_dma source(%dma_start3A_254 : memref<32x128xf32, #tpu.memory_space<vmem>>) target(%dma_start3A_251 : memref<32x128xf32, #tpu.memory_space<hbm>>) target_semaphore(%arg16 : memref<!tpu.dma_semaphore, #tpu.memory_space<semaphore_mem>>)
    %dma_wait3A_255 = arith.constant 3 : i32
    %dma_wait3A_256 = arith.constant 0 : i32
    %dma_wait3A_257 = tpu.memref_slice %arg6[%dma_wait3A_255, %dma_wait3A_256] : memref<4x128xi32, #tpu.memory_space<vmem>> -> memref<1x128xi32, #tpu.memory_space<vmem>>
    %dma_wait3A_258 = tpu.memref_squeeze %dma_wait3A_257 : memref<1x128xi32, #tpu.memory_space<vmem>> -> memref<128xi32, #tpu.memory_space<vmem>>
    %dma_wait3A_259 = arith.constant 0 : i32
    %dma_wait3A_260 = arith.constant 0 : i32
    %dma_wait3A_261 = tpu.memref_slice %arg4[%dma_wait3A_259, %dma_wait3A_260] : memref<100000x128xf32, #tpu.memory_space<hbm>> -> memref<100000x128xf32, #tpu.memory_space<hbm>>
    tpu.wait_indirect_dma semaphore(%arg15 : memref<!tpu.dma_semaphore, #tpu.memory_space<semaphore_mem>>) src(%dma_wait3A_261 : memref<100000x128xf32, #tpu.memory_space<hbm>>) dst(%arg11 : memref<128x128xf32, #tpu.memory_space<vmem>>)
    %scan3A_262 = arith.constant 0 : i32
    %scan3A_263 = arith.constant 0 : i32
    %scan3A_264 = arith.constant 32 : i32
    %scan3A_265 = arith.addi %scan3A_263, %scan3A_264 : i32
    %scan3A_266 = arith.constant 1 : i32
    scf.for %scan3A_536 = %scan3A_263 to %scan3A_265 step %scan3A_266  : i32 {
      %add3A_537 = arith.constant 96 : i32
      %add3A_538 = arith.addi %add3A_537, %scan3A_536 : i32
      %get3A = arith.index_cast %add3A_538 : i32 to index
      %get3A_539 = arith.constant 0 : index
      %get3A_540 = tpu.vector_load %arg7[%get3A, %get3A_539] {strides = array<i32>} : memref<128x128xf32, #tpu.memory_space<vmem>>, vector<1x16xf32>,
      %get3A_541 = vector.shape_cast %get3A_540 : vector<1x16xf32> to vector<16xf32>
      %add3A_542 = arith.constant 96 : i32
      %add3A_543 = arith.addi %add3A_542, %scan3A_536 : i32
      %get3A_544 = arith.index_cast %add3A_543 : i32 to index
      %get3A_545 = arith.constant 16 : index
      %get3A_546 = tpu.vector_load %arg7[%get3A_544, %get3A_545] {strides = array<i32>} : memref<128x128xf32, #tpu.memory_space<vmem>>, vector<1x16xf32>,
      %get3A_547 = vector.shape_cast %get3A_546 : vector<1x16xf32> to vector<16xf32>
      %add3A_548 = arith.constant 96 : i32
      %add3A_549 = arith.addi %add3A_548, %scan3A_536 : i32
      %get3A_550 = arith.index_cast %add3A_549 : i32 to index
      %get3A_551 = arith.constant 32 : index
      %get3A_552 = tpu.vector_load %arg7[%get3A_550, %get3A_551] {strides = array<i32>} : memref<128x128xf32, #tpu.memory_space<vmem>>, vector<1x16xf32>,
      %get3A_553 = vector.shape_cast %get3A_552 : vector<1x16xf32> to vector<16xf32>
      %add3A_554 = arith.constant 96 : i32
      %add3A_555 = arith.addi %add3A_554, %scan3A_536 : i32
      %get3A_556 = arith.index_cast %add3A_555 : i32 to index
      %get3A_557 = arith.constant 48 : index
      %get3A_558 = tpu.vector_load %arg7[%get3A_556, %get3A_557] {strides = array<i32>} : memref<128x128xf32, #tpu.memory_space<vmem>>, vector<1x16xf32>,
      %get3A_559 = vector.shape_cast %get3A_558 : vector<1x16xf32> to vector<16xf32>
      %add3A_560 = arith.constant 96 : i32
      %add3A_561 = arith.addi %add3A_560, %scan3A_536 : i32
      %get3A_562 = arith.index_cast %add3A_561 : i32 to index
      %get3A_563 = arith.constant 64 : index
      %get3A_564 = tpu.vector_load %arg7[%get3A_562, %get3A_563] {strides = array<i32>} : memref<128x128xf32, #tpu.memory_space<vmem>>, vector<1x16xf32>,
      %get3A_565 = vector.shape_cast %get3A_564 : vector<1x16xf32> to vector<16xf32>
      %add3A_566 = arith.constant 96 : i32
      %add3A_567 = arith.addi %add3A_566, %scan3A_536 : i32
      %get3A_568 = arith.index_cast %add3A_567 : i32 to index
      %get3A_569 = arith.constant 80 : index
      %get3A_570 = tpu.vector_load %arg7[%get3A_568, %get3A_569] {strides = array<i32>} : memref<128x128xf32, #tpu.memory_space<vmem>>, vector<1x16xf32>,
      %get3A_571 = vector.shape_cast %get3A_570 : vector<1x16xf32> to vector<16xf32>
      %add3A_572 = arith.constant 96 : i32
      %add3A_573 = arith.addi %add3A_572, %scan3A_536 : i32
      %get3A_574 = arith.index_cast %add3A_573 : i32 to index
      %get3A_575 = arith.constant 96 : index
      %get3A_576 = tpu.vector_load %arg7[%get3A_574, %get3A_575] {strides = array<i32>} : memref<128x128xf32, #tpu.memory_space<vmem>>, vector<1x16xf32>,
      %get3A_577 = vector.shape_cast %get3A_576 : vector<1x16xf32> to vector<16xf32>
      %add3A_578 = arith.constant 96 : i32
      %add3A_579 = arith.addi %add3A_578, %scan3A_536 : i32
      %get3A_580 = arith.index_cast %add3A_579 : i32 to index
      %get3A_581 = arith.constant 112 : index
      %get3A_582 = tpu.vector_load %arg7[%get3A_580, %get3A_581] {strides = array<i32>} : memref<128x128xf32, #tpu.memory_space<vmem>>, vector<1x16xf32>,
      %get3A_583 = vector.shape_cast %get3A_582 : vector<1x16xf32> to vector<16xf32>
      %add3A_584 = arith.constant 0 : i32
      %add3A_585 = arith.addi %add3A_584, %scan3A_536 : i32
      %swap3A = arith.index_cast %add3A_585 : i32 to index
      %swap3A_586 = arith.constant 0 : index
      %swap3A_587 = tpu.vector_load %arg11[%swap3A, %swap3A_586] {strides = array<i32>} : memref<128x128xf32, #tpu.memory_space<vmem>>, vector<1x16xf32>,
      %swap3A_588 = vector.shape_cast %swap3A_587 : vector<1x16xf32> to vector<16xf32>
      %swap3A_589 = vector.shape_cast %get3A_541 : vector<16xf32> to vector<1x16xf32>
      tpu.vector_store %arg11[%swap3A, %swap3A_586], %swap3A_589 {add = true, strides = array<i32>} : memref<128x128xf32, #tpu.memory_space<vmem>>, vector<1x16xf32>,
      %add3A_590 = arith.constant 0 : i32
      %add3A_591 = arith.addi %add3A_590, %scan3A_536 : i32
      %swap3A_592 = arith.index_cast %add3A_591 : i32 to index
      %swap3A_593 = arith.constant 16 : index
      %swap3A_594 = tpu.vector_load %arg11[%swap3A_592, %swap3A_593] {strides = array<i32>} : memref<128x128xf32, #tpu.memory_space<vmem>>, vector<1x16xf32>,
      %swap3A_595 = vector.shape_cast %swap3A_594 : vector<1x16xf32> to vector<16xf32>
      %swap3A_596 = vector.shape_cast %get3A_547 : vector<16xf32> to vector<1x16xf32>
      tpu.vector_store %arg11[%swap3A_592, %swap3A_593], %swap3A_596 {add = true, strides = array<i32>} : memref<128x128xf32, #tpu.memory_space<vmem>>, vector<1x16xf32>,
      %add3A_597 = arith.constant 0 : i32
      %add3A_598 = arith.addi %add3A_597, %scan3A_536 : i32
      %swap3A_599 = arith.index_cast %add3A_598 : i32 to index
      %swap3A_600 = arith.constant 32 : index
      %swap3A_601 = tpu.vector_load %arg11[%swap3A_599, %swap3A_600] {strides = array<i32>} : memref<128x128xf32, #tpu.memory_space<vmem>>, vector<1x16xf32>,
      %swap3A_602 = vector.shape_cast %swap3A_601 : vector<1x16xf32> to vector<16xf32>
      %swap3A_603 = vector.shape_cast %get3A_553 : vector<16xf32> to vector<1x16xf32>
      tpu.vector_store %arg11[%swap3A_599, %swap3A_600], %swap3A_603 {add = true, strides = array<i32>} : memref<128x128xf32, #tpu.memory_space<vmem>>, vector<1x16xf32>,
      %add3A_604 = arith.constant 0 : i32
      %add3A_605 = arith.addi %add3A_604, %scan3A_536 : i32
      %swap3A_606 = arith.index_cast %add3A_605 : i32 to index
      %swap3A_607 = arith.constant 48 : index
      %swap3A_608 = tpu.vector_load %arg11[%swap3A_606, %swap3A_607] {strides = array<i32>} : memref<128x128xf32, #tpu.memory_space<vmem>>, vector<1x16xf32>,
      %swap3A_609 = vector.shape_cast %swap3A_608 : vector<1x16xf32> to vector<16xf32>
      %swap3A_610 = vector.shape_cast %get3A_559 : vector<16xf32> to vector<1x16xf32>
      tpu.vector_store %arg11[%swap3A_606, %swap3A_607], %swap3A_610 {add = true, strides = array<i32>} : memref<128x128xf32, #tpu.memory_space<vmem>>, vector<1x16xf32>,
      %add3A_611 = arith.constant 0 : i32
      %add3A_612 = arith.addi %add3A_611, %scan3A_536 : i32
      %swap3A_613 = arith.index_cast %add3A_612 : i32 to index
      %swap3A_614 = arith.constant 64 : index
      %swap3A_615 = tpu.vector_load %arg11[%swap3A_613, %swap3A_614] {strides = array<i32>} : memref<128x128xf32, #tpu.memory_space<vmem>>, vector<1x16xf32>,
      %swap3A_616 = vector.shape_cast %swap3A_615 : vector<1x16xf32> to vector<16xf32>
      %swap3A_617 = vector.shape_cast %get3A_565 : vector<16xf32> to vector<1x16xf32>
      tpu.vector_store %arg11[%swap3A_613, %swap3A_614], %swap3A_617 {add = true, strides = array<i32>} : memref<128x128xf32, #tpu.memory_space<vmem>>, vector<1x16xf32>,
      %add3A_618 = arith.constant 0 : i32
      %add3A_619 = arith.addi %add3A_618, %scan3A_536 : i32
      %swap3A_620 = arith.index_cast %add3A_619 : i32 to index
      %swap3A_621 = arith.constant 80 : index
      %swap3A_622 = tpu.vector_load %arg11[%swap3A_620, %swap3A_621] {strides = array<i32>} : memref<128x128xf32, #tpu.memory_space<vmem>>, vector<1x16xf32>,
      %swap3A_623 = vector.shape_cast %swap3A_622 : vector<1x16xf32> to vector<16xf32>
      %swap3A_624 = vector.shape_cast %get3A_571 : vector<16xf32> to vector<1x16xf32>
      tpu.vector_store %arg11[%swap3A_620, %swap3A_621], %swap3A_624 {add = true, strides = array<i32>} : memref<128x128xf32, #tpu.memory_space<vmem>>, vector<1x16xf32>,
      %add3A_625 = arith.constant 0 : i32
      %add3A_626 = arith.addi %add3A_625, %scan3A_536 : i32
      %swap3A_627 = arith.index_cast %add3A_626 : i32 to index
      %swap3A_628 = arith.constant 96 : index
      %swap3A_629 = tpu.vector_load %arg11[%swap3A_627, %swap3A_628] {strides = array<i32>} : memref<128x128xf32, #tpu.memory_space<vmem>>, vector<1x16xf32>,
      %swap3A_630 = vector.shape_cast %swap3A_629 : vector<1x16xf32> to vector<16xf32>
      %swap3A_631 = vector.shape_cast %get3A_577 : vector<16xf32> to vector<1x16xf32>
      tpu.vector_store %arg11[%swap3A_627, %swap3A_628], %swap3A_631 {add = true, strides = array<i32>} : memref<128x128xf32, #tpu.memory_space<vmem>>, vector<1x16xf32>,
      %add3A_632 = arith.constant 0 : i32
      %add3A_633 = arith.addi %add3A_632, %scan3A_536 : i32
      %swap3A_634 = arith.index_cast %add3A_633 : i32 to index
      %swap3A_635 = arith.constant 112 : index
      %swap3A_636 = tpu.vector_load %arg11[%swap3A_634, %swap3A_635] {strides = array<i32>} : memref<128x128xf32, #tpu.memory_space<vmem>>, vector<1x16xf32>,
      %swap3A_637 = vector.shape_cast %swap3A_636 : vector<1x16xf32> to vector<16xf32>
      %swap3A_638 = vector.shape_cast %get3A_583 : vector<16xf32> to vector<1x16xf32>
      tpu.vector_store %arg11[%swap3A_634, %swap3A_635], %swap3A_638 {add = true, strides = array<i32>} : memref<128x128xf32, #tpu.memory_space<vmem>>, vector<1x16xf32>,
      %add3A_639 = arith.constant 32 : i32
      %add3A_640 = arith.addi %add3A_639, %scan3A_536 : i32
      %swap3A_641 = arith.index_cast %add3A_640 : i32 to index
      %swap3A_642 = arith.constant 0 : index
      %swap3A_643 = tpu.vector_load %arg11[%swap3A_641, %swap3A_642] {strides = array<i32>} : memref<128x128xf32, #tpu.memory_space<vmem>>, vector<1x16xf32>,
      %swap3A_644 = vector.shape_cast %swap3A_643 : vector<1x16xf32> to vector<16xf32>
      %swap3A_645 = vector.shape_cast %get3A_541 : vector<16xf32> to vector<1x16xf32>
      tpu.vector_store %arg11[%swap3A_641, %swap3A_642], %swap3A_645 {add = true, strides = array<i32>} : memref<128x128xf32, #tpu.memory_space<vmem>>, vector<1x16xf32>,
      %add3A_646 = arith.constant 32 : i32
      %add3A_647 = arith.addi %add3A_646, %scan3A_536 : i32
      %swap3A_648 = arith.index_cast %add3A_647 : i32 to index
      %swap3A_649 = arith.constant 16 : index
      %swap3A_650 = tpu.vector_load %arg11[%swap3A_648, %swap3A_649] {strides = array<i32>} : memref<128x128xf32, #tpu.memory_space<vmem>>, vector<1x16xf32>,
      %swap3A_651 = vector.shape_cast %swap3A_650 : vector<1x16xf32> to vector<16xf32>
      %swap3A_652 = vector.shape_cast %get3A_547 : vector<16xf32> to vector<1x16xf32>
      tpu.vector_store %arg11[%swap3A_648, %swap3A_649], %swap3A_652 {add = true, strides = array<i32>} : memref<128x128xf32, #tpu.memory_space<vmem>>, vector<1x16xf32>,
      %add3A_653 = arith.constant 32 : i32
      %add3A_654 = arith.addi %add3A_653, %scan3A_536 : i32
      %swap3A_655 = arith.index_cast %add3A_654 : i32 to index
      %swap3A_656 = arith.constant 32 : index
      %swap3A_657 = tpu.vector_load %arg11[%swap3A_655, %swap3A_656] {strides = array<i32>} : memref<128x128xf32, #tpu.memory_space<vmem>>, vector<1x16xf32>,
      %swap3A_658 = vector.shape_cast %swap3A_657 : vector<1x16xf32> to vector<16xf32>
      %swap3A_659 = vector.shape_cast %get3A_553 : vector<16xf32> to vector<1x16xf32>
      tpu.vector_store %arg11[%swap3A_655, %swap3A_656], %swap3A_659 {add = true, strides = array<i32>} : memref<128x128xf32, #tpu.memory_space<vmem>>, vector<1x16xf32>,
      %add3A_660 = arith.constant 32 : i32
      %add3A_661 = arith.addi %add3A_660, %scan3A_536 : i32
      %swap3A_662 = arith.index_cast %add3A_661 : i32 to index
      %swap3A_663 = arith.constant 48 : index
      %swap3A_664 = tpu.vector_load %arg11[%swap3A_662, %swap3A_663] {strides = array<i32>} : memref<128x128xf32, #tpu.memory_space<vmem>>, vector<1x16xf32>,
      %swap3A_665 = vector.shape_cast %swap3A_664 : vector<1x16xf32> to vector<16xf32>
      %swap3A_666 = vector.shape_cast %get3A_559 : vector<16xf32> to vector<1x16xf32>
      tpu.vector_store %arg11[%swap3A_662, %swap3A_663], %swap3A_666 {add = true, strides = array<i32>} : memref<128x128xf32, #tpu.memory_space<vmem>>, vector<1x16xf32>,
      %add3A_667 = arith.constant 32 : i32
      %add3A_668 = arith.addi %add3A_667, %scan3A_536 : i32
      %swap3A_669 = arith.index_cast %add3A_668 : i32 to index
      %swap3A_670 = arith.constant 64 : index
      %swap3A_671 = tpu.vector_load %arg11[%swap3A_669, %swap3A_670] {strides = array<i32>} : memref<128x128xf32, #tpu.memory_space<vmem>>, vector<1x16xf32>,
      %swap3A_672 = vector.shape_cast %swap3A_671 : vector<1x16xf32> to vector<16xf32>
      %swap3A_673 = vector.shape_cast %get3A_565 : vector<16xf32> to vector<1x16xf32>
      tpu.vector_store %arg11[%swap3A_669, %swap3A_670], %swap3A_673 {add = true, strides = array<i32>} : memref<128x128xf32, #tpu.memory_space<vmem>>, vector<1x16xf32>,
      %add3A_674 = arith.constant 32 : i32
      %add3A_675 = arith.addi %add3A_674, %scan3A_536 : i32
      %swap3A_676 = arith.index_cast %add3A_675 : i32 to index
      %swap3A_677 = arith.constant 80 : index
      %swap3A_678 = tpu.vector_load %arg11[%swap3A_676, %swap3A_677] {strides = array<i32>} : memref<128x128xf32, #tpu.memory_space<vmem>>, vector<1x16xf32>,
      %swap3A_679 = vector.shape_cast %swap3A_678 : vector<1x16xf32> to vector<16xf32>
      %swap3A_680 = vector.shape_cast %get3A_571 : vector<16xf32> to vector<1x16xf32>
      tpu.vector_store %arg11[%swap3A_676, %swap3A_677], %swap3A_680 {add = true, strides = array<i32>} : memref<128x128xf32, #tpu.memory_space<vmem>>, vector<1x16xf32>,
      %add3A_681 = arith.constant 32 : i32
      %add3A_682 = arith.addi %add3A_681, %scan3A_536 : i32
      %swap3A_683 = arith.index_cast %add3A_682 : i32 to index
      %swap3A_684 = arith.constant 96 : index
      %swap3A_685 = tpu.vector_load %arg11[%swap3A_683, %swap3A_684] {strides = array<i32>} : memref<128x128xf32, #tpu.memory_space<vmem>>, vector<1x16xf32>,
      %swap3A_686 = vector.shape_cast %swap3A_685 : vector<1x16xf32> to vector<16xf32>
      %swap3A_687 = vector.shape_cast %get3A_577 : vector<16xf32> to vector<1x16xf32>
      tpu.vector_store %arg11[%swap3A_683, %swap3A_684], %swap3A_687 {add = true, strides = array<i32>} : memref<128x128xf32, #tpu.memory_space<vmem>>, vector<1x16xf32>,
      %add3A_688 = arith.constant 32 : i32
      %add3A_689 = arith.addi %add3A_688, %scan3A_536 : i32
      %swap3A_690 = arith.index_cast %add3A_689 : i32 to index
      %swap3A_691 = arith.constant 112 : index
      %swap3A_692 = tpu.vector_load %arg11[%swap3A_690, %swap3A_691] {strides = array<i32>} : memref<128x128xf32, #tpu.memory_space<vmem>>, vector<1x16xf32>,
      %swap3A_693 = vector.shape_cast %swap3A_692 : vector<1x16xf32> to vector<16xf32>
      %swap3A_694 = vector.shape_cast %get3A_583 : vector<16xf32> to vector<1x16xf32>
      tpu.vector_store %arg11[%swap3A_690, %swap3A_691], %swap3A_694 {add = true, strides = array<i32>} : memref<128x128xf32, #tpu.memory_space<vmem>>, vector<1x16xf32>,
      %add3A_695 = arith.constant 64 : i32
      %add3A_696 = arith.addi %add3A_695, %scan3A_536 : i32
      %swap3A_697 = arith.index_cast %add3A_696 : i32 to index
      %swap3A_698 = arith.constant 0 : index
      %swap3A_699 = tpu.vector_load %arg11[%swap3A_697, %swap3A_698] {strides = array<i32>} : memref<128x128xf32, #tpu.memory_space<vmem>>, vector<1x16xf32>,
      %swap3A_700 = vector.shape_cast %swap3A_699 : vector<1x16xf32> to vector<16xf32>
      %swap3A_701 = vector.shape_cast %get3A_541 : vector<16xf32> to vector<1x16xf32>
      tpu.vector_store %arg11[%swap3A_697, %swap3A_698], %swap3A_701 {add = true, strides = array<i32>} : memref<128x128xf32, #tpu.memory_space<vmem>>, vector<1x16xf32>,
      %add3A_702 = arith.constant 64 : i32
      %add3A_703 = arith.addi %add3A_702, %scan3A_536 : i32
      %swap3A_704 = arith.index_cast %add3A_703 : i32 to index
      %swap3A_705 = arith.constant 16 : index
      %swap3A_706 = tpu.vector_load %arg11[%swap3A_704, %swap3A_705] {strides = array<i32>} : memref<128x128xf32, #tpu.memory_space<vmem>>, vector<1x16xf32>,
      %swap3A_707 = vector.shape_cast %swap3A_706 : vector<1x16xf32> to vector<16xf32>
      %swap3A_708 = vector.shape_cast %get3A_547 : vector<16xf32> to vector<1x16xf32>
      tpu.vector_store %arg11[%swap3A_704, %swap3A_705], %swap3A_708 {add = true, strides = array<i32>} : memref<128x128xf32, #tpu.memory_space<vmem>>, vector<1x16xf32>,
      %add3A_709 = arith.constant 64 : i32
      %add3A_710 = arith.addi %add3A_709, %scan3A_536 : i32
      %swap3A_711 = arith.index_cast %add3A_710 : i32 to index
      %swap3A_712 = arith.constant 32 : index
      %swap3A_713 = tpu.vector_load %arg11[%swap3A_711, %swap3A_712] {strides = array<i32>} : memref<128x128xf32, #tpu.memory_space<vmem>>, vector<1x16xf32>,
      %swap3A_714 = vector.shape_cast %swap3A_713 : vector<1x16xf32> to vector<16xf32>
      %swap3A_715 = vector.shape_cast %get3A_553 : vector<16xf32> to vector<1x16xf32>
      tpu.vector_store %arg11[%swap3A_711, %swap3A_712], %swap3A_715 {add = true, strides = array<i32>} : memref<128x128xf32, #tpu.memory_space<vmem>>, vector<1x16xf32>,
      %add3A_716 = arith.constant 64 : i32
      %add3A_717 = arith.addi %add3A_716, %scan3A_536 : i32
      %swap3A_718 = arith.index_cast %add3A_717 : i32 to index
      %swap3A_719 = arith.constant 48 : index
      %swap3A_720 = tpu.vector_load %arg11[%swap3A_718, %swap3A_719] {strides = array<i32>} : memref<128x128xf32, #tpu.memory_space<vmem>>, vector<1x16xf32>,
      %swap3A_721 = vector.shape_cast %swap3A_720 : vector<1x16xf32> to vector<16xf32>
      %swap3A_722 = vector.shape_cast %get3A_559 : vector<16xf32> to vector<1x16xf32>
      tpu.vector_store %arg11[%swap3A_718, %swap3A_719], %swap3A_722 {add = true, strides = array<i32>} : memref<128x128xf32, #tpu.memory_space<vmem>>, vector<1x16xf32>,
      %add3A_723 = arith.constant 64 : i32
      %add3A_724 = arith.addi %add3A_723, %scan3A_536 : i32
      %swap3A_725 = arith.index_cast %add3A_724 : i32 to index
      %swap3A_726 = arith.constant 64 : index
      %swap3A_727 = tpu.vector_load %arg11[%swap3A_725, %swap3A_726] {strides = array<i32>} : memref<128x128xf32, #tpu.memory_space<vmem>>, vector<1x16xf32>,
      %swap3A_728 = vector.shape_cast %swap3A_727 : vector<1x16xf32> to vector<16xf32>
      %swap3A_729 = vector.shape_cast %get3A_565 : vector<16xf32> to vector<1x16xf32>
      tpu.vector_store %arg11[%swap3A_725, %swap3A_726], %swap3A_729 {add = true, strides = array<i32>} : memref<128x128xf32, #tpu.memory_space<vmem>>, vector<1x16xf32>,
      %add3A_730 = arith.constant 64 : i32
      %add3A_731 = arith.addi %add3A_730, %scan3A_536 : i32
      %swap3A_732 = arith.index_cast %add3A_731 : i32 to index
      %swap3A_733 = arith.constant 80 : index
      %swap3A_734 = tpu.vector_load %arg11[%swap3A_732, %swap3A_733] {strides = array<i32>} : memref<128x128xf32, #tpu.memory_space<vmem>>, vector<1x16xf32>,
      %swap3A_735 = vector.shape_cast %swap3A_734 : vector<1x16xf32> to vector<16xf32>
      %swap3A_736 = vector.shape_cast %get3A_571 : vector<16xf32> to vector<1x16xf32>
      tpu.vector_store %arg11[%swap3A_732, %swap3A_733], %swap3A_736 {add = true, strides = array<i32>} : memref<128x128xf32, #tpu.memory_space<vmem>>, vector<1x16xf32>,
      %add3A_737 = arith.constant 64 : i32
      %add3A_738 = arith.addi %add3A_737, %scan3A_536 : i32
      %swap3A_739 = arith.index_cast %add3A_738 : i32 to index
      %swap3A_740 = arith.constant 96 : index
      %swap3A_741 = tpu.vector_load %arg11[%swap3A_739, %swap3A_740] {strides = array<i32>} : memref<128x128xf32, #tpu.memory_space<vmem>>, vector<1x16xf32>,
      %swap3A_742 = vector.shape_cast %swap3A_741 : vector<1x16xf32> to vector<16xf32>
      %swap3A_743 = vector.shape_cast %get3A_577 : vector<16xf32> to vector<1x16xf32>
      tpu.vector_store %arg11[%swap3A_739, %swap3A_740], %swap3A_743 {add = true, strides = array<i32>} : memref<128x128xf32, #tpu.memory_space<vmem>>, vector<1x16xf32>,
      %add3A_744 = arith.constant 64 : i32
      %add3A_745 = arith.addi %add3A_744, %scan3A_536 : i32
      %swap3A_746 = arith.index_cast %add3A_745 : i32 to index
      %swap3A_747 = arith.constant 112 : index
      %swap3A_748 = tpu.vector_load %arg11[%swap3A_746, %swap3A_747] {strides = array<i32>} : memref<128x128xf32, #tpu.memory_space<vmem>>, vector<1x16xf32>,
      %swap3A_749 = vector.shape_cast %swap3A_748 : vector<1x16xf32> to vector<16xf32>
      %swap3A_750 = vector.shape_cast %get3A_583 : vector<16xf32> to vector<1x16xf32>
      tpu.vector_store %arg11[%swap3A_746, %swap3A_747], %swap3A_750 {add = true, strides = array<i32>} : memref<128x128xf32, #tpu.memory_space<vmem>>, vector<1x16xf32>,
      %add3A_751 = arith.constant 96 : i32
      %add3A_752 = arith.addi %add3A_751, %scan3A_536 : i32
      %swap3A_753 = arith.index_cast %add3A_752 : i32 to index
      %swap3A_754 = arith.constant 0 : index
      %swap3A_755 = tpu.vector_load %arg11[%swap3A_753, %swap3A_754] {strides = array<i32>} : memref<128x128xf32, #tpu.memory_space<vmem>>, vector<1x16xf32>,
      %swap3A_756 = vector.shape_cast %swap3A_755 : vector<1x16xf32> to vector<16xf32>
      %swap3A_757 = vector.shape_cast %get3A_541 : vector<16xf32> to vector<1x16xf32>
      tpu.vector_store %arg11[%swap3A_753, %swap3A_754], %swap3A_757 {add = true, strides = array<i32>} : memref<128x128xf32, #tpu.memory_space<vmem>>, vector<1x16xf32>,
      %add3A_758 = arith.constant 96 : i32
      %add3A_759 = arith.addi %add3A_758, %scan3A_536 : i32
      %swap3A_760 = arith.index_cast %add3A_759 : i32 to index
      %swap3A_761 = arith.constant 16 : index
      %swap3A_762 = tpu.vector_load %arg11[%swap3A_760, %swap3A_761] {strides = array<i32>} : memref<128x128xf32, #tpu.memory_space<vmem>>, vector<1x16xf32>,
      %swap3A_763 = vector.shape_cast %swap3A_762 : vector<1x16xf32> to vector<16xf32>
      %swap3A_764 = vector.shape_cast %get3A_547 : vector<16xf32> to vector<1x16xf32>
      tpu.vector_store %arg11[%swap3A_760, %swap3A_761], %swap3A_764 {add = true, strides = array<i32>} : memref<128x128xf32, #tpu.memory_space<vmem>>, vector<1x16xf32>,
      %add3A_765 = arith.constant 96 : i32
      %add3A_766 = arith.addi %add3A_765, %scan3A_536 : i32
      %swap3A_767 = arith.index_cast %add3A_766 : i32 to index
      %swap3A_768 = arith.constant 32 : index
      %swap3A_769 = tpu.vector_load %arg11[%swap3A_767, %swap3A_768] {strides = array<i32>} : memref<128x128xf32, #tpu.memory_space<vmem>>, vector<1x16xf32>,
      %swap3A_770 = vector.shape_cast %swap3A_769 : vector<1x16xf32> to vector<16xf32>
      %swap3A_771 = vector.shape_cast %get3A_553 : vector<16xf32> to vector<1x16xf32>
      tpu.vector_store %arg11[%swap3A_767, %swap3A_768], %swap3A_771 {add = true, strides = array<i32>} : memref<128x128xf32, #tpu.memory_space<vmem>>, vector<1x16xf32>,
      %add3A_772 = arith.constant 96 : i32
      %add3A_773 = arith.addi %add3A_772, %scan3A_536 : i32
      %swap3A_774 = arith.index_cast %add3A_773 : i32 to index
      %swap3A_775 = arith.constant 48 : index
      %swap3A_776 = tpu.vector_load %arg11[%swap3A_774, %swap3A_775] {strides = array<i32>} : memref<128x128xf32, #tpu.memory_space<vmem>>, vector<1x16xf32>,
      %swap3A_777 = vector.shape_cast %swap3A_776 : vector<1x16xf32> to vector<16xf32>
      %swap3A_778 = vector.shape_cast %get3A_559 : vector<16xf32> to vector<1x16xf32>
      tpu.vector_store %arg11[%swap3A_774, %swap3A_775], %swap3A_778 {add = true, strides = array<i32>} : memref<128x128xf32, #tpu.memory_space<vmem>>, vector<1x16xf32>,
      %add3A_779 = arith.constant 96 : i32
      %add3A_780 = arith.addi %add3A_779, %scan3A_536 : i32
      %swap3A_781 = arith.index_cast %add3A_780 : i32 to index
      %swap3A_782 = arith.constant 64 : index
      %swap3A_783 = tpu.vector_load %arg11[%swap3A_781, %swap3A_782] {strides = array<i32>} : memref<128x128xf32, #tpu.memory_space<vmem>>, vector<1x16xf32>,
      %swap3A_784 = vector.shape_cast %swap3A_783 : vector<1x16xf32> to vector<16xf32>
      %swap3A_785 = vector.shape_cast %get3A_565 : vector<16xf32> to vector<1x16xf32>
      tpu.vector_store %arg11[%swap3A_781, %swap3A_782], %swap3A_785 {add = true, strides = array<i32>} : memref<128x128xf32, #tpu.memory_space<vmem>>, vector<1x16xf32>,
      %add3A_786 = arith.constant 96 : i32
      %add3A_787 = arith.addi %add3A_786, %scan3A_536 : i32
      %swap3A_788 = arith.index_cast %add3A_787 : i32 to index
      %swap3A_789 = arith.constant 80 : index
      %swap3A_790 = tpu.vector_load %arg11[%swap3A_788, %swap3A_789] {strides = array<i32>} : memref<128x128xf32, #tpu.memory_space<vmem>>, vector<1x16xf32>,
      %swap3A_791 = vector.shape_cast %swap3A_790 : vector<1x16xf32> to vector<16xf32>
      %swap3A_792 = vector.shape_cast %get3A_571 : vector<16xf32> to vector<1x16xf32>
      tpu.vector_store %arg11[%swap3A_788, %swap3A_789], %swap3A_792 {add = true, strides = array<i32>} : memref<128x128xf32, #tpu.memory_space<vmem>>, vector<1x16xf32>,
      %add3A_793 = arith.constant 96 : i32
      %add3A_794 = arith.addi %add3A_793, %scan3A_536 : i32
      %swap3A_795 = arith.index_cast %add3A_794 : i32 to index
      %swap3A_796 = arith.constant 96 : index
      %swap3A_797 = tpu.vector_load %arg11[%swap3A_795, %swap3A_796] {strides = array<i32>} : memref<128x128xf32, #tpu.memory_space<vmem>>, vector<1x16xf32>,
      %swap3A_798 = vector.shape_cast %swap3A_797 : vector<1x16xf32> to vector<16xf32>
      %swap3A_799 = vector.shape_cast %get3A_577 : vector<16xf32> to vector<1x16xf32>
      tpu.vector_store %arg11[%swap3A_795, %swap3A_796], %swap3A_799 {add = true, strides = array<i32>} : memref<128x128xf32, #tpu.memory_space<vmem>>, vector<1x16xf32>,
      %add3A_800 = arith.constant 96 : i32
      %add3A_801 = arith.addi %add3A_800, %scan3A_536 : i32
      %swap3A_802 = arith.index_cast %add3A_801 : i32 to index
      %swap3A_803 = arith.constant 112 : index
      %swap3A_804 = tpu.vector_load %arg11[%swap3A_802, %swap3A_803] {strides = array<i32>} : memref<128x128xf32, #tpu.memory_space<vmem>>, vector<1x16xf32>,
      %swap3A_805 = vector.shape_cast %swap3A_804 : vector<1x16xf32> to vector<16xf32>
      %swap3A_806 = vector.shape_cast %get3A_583 : vector<16xf32> to vector<1x16xf32>
      tpu.vector_store %arg11[%swap3A_802, %swap3A_803], %swap3A_806 {add = true, strides = array<i32>} : memref<128x128xf32, #tpu.memory_space<vmem>>, vector<1x16xf32>,
    }
    %scan3A_267 = arith.constant 32 : i32
    %add3A_268 = arith.constant 96 : i32
    %add3A_269 = arith.addi %mul3A_2, %add3A_268 : i32
    %dma_start3A_270 = arith.constant 0 : i32
    %dma_start3A_271 = arith.constant 0 : i32
    %dma_start3A_272 = arith.constant 0 : i32
    %dma_start3A_273 = tpu.memref_slice %arg11[%dma_start3A_271, %dma_start3A_272] : memref<128x128xf32, #tpu.memory_space<vmem>> -> memref<32x128xf32, #tpu.memory_space<vmem>>
    %dma_start3A_274 = arith.constant 0 : i32
    %dma_start3A_275 = tpu.memref_slice %arg5[%dma_start3A_270, %add3A_269, %dma_start3A_274] : memref<4x4096x128xf32, #tpu.memory_space<hbm>> -> memref<1x32x128xf32, #tpu.memory_space<hbm>>
    %dma_start3A_276 = tpu.memref_squeeze %dma_start3A_275 : memref<1x32x128xf32, #tpu.memory_space<hbm>> -> memref<32x128xf32, #tpu.memory_space<hbm>>
    %dma_start3A_277 = arith.constant 0 : i32
    %dma_start3A_278 = tpu.memref_slice %arg5[%dma_start3A_270, %add3A_269, %dma_start3A_277] : memref<4x4096x128xf32, #tpu.memory_space<hbm>> -> memref<1x32x128xf32, #tpu.memory_space<hbm>>
    %dma_start3A_279 = tpu.memref_squeeze %dma_start3A_278 : memref<1x32x128xf32, #tpu.memory_space<hbm>> -> memref<32x128xf32, #tpu.memory_space<hbm>>
    %dma_start3A_280 = arith.constant 0 : i32
    %dma_start3A_281 = arith.constant 0 : i32
    %dma_start3A_282 = tpu.memref_slice %arg11[%dma_start3A_280, %dma_start3A_281] : memref<128x128xf32, #tpu.memory_space<vmem>> -> memref<32x128xf32, #tpu.memory_space<vmem>>
    tpu.enqueue_dma source(%dma_start3A_282 : memref<32x128xf32, #tpu.memory_space<vmem>>) target(%dma_start3A_279 : memref<32x128xf32, #tpu.memory_space<hbm>>) target_semaphore(%arg16 : memref<!tpu.dma_semaphore, #tpu.memory_space<semaphore_mem>>)
    %add3A_283 = arith.constant 96 : i32
    %add3A_284 = arith.addi %mul3A_2, %add3A_283 : i32
    %dma_start3A_285 = arith.constant 1 : i32
    %dma_start3A_286 = arith.constant 32 : i32
    %dma_start3A_287 = arith.constant 0 : i32
    %dma_start3A_288 = tpu.memref_slice %arg11[%dma_start3A_286, %dma_start3A_287] : memref<128x128xf32, #tpu.memory_space<vmem>> -> memref<32x128xf32, #tpu.memory_space<vmem>>
    %dma_start3A_289 = arith.constant 0 : i32
    %dma_start3A_290 = tpu.memref_slice %arg5[%dma_start3A_285, %add3A_284, %dma_start3A_289] : memref<4x4096x128xf32, #tpu.memory_space<hbm>> -> memref<1x32x128xf32, #tpu.memory_space<hbm>>
    %dma_start3A_291 = tpu.memref_squeeze %dma_start3A_290 : memref<1x32x128xf32, #tpu.memory_space<hbm>> -> memref<32x128xf32, #tpu.memory_space<hbm>>
    %dma_start3A_292 = arith.constant 0 : i32
    %dma_start3A_293 = tpu.memref_slice %arg5[%dma_start3A_285, %add3A_284, %dma_start3A_292] : memref<4x4096x128xf32, #tpu.memory_space<hbm>> -> memref<1x32x128xf32, #tpu.memory_space<hbm>>
    %dma_start3A_294 = tpu.memref_squeeze %dma_start3A_293 : memref<1x32x128xf32, #tpu.memory_space<hbm>> -> memref<32x128xf32, #tpu.memory_space<hbm>>
    %dma_start3A_295 = arith.constant 32 : i32
    %dma_start3A_296 = arith.constant 0 : i32
    %dma_start3A_297 = tpu.memref_slice %arg11[%dma_start3A_295, %dma_start3A_296] : memref<128x128xf32, #tpu.memory_space<vmem>> -> memref<32x128xf32, #tpu.memory_space<vmem>>
    tpu.enqueue_dma source(%dma_start3A_297 : memref<32x128xf32, #tpu.memory_space<vmem>>) target(%dma_start3A_294 : memref<32x128xf32, #tpu.memory_space<hbm>>) target_semaphore(%arg16 : memref<!tpu.dma_semaphore, #tpu.memory_space<semaphore_mem>>)
    %add3A_298 = arith.constant 96 : i32
    %add3A_299 = arith.addi %mul3A_2, %add3A_298 : i32
    %dma_start3A_300 = arith.constant 2 : i32
    %dma_start3A_301 = arith.constant 64 : i32
    %dma_start3A_302 = arith.constant 0 : i32
    %dma_start3A_303 = tpu.memref_slice %arg11[%dma_start3A_301, %dma_start3A_302] : memref<128x128xf32, #tpu.memory_space<vmem>> -> memref<32x128xf32, #tpu.memory_space<vmem>>
    %dma_start3A_304 = arith.constant 0 : i32
    %dma_start3A_305 = tpu.memref_slice %arg5[%dma_start3A_300, %add3A_299, %dma_start3A_304] : memref<4x4096x128xf32, #tpu.memory_space<hbm>> -> memref<1x32x128xf32, #tpu.memory_space<hbm>>
    %dma_start3A_306 = tpu.memref_squeeze %dma_start3A_305 : memref<1x32x128xf32, #tpu.memory_space<hbm>> -> memref<32x128xf32, #tpu.memory_space<hbm>>
    %dma_start3A_307 = arith.constant 0 : i32
    %dma_start3A_308 = tpu.memref_slice %arg5[%dma_start3A_300, %add3A_299, %dma_start3A_307] : memref<4x4096x128xf32, #tpu.memory_space<hbm>> -> memref<1x32x128xf32, #tpu.memory_space<hbm>>
    %dma_start3A_309 = tpu.memref_squeeze %dma_start3A_308 : memref<1x32x128xf32, #tpu.memory_space<hbm>> -> memref<32x128xf32, #tpu.memory_space<hbm>>
    %dma_start3A_310 = arith.constant 64 : i32
    %dma_start3A_311 = arith.constant 0 : i32
    %dma_start3A_312 = tpu.memref_slice %arg11[%dma_start3A_310, %dma_start3A_311] : memref<128x128xf32, #tpu.memory_space<vmem>> -> memref<32x128xf32, #tpu.memory_space<vmem>>
    tpu.enqueue_dma source(%dma_start3A_312 : memref<32x128xf32, #tpu.memory_space<vmem>>) target(%dma_start3A_309 : memref<32x128xf32, #tpu.memory_space<hbm>>) target_semaphore(%arg16 : memref<!tpu.dma_semaphore, #tpu.memory_space<semaphore_mem>>)
    %add3A_313 = arith.constant 96 : i32
    %add3A_314 = arith.addi %mul3A_2, %add3A_313 : i32
    %dma_start3A_315 = arith.constant 3 : i32
    %dma_start3A_316 = arith.constant 96 : i32
    %dma_start3A_317 = arith.constant 0 : i32
    %dma_start3A_318 = tpu.memref_slice %arg11[%dma_start3A_316, %dma_start3A_317] : memref<128x128xf32, #tpu.memory_space<vmem>> -> memref<32x128xf32, #tpu.memory_space<vmem>>
    %dma_start3A_319 = arith.constant 0 : i32
    %dma_start3A_320 = tpu.memref_slice %arg5[%dma_start3A_315, %add3A_314, %dma_start3A_319] : memref<4x4096x128xf32, #tpu.memory_space<hbm>> -> memref<1x32x128xf32, #tpu.memory_space<hbm>>
    %dma_start3A_321 = tpu.memref_squeeze %dma_start3A_320 : memref<1x32x128xf32, #tpu.memory_space<hbm>> -> memref<32x128xf32, #tpu.memory_space<hbm>>
    %dma_start3A_322 = arith.constant 0 : i32
    %dma_start3A_323 = tpu.memref_slice %arg5[%dma_start3A_315, %add3A_314, %dma_start3A_322] : memref<4x4096x128xf32, #tpu.memory_space<hbm>> -> memref<1x32x128xf32, #tpu.memory_space<hbm>>
    %dma_start3A_324 = tpu.memref_squeeze %dma_start3A_323 : memref<1x32x128xf32, #tpu.memory_space<hbm>> -> memref<32x128xf32, #tpu.memory_space<hbm>>
    %dma_start3A_325 = arith.constant 96 : i32
    %dma_start3A_326 = arith.constant 0 : i32
    %dma_start3A_327 = tpu.memref_slice %arg11[%dma_start3A_325, %dma_start3A_326] : memref<128x128xf32, #tpu.memory_space<vmem>> -> memref<32x128xf32, #tpu.memory_space<vmem>>
    tpu.enqueue_dma source(%dma_start3A_327 : memref<32x128xf32, #tpu.memory_space<vmem>>) target(%dma_start3A_324 : memref<32x128xf32, #tpu.memory_space<hbm>>) target_semaphore(%arg16 : memref<!tpu.dma_semaphore, #tpu.memory_space<semaphore_mem>>)
    %dma_wait3A_328 = arith.constant 0 : i32
    %dma_wait3A_329 = arith.constant 0 : i32
    %dma_wait3A_330 = arith.constant 0 : i32
    %dma_wait3A_331 = tpu.memref_slice %arg8[%dma_wait3A_329, %dma_wait3A_330] : memref<128x128xf32, #tpu.memory_space<vmem>> -> memref<32x128xf32, #tpu.memory_space<vmem>>
    %dma_wait3A_332 = arith.constant 0 : i32
    %dma_wait3A_333 = tpu.memref_slice %arg5[%dma_wait3A_328, %add3A_50, %dma_wait3A_332] : memref<4x4096x128xf32, #tpu.memory_space<hbm>> -> memref<1x32x128xf32, #tpu.memory_space<hbm>>
    %dma_wait3A_334 = tpu.memref_squeeze %dma_wait3A_333 : memref<1x32x128xf32, #tpu.memory_space<hbm>> -> memref<32x128xf32, #tpu.memory_space<hbm>>
    %dma_wait3A_335 = arith.constant 0 : i32
    %dma_wait3A_336 = tpu.memref_slice %arg5[%dma_wait3A_328, %add3A_50, %dma_wait3A_335] : memref<4x4096x128xf32, #tpu.memory_space<hbm>> -> memref<1x32x128xf32, #tpu.memory_space<hbm>>
    %dma_wait3A_337 = tpu.memref_squeeze %dma_wait3A_336 : memref<1x32x128xf32, #tpu.memory_space<hbm>> -> memref<32x128xf32, #tpu.memory_space<hbm>>
    %dma_wait3A_338 = arith.constant 0 : i32
    %dma_wait3A_339 = arith.constant 0 : i32
    %dma_wait3A_340 = tpu.memref_slice %arg8[%dma_wait3A_338, %dma_wait3A_339] : memref<128x128xf32, #tpu.memory_space<vmem>> -> memref<32x128xf32, #tpu.memory_space<vmem>>
    tpu.wait_dma2 semaphore(%arg16 : memref<!tpu.dma_semaphore, #tpu.memory_space<semaphore_mem>>) src(%dma_wait3A_340 : memref<32x128xf32, #tpu.memory_space<vmem>>) dst(%dma_wait3A_337 : memref<32x128xf32, #tpu.memory_space<hbm>>)
    %dma_wait3A_341 = arith.constant 1 : i32
    %dma_wait3A_342 = arith.constant 32 : i32
    %dma_wait3A_343 = arith.constant 0 : i32
    %dma_wait3A_344 = tpu.memref_slice %arg8[%dma_wait3A_342, %dma_wait3A_343] : memref<128x128xf32, #tpu.memory_space<vmem>> -> memref<32x128xf32, #tpu.memory_space<vmem>>
    %dma_wait3A_345 = arith.constant 0 : i32
    %dma_wait3A_346 = tpu.memref_slice %arg5[%dma_wait3A_341, %add3A_65, %dma_wait3A_345] : memref<4x4096x128xf32, #tpu.memory_space<hbm>> -> memref<1x32x128xf32, #tpu.memory_space<hbm>>
    %dma_wait3A_347 = tpu.memref_squeeze %dma_wait3A_346 : memref<1x32x128xf32, #tpu.memory_space<hbm>> -> memref<32x128xf32, #tpu.memory_space<hbm>>
    %dma_wait3A_348 = arith.constant 0 : i32
    %dma_wait3A_349 = tpu.memref_slice %arg5[%dma_wait3A_341, %add3A_65, %dma_wait3A_348] : memref<4x4096x128xf32, #tpu.memory_space<hbm>> -> memref<1x32x128xf32, #tpu.memory_space<hbm>>
    %dma_wait3A_350 = tpu.memref_squeeze %dma_wait3A_349 : memref<1x32x128xf32, #tpu.memory_space<hbm>> -> memref<32x128xf32, #tpu.memory_space<hbm>>
    %dma_wait3A_351 = arith.constant 32 : i32
    %dma_wait3A_352 = arith.constant 0 : i32
    %dma_wait3A_353 = tpu.memref_slice %arg8[%dma_wait3A_351, %dma_wait3A_352] : memref<128x128xf32, #tpu.memory_space<vmem>> -> memref<32x128xf32, #tpu.memory_space<vmem>>
    tpu.wait_dma2 semaphore(%arg16 : memref<!tpu.dma_semaphore, #tpu.memory_space<semaphore_mem>>) src(%dma_wait3A_353 : memref<32x128xf32, #tpu.memory_space<vmem>>) dst(%dma_wait3A_350 : memref<32x128xf32, #tpu.memory_space<hbm>>)
    %dma_wait3A_354 = arith.constant 2 : i32
    %dma_wait3A_355 = arith.constant 64 : i32
    %dma_wait3A_356 = arith.constant 0 : i32
    %dma_wait3A_357 = tpu.memref_slice %arg8[%dma_wait3A_355, %dma_wait3A_356] : memref<128x128xf32, #tpu.memory_space<vmem>> -> memref<32x128xf32, #tpu.memory_space<vmem>>
    %dma_wait3A_358 = arith.constant 0 : i32
    %dma_wait3A_359 = tpu.memref_slice %arg5[%dma_wait3A_354, %add3A_80, %dma_wait3A_358] : memref<4x4096x128xf32, #tpu.memory_space<hbm>> -> memref<1x32x128xf32, #tpu.memory_space<hbm>>
    %dma_wait3A_360 = tpu.memref_squeeze %dma_wait3A_359 : memref<1x32x128xf32, #tpu.memory_space<hbm>> -> memref<32x128xf32, #tpu.memory_space<hbm>>
    %dma_wait3A_361 = arith.constant 0 : i32
    %dma_wait3A_362 = tpu.memref_slice %arg5[%dma_wait3A_354, %add3A_80, %dma_wait3A_361] : memref<4x4096x128xf32, #tpu.memory_space<hbm>> -> memref<1x32x128xf32, #tpu.memory_space<hbm>>
    %dma_wait3A_363 = tpu.memref_squeeze %dma_wait3A_362 : memref<1x32x128xf32, #tpu.memory_space<hbm>> -> memref<32x128xf32, #tpu.memory_space<hbm>>
    %dma_wait3A_364 = arith.constant 64 : i32
    %dma_wait3A_365 = arith.constant 0 : i32
    %dma_wait3A_366 = tpu.memref_slice %arg8[%dma_wait3A_364, %dma_wait3A_365] : memref<128x128xf32, #tpu.memory_space<vmem>> -> memref<32x128xf32, #tpu.memory_space<vmem>>
    tpu.wait_dma2 semaphore(%arg16 : memref<!tpu.dma_semaphore, #tpu.memory_space<semaphore_mem>>) src(%dma_wait3A_366 : memref<32x128xf32, #tpu.memory_space<vmem>>) dst(%dma_wait3A_363 : memref<32x128xf32, #tpu.memory_space<hbm>>)
    %dma_wait3A_367 = arith.constant 3 : i32
    %dma_wait3A_368 = arith.constant 96 : i32
    %dma_wait3A_369 = arith.constant 0 : i32
    %dma_wait3A_370 = tpu.memref_slice %arg8[%dma_wait3A_368, %dma_wait3A_369] : memref<128x128xf32, #tpu.memory_space<vmem>> -> memref<32x128xf32, #tpu.memory_space<vmem>>
    %dma_wait3A_371 = arith.constant 0 : i32
    %dma_wait3A_372 = tpu.memref_slice %arg5[%dma_wait3A_367, %add3A_95, %dma_wait3A_371] : memref<4x4096x128xf32, #tpu.memory_space<hbm>> -> memref<1x32x128xf32, #tpu.memory_space<hbm>>
    %dma_wait3A_373 = tpu.memref_squeeze %dma_wait3A_372 : memref<1x32x128xf32, #tpu.memory_space<hbm>> -> memref<32x128xf32, #tpu.memory_space<hbm>>
    %dma_wait3A_374 = arith.constant 0 : i32
    %dma_wait3A_375 = tpu.memref_slice %arg5[%dma_wait3A_367, %add3A_95, %dma_wait3A_374] : memref<4x4096x128xf32, #tpu.memory_space<hbm>> -> memref<1x32x128xf32, #tpu.memory_space<hbm>>
    %dma_wait3A_376 = tpu.memref_squeeze %dma_wait3A_375 : memref<1x32x128xf32, #tpu.memory_space<hbm>> -> memref<32x128xf32, #tpu.memory_space<hbm>>
    %dma_wait3A_377 = arith.constant 96 : i32
    %dma_wait3A_378 = arith.constant 0 : i32
    %dma_wait3A_379 = tpu.memref_slice %arg8[%dma_wait3A_377, %dma_wait3A_378] : memref<128x128xf32, #tpu.memory_space<vmem>> -> memref<32x128xf32, #tpu.memory_space<vmem>>
    tpu.wait_dma2 semaphore(%arg16 : memref<!tpu.dma_semaphore, #tpu.memory_space<semaphore_mem>>) src(%dma_wait3A_379 : memref<32x128xf32, #tpu.memory_space<vmem>>) dst(%dma_wait3A_376 : memref<32x128xf32, #tpu.memory_space<hbm>>)
    %dma_wait3A_380 = arith.constant 0 : i32
    %dma_wait3A_381 = arith.constant 0 : i32
    %dma_wait3A_382 = arith.constant 0 : i32
    %dma_wait3A_383 = tpu.memref_slice %arg9[%dma_wait3A_381, %dma_wait3A_382] : memref<128x128xf32, #tpu.memory_space<vmem>> -> memref<32x128xf32, #tpu.memory_space<vmem>>
    %dma_wait3A_384 = arith.constant 0 : i32
    %dma_wait3A_385 = tpu.memref_slice %arg5[%dma_wait3A_380, %add3A_123, %dma_wait3A_384] : memref<4x4096x128xf32, #tpu.memory_space<hbm>> -> memref<1x32x128xf32, #tpu.memory_space<hbm>>
    %dma_wait3A_386 = tpu.memref_squeeze %dma_wait3A_385 : memref<1x32x128xf32, #tpu.memory_space<hbm>> -> memref<32x128xf32, #tpu.memory_space<hbm>>
    %dma_wait3A_387 = arith.constant 0 : i32
    %dma_wait3A_388 = tpu.memref_slice %arg5[%dma_wait3A_380, %add3A_123, %dma_wait3A_387] : memref<4x4096x128xf32, #tpu.memory_space<hbm>> -> memref<1x32x128xf32, #tpu.memory_space<hbm>>
    %dma_wait3A_389 = tpu.memref_squeeze %dma_wait3A_388 : memref<1x32x128xf32, #tpu.memory_space<hbm>> -> memref<32x128xf32, #tpu.memory_space<hbm>>
    %dma_wait3A_390 = arith.constant 0 : i32
    %dma_wait3A_391 = arith.constant 0 : i32
    %dma_wait3A_392 = tpu.memref_slice %arg9[%dma_wait3A_390, %dma_wait3A_391] : memref<128x128xf32, #tpu.memory_space<vmem>> -> memref<32x128xf32, #tpu.memory_space<vmem>>
    tpu.wait_dma2 semaphore(%arg16 : memref<!tpu.dma_semaphore, #tpu.memory_space<semaphore_mem>>) src(%dma_wait3A_392 : memref<32x128xf32, #tpu.memory_space<vmem>>) dst(%dma_wait3A_389 : memref<32x128xf32, #tpu.memory_space<hbm>>)
    %dma_wait3A_393 = arith.constant 1 : i32
    %dma_wait3A_394 = arith.constant 32 : i32
    %dma_wait3A_395 = arith.constant 0 : i32
    %dma_wait3A_396 = tpu.memref_slice %arg9[%dma_wait3A_394, %dma_wait3A_395] : memref<128x128xf32, #tpu.memory_space<vmem>> -> memref<32x128xf32, #tpu.memory_space<vmem>>
    %dma_wait3A_397 = arith.constant 0 : i32
    %dma_wait3A_398 = tpu.memref_slice %arg5[%dma_wait3A_393, %add3A_138, %dma_wait3A_397] : memref<4x4096x128xf32, #tpu.memory_space<hbm>> -> memref<1x32x128xf32, #tpu.memory_space<hbm>>
    %dma_wait3A_399 = tpu.memref_squeeze %dma_wait3A_398 : memref<1x32x128xf32, #tpu.memory_space<hbm>> -> memref<32x128xf32, #tpu.memory_space<hbm>>
    %dma_wait3A_400 = arith.constant 0 : i32
    %dma_wait3A_401 = tpu.memref_slice %arg5[%dma_wait3A_393, %add3A_138, %dma_wait3A_400] : memref<4x4096x128xf32, #tpu.memory_space<hbm>> -> memref<1x32x128xf32, #tpu.memory_space<hbm>>
    %dma_wait3A_402 = tpu.memref_squeeze %dma_wait3A_401 : memref<1x32x128xf32, #tpu.memory_space<hbm>> -> memref<32x128xf32, #tpu.memory_space<hbm>>
    %dma_wait3A_403 = arith.constant 32 : i32
    %dma_wait3A_404 = arith.constant 0 : i32
    %dma_wait3A_405 = tpu.memref_slice %arg9[%dma_wait3A_403, %dma_wait3A_404] : memref<128x128xf32, #tpu.memory_space<vmem>> -> memref<32x128xf32, #tpu.memory_space<vmem>>
    tpu.wait_dma2 semaphore(%arg16 : memref<!tpu.dma_semaphore, #tpu.memory_space<semaphore_mem>>) src(%dma_wait3A_405 : memref<32x128xf32, #tpu.memory_space<vmem>>) dst(%dma_wait3A_402 : memref<32x128xf32, #tpu.memory_space<hbm>>)
    %dma_wait3A_406 = arith.constant 2 : i32
    %dma_wait3A_407 = arith.constant 64 : i32
    %dma_wait3A_408 = arith.constant 0 : i32
    %dma_wait3A_409 = tpu.memref_slice %arg9[%dma_wait3A_407, %dma_wait3A_408] : memref<128x128xf32, #tpu.memory_space<vmem>> -> memref<32x128xf32, #tpu.memory_space<vmem>>
    %dma_wait3A_410 = arith.constant 0 : i32
    %dma_wait3A_411 = tpu.memref_slice %arg5[%dma_wait3A_406, %add3A_153, %dma_wait3A_410] : memref<4x4096x128xf32, #tpu.memory_space<hbm>> -> memref<1x32x128xf32, #tpu.memory_space<hbm>>
    %dma_wait3A_412 = tpu.memref_squeeze %dma_wait3A_411 : memref<1x32x128xf32, #tpu.memory_space<hbm>> -> memref<32x128xf32, #tpu.memory_space<hbm>>
    %dma_wait3A_413 = arith.constant 0 : i32
    %dma_wait3A_414 = tpu.memref_slice %arg5[%dma_wait3A_406, %add3A_153, %dma_wait3A_413] : memref<4x4096x128xf32, #tpu.memory_space<hbm>> -> memref<1x32x128xf32, #tpu.memory_space<hbm>>
    %dma_wait3A_415 = tpu.memref_squeeze %dma_wait3A_414 : memref<1x32x128xf32, #tpu.memory_space<hbm>> -> memref<32x128xf32, #tpu.memory_space<hbm>>
    %dma_wait3A_416 = arith.constant 64 : i32
    %dma_wait3A_417 = arith.constant 0 : i32
    %dma_wait3A_418 = tpu.memref_slice %arg9[%dma_wait3A_416, %dma_wait3A_417] : memref<128x128xf32, #tpu.memory_space<vmem>> -> memref<32x128xf32, #tpu.memory_space<vmem>>
    tpu.wait_dma2 semaphore(%arg16 : memref<!tpu.dma_semaphore, #tpu.memory_space<semaphore_mem>>) src(%dma_wait3A_418 : memref<32x128xf32, #tpu.memory_space<vmem>>) dst(%dma_wait3A_415 : memref<32x128xf32, #tpu.memory_space<hbm>>)
    %dma_wait3A_419 = arith.constant 3 : i32
    %dma_wait3A_420 = arith.constant 96 : i32
    %dma_wait3A_421 = arith.constant 0 : i32
    %dma_wait3A_422 = tpu.memref_slice %arg9[%dma_wait3A_420, %dma_wait3A_421] : memref<128x128xf32, #tpu.memory_space<vmem>> -> memref<32x128xf32, #tpu.memory_space<vmem>>
    %dma_wait3A_423 = arith.constant 0 : i32
    %dma_wait3A_424 = tpu.memref_slice %arg5[%dma_wait3A_419, %add3A_168, %dma_wait3A_423] : memref<4x4096x128xf32, #tpu.memory_space<hbm>> -> memref<1x32x128xf32, #tpu.memory_space<hbm>>
    %dma_wait3A_425 = tpu.memref_squeeze %dma_wait3A_424 : memref<1x32x128xf32, #tpu.memory_space<hbm>> -> memref<32x128xf32, #tpu.memory_space<hbm>>
    %dma_wait3A_426 = arith.constant 0 : i32
    %dma_wait3A_427 = tpu.memref_slice %arg5[%dma_wait3A_419, %add3A_168, %dma_wait3A_426] : memref<4x4096x128xf32, #tpu.memory_space<hbm>> -> memref<1x32x128xf32, #tpu.memory_space<hbm>>
    %dma_wait3A_428 = tpu.memref_squeeze %dma_wait3A_427 : memref<1x32x128xf32, #tpu.memory_space<hbm>> -> memref<32x128xf32, #tpu.memory_space<hbm>>
    %dma_wait3A_429 = arith.constant 96 : i32
    %dma_wait3A_430 = arith.constant 0 : i32
    %dma_wait3A_431 = tpu.memref_slice %arg9[%dma_wait3A_429, %dma_wait3A_430] : memref<128x128xf32, #tpu.memory_space<vmem>> -> memref<32x128xf32, #tpu.memory_space<vmem>>
    tpu.wait_dma2 semaphore(%arg16 : memref<!tpu.dma_semaphore, #tpu.memory_space<semaphore_mem>>) src(%dma_wait3A_431 : memref<32x128xf32, #tpu.memory_space<vmem>>) dst(%dma_wait3A_428 : memref<32x128xf32, #tpu.memory_space<hbm>>)
    %dma_wait3A_432 = arith.constant 0 : i32
    %dma_wait3A_433 = arith.constant 0 : i32
    %dma_wait3A_434 = arith.constant 0 : i32
    %dma_wait3A_435 = tpu.memref_slice %arg10[%dma_wait3A_433, %dma_wait3A_434] : memref<128x128xf32, #tpu.memory_space<vmem>> -> memref<32x128xf32, #tpu.memory_space<vmem>>
    %dma_wait3A_436 = arith.constant 0 : i32
    %dma_wait3A_437 = tpu.memref_slice %arg5[%dma_wait3A_432, %add3A_196, %dma_wait3A_436] : memref<4x4096x128xf32, #tpu.memory_space<hbm>> -> memref<1x32x128xf32, #tpu.memory_space<hbm>>
    %dma_wait3A_438 = tpu.memref_squeeze %dma_wait3A_437 : memref<1x32x128xf32, #tpu.memory_space<hbm>> -> memref<32x128xf32, #tpu.memory_space<hbm>>
    %dma_wait3A_439 = arith.constant 0 : i32
    %dma_wait3A_440 = tpu.memref_slice %arg5[%dma_wait3A_432, %add3A_196, %dma_wait3A_439] : memref<4x4096x128xf32, #tpu.memory_space<hbm>> -> memref<1x32x128xf32, #tpu.memory_space<hbm>>
    %dma_wait3A_441 = tpu.memref_squeeze %dma_wait3A_440 : memref<1x32x128xf32, #tpu.memory_space<hbm>> -> memref<32x128xf32, #tpu.memory_space<hbm>>
    %dma_wait3A_442 = arith.constant 0 : i32
    %dma_wait3A_443 = arith.constant 0 : i32
    %dma_wait3A_444 = tpu.memref_slice %arg10[%dma_wait3A_442, %dma_wait3A_443] : memref<128x128xf32, #tpu.memory_space<vmem>> -> memref<32x128xf32, #tpu.memory_space<vmem>>
    tpu.wait_dma2 semaphore(%arg16 : memref<!tpu.dma_semaphore, #tpu.memory_space<semaphore_mem>>) src(%dma_wait3A_444 : memref<32x128xf32, #tpu.memory_space<vmem>>) dst(%dma_wait3A_441 : memref<32x128xf32, #tpu.memory_space<hbm>>)
    %dma_wait3A_445 = arith.constant 1 : i32
    %dma_wait3A_446 = arith.constant 32 : i32
    %dma_wait3A_447 = arith.constant 0 : i32
    %dma_wait3A_448 = tpu.memref_slice %arg10[%dma_wait3A_446, %dma_wait3A_447] : memref<128x128xf32, #tpu.memory_space<vmem>> -> memref<32x128xf32, #tpu.memory_space<vmem>>
    %dma_wait3A_449 = arith.constant 0 : i32
    %dma_wait3A_450 = tpu.memref_slice %arg5[%dma_wait3A_445, %add3A_211, %dma_wait3A_449] : memref<4x4096x128xf32, #tpu.memory_space<hbm>> -> memref<1x32x128xf32, #tpu.memory_space<hbm>>
    %dma_wait3A_451 = tpu.memref_squeeze %dma_wait3A_450 : memref<1x32x128xf32, #tpu.memory_space<hbm>> -> memref<32x128xf32, #tpu.memory_space<hbm>>
    %dma_wait3A_452 = arith.constant 0 : i32
    %dma_wait3A_453 = tpu.memref_slice %arg5[%dma_wait3A_445, %add3A_211, %dma_wait3A_452] : memref<4x4096x128xf32, #tpu.memory_space<hbm>> -> memref<1x32x128xf32, #tpu.memory_space<hbm>>
    %dma_wait3A_454 = tpu.memref_squeeze %dma_wait3A_453 : memref<1x32x128xf32, #tpu.memory_space<hbm>> -> memref<32x128xf32, #tpu.memory_space<hbm>>
    %dma_wait3A_455 = arith.constant 32 : i32
    %dma_wait3A_456 = arith.constant 0 : i32
    %dma_wait3A_457 = tpu.memref_slice %arg10[%dma_wait3A_455, %dma_wait3A_456] : memref<128x128xf32, #tpu.memory_space<vmem>> -> memref<32x128xf32, #tpu.memory_space<vmem>>
    tpu.wait_dma2 semaphore(%arg16 : memref<!tpu.dma_semaphore, #tpu.memory_space<semaphore_mem>>) src(%dma_wait3A_457 : memref<32x128xf32, #tpu.memory_space<vmem>>) dst(%dma_wait3A_454 : memref<32x128xf32, #tpu.memory_space<hbm>>)
    %dma_wait3A_458 = arith.constant 2 : i32
    %dma_wait3A_459 = arith.constant 64 : i32
    %dma_wait3A_460 = arith.constant 0 : i32
    %dma_wait3A_461 = tpu.memref_slice %arg10[%dma_wait3A_459, %dma_wait3A_460] : memref<128x128xf32, #tpu.memory_space<vmem>> -> memref<32x128xf32, #tpu.memory_space<vmem>>
    %dma_wait3A_462 = arith.constant 0 : i32
    %dma_wait3A_463 = tpu.memref_slice %arg5[%dma_wait3A_458, %add3A_226, %dma_wait3A_462] : memref<4x4096x128xf32, #tpu.memory_space<hbm>> -> memref<1x32x128xf32, #tpu.memory_space<hbm>>
    %dma_wait3A_464 = tpu.memref_squeeze %dma_wait3A_463 : memref<1x32x128xf32, #tpu.memory_space<hbm>> -> memref<32x128xf32, #tpu.memory_space<hbm>>
    %dma_wait3A_465 = arith.constant 0 : i32
    %dma_wait3A_466 = tpu.memref_slice %arg5[%dma_wait3A_458, %add3A_226, %dma_wait3A_465] : memref<4x4096x128xf32, #tpu.memory_space<hbm>> -> memref<1x32x128xf32, #tpu.memory_space<hbm>>
    %dma_wait3A_467 = tpu.memref_squeeze %dma_wait3A_466 : memref<1x32x128xf32, #tpu.memory_space<hbm>> -> memref<32x128xf32, #tpu.memory_space<hbm>>
    %dma_wait3A_468 = arith.constant 64 : i32
    %dma_wait3A_469 = arith.constant 0 : i32
    %dma_wait3A_470 = tpu.memref_slice %arg10[%dma_wait3A_468, %dma_wait3A_469] : memref<128x128xf32, #tpu.memory_space<vmem>> -> memref<32x128xf32, #tpu.memory_space<vmem>>
    tpu.wait_dma2 semaphore(%arg16 : memref<!tpu.dma_semaphore, #tpu.memory_space<semaphore_mem>>) src(%dma_wait3A_470 : memref<32x128xf32, #tpu.memory_space<vmem>>) dst(%dma_wait3A_467 : memref<32x128xf32, #tpu.memory_space<hbm>>)
    %dma_wait3A_471 = arith.constant 3 : i32
    %dma_wait3A_472 = arith.constant 96 : i32
    %dma_wait3A_473 = arith.constant 0 : i32
    %dma_wait3A_474 = tpu.memref_slice %arg10[%dma_wait3A_472, %dma_wait3A_473] : memref<128x128xf32, #tpu.memory_space<vmem>> -> memref<32x128xf32, #tpu.memory_space<vmem>>
    %dma_wait3A_475 = arith.constant 0 : i32
    %dma_wait3A_476 = tpu.memref_slice %arg5[%dma_wait3A_471, %add3A_241, %dma_wait3A_475] : memref<4x4096x128xf32, #tpu.memory_space<hbm>> -> memref<1x32x128xf32, #tpu.memory_space<hbm>>
    %dma_wait3A_477 = tpu.memref_squeeze %dma_wait3A_476 : memref<1x32x128xf32, #tpu.memory_space<hbm>> -> memref<32x128xf32, #tpu.memory_space<hbm>>
    %dma_wait3A_478 = arith.constant 0 : i32
    %dma_wait3A_479 = tpu.memref_slice %arg5[%dma_wait3A_471, %add3A_241, %dma_wait3A_478] : memref<4x4096x128xf32, #tpu.memory_space<hbm>> -> memref<1x32x128xf32, #tpu.memory_space<hbm>>
    %dma_wait3A_480 = tpu.memref_squeeze %dma_wait3A_479 : memref<1x32x128xf32, #tpu.memory_space<hbm>> -> memref<32x128xf32, #tpu.memory_space<hbm>>
    %dma_wait3A_481 = arith.constant 96 : i32
    %dma_wait3A_482 = arith.constant 0 : i32
    %dma_wait3A_483 = tpu.memref_slice %arg10[%dma_wait3A_481, %dma_wait3A_482] : memref<128x128xf32, #tpu.memory_space<vmem>> -> memref<32x128xf32, #tpu.memory_space<vmem>>
    tpu.wait_dma2 semaphore(%arg16 : memref<!tpu.dma_semaphore, #tpu.memory_space<semaphore_mem>>) src(%dma_wait3A_483 : memref<32x128xf32, #tpu.memory_space<vmem>>) dst(%dma_wait3A_480 : memref<32x128xf32, #tpu.memory_space<hbm>>)
    %dma_wait3A_484 = arith.constant 0 : i32
    %dma_wait3A_485 = arith.constant 0 : i32
    %dma_wait3A_486 = arith.constant 0 : i32
    %dma_wait3A_487 = tpu.memref_slice %arg11[%dma_wait3A_485, %dma_wait3A_486] : memref<128x128xf32, #tpu.memory_space<vmem>> -> memref<32x128xf32, #tpu.memory_space<vmem>>
    %dma_wait3A_488 = arith.constant 0 : i32
    %dma_wait3A_489 = tpu.memref_slice %arg5[%dma_wait3A_484, %add3A_269, %dma_wait3A_488] : memref<4x4096x128xf32, #tpu.memory_space<hbm>> -> memref<1x32x128xf32, #tpu.memory_space<hbm>>
    %dma_wait3A_490 = tpu.memref_squeeze %dma_wait3A_489 : memref<1x32x128xf32, #tpu.memory_space<hbm>> -> memref<32x128xf32, #tpu.memory_space<hbm>>
    %dma_wait3A_491 = arith.constant 0 : i32
    %dma_wait3A_492 = tpu.memref_slice %arg5[%dma_wait3A_484, %add3A_269, %dma_wait3A_491] : memref<4x4096x128xf32, #tpu.memory_space<hbm>> -> memref<1x32x128xf32, #tpu.memory_space<hbm>>
    %dma_wait3A_493 = tpu.memref_squeeze %dma_wait3A_492 : memref<1x32x128xf32, #tpu.memory_space<hbm>> -> memref<32x128xf32, #tpu.memory_space<hbm>>
    %dma_wait3A_494 = arith.constant 0 : i32
    %dma_wait3A_495 = arith.constant 0 : i32
    %dma_wait3A_496 = tpu.memref_slice %arg11[%dma_wait3A_494, %dma_wait3A_495] : memref<128x128xf32, #tpu.memory_space<vmem>> -> memref<32x128xf32, #tpu.memory_space<vmem>>
    tpu.wait_dma2 semaphore(%arg16 : memref<!tpu.dma_semaphore, #tpu.memory_space<semaphore_mem>>) src(%dma_wait3A_496 : memref<32x128xf32, #tpu.memory_space<vmem>>) dst(%dma_wait3A_493 : memref<32x128xf32, #tpu.memory_space<hbm>>)
    %dma_wait3A_497 = arith.constant 1 : i32
    %dma_wait3A_498 = arith.constant 32 : i32
    %dma_wait3A_499 = arith.constant 0 : i32
    %dma_wait3A_500 = tpu.memref_slice %arg11[%dma_wait3A_498, %dma_wait3A_499] : memref<128x128xf32, #tpu.memory_space<vmem>> -> memref<32x128xf32, #tpu.memory_space<vmem>>
    %dma_wait3A_501 = arith.constant 0 : i32
    %dma_wait3A_502 = tpu.memref_slice %arg5[%dma_wait3A_497, %add3A_284, %dma_wait3A_501] : memref<4x4096x128xf32, #tpu.memory_space<hbm>> -> memref<1x32x128xf32, #tpu.memory_space<hbm>>
    %dma_wait3A_503 = tpu.memref_squeeze %dma_wait3A_502 : memref<1x32x128xf32, #tpu.memory_space<hbm>> -> memref<32x128xf32, #tpu.memory_space<hbm>>
    %dma_wait3A_504 = arith.constant 0 : i32
    %dma_wait3A_505 = tpu.memref_slice %arg5[%dma_wait3A_497, %add3A_284, %dma_wait3A_504] : memref<4x4096x128xf32, #tpu.memory_space<hbm>> -> memref<1x32x128xf32, #tpu.memory_space<hbm>>
    %dma_wait3A_506 = tpu.memref_squeeze %dma_wait3A_505 : memref<1x32x128xf32, #tpu.memory_space<hbm>> -> memref<32x128xf32, #tpu.memory_space<hbm>>
    %dma_wait3A_507 = arith.constant 32 : i32
    %dma_wait3A_508 = arith.constant 0 : i32
    %dma_wait3A_509 = tpu.memref_slice %arg11[%dma_wait3A_507, %dma_wait3A_508] : memref<128x128xf32, #tpu.memory_space<vmem>> -> memref<32x128xf32, #tpu.memory_space<vmem>>
    tpu.wait_dma2 semaphore(%arg16 : memref<!tpu.dma_semaphore, #tpu.memory_space<semaphore_mem>>) src(%dma_wait3A_509 : memref<32x128xf32, #tpu.memory_space<vmem>>) dst(%dma_wait3A_506 : memref<32x128xf32, #tpu.memory_space<hbm>>)
    %dma_wait3A_510 = arith.constant 2 : i32
    %dma_wait3A_511 = arith.constant 64 : i32
    %dma_wait3A_512 = arith.constant 0 : i32
    %dma_wait3A_513 = tpu.memref_slice %arg11[%dma_wait3A_511, %dma_wait3A_512] : memref<128x128xf32, #tpu.memory_space<vmem>> -> memref<32x128xf32, #tpu.memory_space<vmem>>
    %dma_wait3A_514 = arith.constant 0 : i32
    %dma_wait3A_515 = tpu.memref_slice %arg5[%dma_wait3A_510, %add3A_299, %dma_wait3A_514] : memref<4x4096x128xf32, #tpu.memory_space<hbm>> -> memref<1x32x128xf32, #tpu.memory_space<hbm>>
    %dma_wait3A_516 = tpu.memref_squeeze %dma_wait3A_515 : memref<1x32x128xf32, #tpu.memory_space<hbm>> -> memref<32x128xf32, #tpu.memory_space<hbm>>
    %dma_wait3A_517 = arith.constant 0 : i32
    %dma_wait3A_518 = tpu.memref_slice %arg5[%dma_wait3A_510, %add3A_299, %dma_wait3A_517] : memref<4x4096x128xf32, #tpu.memory_space<hbm>> -> memref<1x32x128xf32, #tpu.memory_space<hbm>>
    %dma_wait3A_519 = tpu.memref_squeeze %dma_wait3A_518 : memref<1x32x128xf32, #tpu.memory_space<hbm>> -> memref<32x128xf32, #tpu.memory_space<hbm>>
    %dma_wait3A_520 = arith.constant 64 : i32
    %dma_wait3A_521 = arith.constant 0 : i32
    %dma_wait3A_522 = tpu.memref_slice %arg11[%dma_wait3A_520, %dma_wait3A_521] : memref<128x128xf32, #tpu.memory_space<vmem>> -> memref<32x128xf32, #tpu.memory_space<vmem>>
    tpu.wait_dma2 semaphore(%arg16 : memref<!tpu.dma_semaphore, #tpu.memory_space<semaphore_mem>>) src(%dma_wait3A_522 : memref<32x128xf32, #tpu.memory_space<vmem>>) dst(%dma_wait3A_519 : memref<32x128xf32, #tpu.memory_space<hbm>>)
    %dma_wait3A_523 = arith.constant 3 : i32
    %dma_wait3A_524 = arith.constant 96 : i32
    %dma_wait3A_525 = arith.constant 0 : i32
    %dma_wait3A_526 = tpu.memref_slice %arg11[%dma_wait3A_524, %dma_wait3A_525] : memref<128x128xf32, #tpu.memory_space<vmem>> -> memref<32x128xf32, #tpu.memory_space<vmem>>
    %dma_wait3A_527 = arith.constant 0 : i32
    %dma_wait3A_528 = tpu.memref_slice %arg5[%dma_wait3A_523, %add3A_314, %dma_wait3A_527] : memref<4x4096x128xf32, #tpu.memory_space<hbm>> -> memref<1x32x128xf32, #tpu.memory_space<hbm>>
    %dma_wait3A_529 = tpu.memref_squeeze %dma_wait3A_528 : memref<1x32x128xf32, #tpu.memory_space<hbm>> -> memref<32x128xf32, #tpu.memory_space<hbm>>
    %dma_wait3A_530 = arith.constant 0 : i32
    %dma_wait3A_531 = tpu.memref_slice %arg5[%dma_wait3A_523, %add3A_314, %dma_wait3A_530] : memref<4x4096x128xf32, #tpu.memory_space<hbm>> -> memref<1x32x128xf32, #tpu.memory_space<hbm>>
    %dma_wait3A_532 = tpu.memref_squeeze %dma_wait3A_531 : memref<1x32x128xf32, #tpu.memory_space<hbm>> -> memref<32x128xf32, #tpu.memory_space<hbm>>
    %dma_wait3A_533 = arith.constant 96 : i32
    %dma_wait3A_534 = arith.constant 0 : i32
    %dma_wait3A_535 = tpu.memref_slice %arg11[%dma_wait3A_533, %dma_wait3A_534] : memref<128x128xf32, #tpu.memory_space<vmem>> -> memref<32x128xf32, #tpu.memory_space<vmem>>
    tpu.wait_dma2 semaphore(%arg16 : memref<!tpu.dma_semaphore, #tpu.memory_space<semaphore_mem>>) src(%dma_wait3A_535 : memref<32x128xf32, #tpu.memory_space<vmem>>) dst(%dma_wait3A_532 : memref<32x128xf32, #tpu.memory_space<hbm>>)
    return
  }
}

</mosaic_0001>

<sc_bundles>
// kernel: kernel.3.cloned.1.call-start
scs
__scs_entry_jumppad:
0x0: {  	(pc) =	sbr.rel $0x88, $3  }
0x1: {  	(tag) =	ssettag $0x0;
	lr =	simm.s32 $0x1  }
0x2: {  	[smem:$0x3F9E] =	sst lr;
	_ =	strace $0xD0000000  }
0x3: {  	_ = 	snop  }
0x4: {  	_ = 	snop  }
0x5: {  	_ = 	snop  }
0x6: {  	_ = 	snop  }
0x7: {  	_ = 	snop  }
__scs_overlays_trampoline_lowered:
0x8: {  	[smem:$0x3FAD] =	sst s0  }
0x9: {  	[smem:$0x3FAE] =	sst s1  }
0xa: {  	[smem:$0x3FAF] =	sst s2  }
0xb: {  	[smem:$0x3FB0] =	sst s3  }
0xc: {  	[smem:$0x3FB1] =	sst s4  }
0xd: {  	[smem:$0x3FB2] =	sst s5  }
0xe: {  	[smem:$0x3FB3] =	sst s6  }
0xf: {  	[smem:$0x3FB4] =	sst s7  }
0x10: {  	[smem:$0x3FB5] =	sst s8  }
0x11: {  	[smem:$0x3FB6] =	sst s9;
	s0 =	simm.s32 @!p0 $0x0  }
0x12: {  	s1 =	sld [smem:$0x3F9C];
	s0 =	simm.s32 @p0 $0x1  }
0x13: {  	[smem:$0x3FB7] =	sst s0;
	s0 =	simm.s32 @!p1 $0x0  }
0x14: {  	s2 =	sld [smem:$0x3F9B];
	s0 =	simm.s32 @p1 $0x1  }
0x15: {  	[smem:$0x3FB8] =	sst s0;
	s0 =	simm.s32 @!p2 $0x0  }
0x16: {  	s3 =	sld [smem:$0x3FDB];
	s0 =	simm.s32 @p2 $0x1  }
0x17: {  	s4 =	simm.s32 $0x1BF5;
	[smem:$0x3FBA] =	sst s0  }
0x18: {  	s0 =	sld [smem:$0x3F9D];
	_ =	swait.ge [sflag:s4], $0x0  }
0x19: {  	s7 =	sld [smem:$0x3F9E]  }
0x1a: {  	s8 =	sadd.s32 $0xFFFFE003, lr  }
0x1b: {  	s9 =	sadd.s32 $0xFFFFFEF7, lr;
	s5 =	simm.s32 $0xFFFFFFFF;
	p2 =	slt.u32 s8, $0xFFFFF086  }
0x1c: {  	p1 =	slt.u32 s9, $0xF7A;
	s5 =	simm.s32 @!p2 $0x0  }
0x1d: {  	s5 =	simm.s32 @p1 $0x1;
	p0 =	seq.s32 s7, s2  }
0x1e: {  	s7 =	smul.u32 @!p0 $0xF7A, s2;
	p2 =	seq.s32 @!p0 s5, $0x0  }
0x1f: {  	s9 =	smul.u32 $0xF7A, s1;
	s8 =	simm.s32 @!p0 $0x1BF5;
	p2 =	por !p2, p0  }
0x20: {  	[sflag:s8] =	ssyncset.s32 @!p0 $0xFFFFF086;
	s6 =	sadd.s32 @!p0 s3, s7;
	s7 =	simm.s32 @!p0 $0x108  }
0x21: {  	s3 =	sadd.s32 s3, s9;
	s6 =	sadd.s32 @!p0 $0x88, s6;
	s7 =	simm.s32 @p2 $0x1082  }
0x22: {  	[simem:s7], [sflag:s8] =	dma.local @!p0 [hbm:s6], $0xF7A  }
0x23: {  	s9 =	sor.u32 $0xD0000000, s2;
	s6 =	simm.s32 $0x108;
	_ =	swait.ge @!p0 [sflag:s8], $0x0  }
0x24: {  	s3 =	sadd.s32 $0x88, s3;
	s6 =	simm.s32 @!p1 $0x1082;
	[sflag:s4] =	ssyncset.s32 $0xFFFFF086  }
0x25: {  	[simem:s6], [sflag:s4] =	dma.local [hbm:s3], $0xF7A  }
0x26: {  	[smem:$0x3F9E] =	sst s1;
	(tag) =	ssettag s2;
	_ =	strace s9  }
0x27: {  	s1 =	sld [smem:$0x3FAE]  }
0x28: {  	s2 =	sld [smem:$0x3FAF]  }
0x29: {  	s4 =	sld [smem:$0x3FB1]  }
0x2a: {  	p0 =	seq.s32 s5, $0x0;
	s5 =	sld [smem:$0x3FB2]  }
0x2b: {  	s6 =	sld [smem:$0x3FB3]  }
0x2c: {  	s7 =	sld [smem:$0x3FB4]  }
0x2d: {  	s3 =	simm.s32 $0x108;
	s8 =	sld [smem:$0x3FB5]  }
0x2e: {  	s3 =	simm.s32 @!p0 $0x1082;
	s9 =	sld [smem:$0x3FB6]  }
0x2f: {  	lr =	sadd.s32 s0, s3;
	s0 =	sld [smem:$0x3FAD]  }
0x30: {  	s3 =	sld [smem:$0x3FB0]  }
0x31: {  	[smem:$0x3FB9] =	sst s10  }
0x32: {  	s10 =	sld [smem:$0x3FB7];
	_ =	sdelay $0x3  }
0x33: {  	p0 =	seq.s32 s10, $0x1;
	s10 =	sld [smem:$0x3FB9];
	_ =	sdelay $0x3  }
0x34: {  	[smem:$0x3FB9] =	sst s10  }
0x35: {  	s10 =	sld [smem:$0x3FB8];
	_ =	sdelay $0x3  }
0x36: {  	p1 =	seq.s32 s10, $0x1;
	s10 =	sld [smem:$0x3FB9];
	_ =	sdelay $0x3  }
0x37: {  	[smem:$0x3FB9] =	sst s10  }
0x38: {  	s10 =	sld [smem:$0x3FBA]  }
0x39: {  	_ = 	snop;
	(pc) =	sbr.ind lr, $3  }
0x3a: {  	_ = 	snop  }
0x3b: {  	_ = 	snop  }
0x3c: {  	p2 =	seq.s32 s10, $0x1;
	s10 =	sld [smem:$0x3FB9]  }
0x3d: {  	_ =	shalt  }
0x3e: {  	_ =	shalt  }
0x3f: {  	_ =	shalt  }
0x40: {  	_ =	shalt  }
0x41: {  	_ =	shalt  }
0x42: {  	_ =	shalt  }
0x43: {  	_ =	shalt  }
0x44: {  	_ =	shalt  }
0x45: {  	_ =	shalt  }
0x46: {  	_ =	shalt  }
0x47: {  	_ =	shalt  }
0x48: {  	_ =	shalt  }
0x49: {  	_ =	shalt  }
0x4a: {  	_ =	shalt  }
0x4b: {  	_ =	shalt  }
0x4c: {  	_ =	shalt  }
0x4d: {  	_ =	shalt  }
0x4e: {  	_ =	shalt  }
0x4f: {  	_ =	shalt  }
0x50: {  	_ =	shalt  }
0x51: {  	_ =	shalt  }
0x52: {  	_ =	shalt  }
0x53: {  	_ =	shalt  }
0x54: {  	_ =	shalt  }
0x55: {  	_ =	shalt  }
0x56: {  	_ =	shalt  }
0x57: {  	_ =	shalt  }
0x58: {  	_ =	shalt  }
0x59: {  	_ =	shalt  }
0x5a: {  	_ =	shalt  }
0x5b: {  	_ =	shalt  }
0x5c: {  	_ =	shalt  }
0x5d: {  	_ =	shalt  }
0x5e: {  	_ =	shalt  }
0x5f: {  	_ =	shalt  }
0x60: {  	_ =	shalt  }
0x61: {  	_ =	shalt  }
0x62: {  	_ =	shalt  }
0x63: {  	_ =	shalt  }
0x64: {  	_ =	shalt  }
0x65: {  	_ =	shalt  }
0x66: {  	_ =	shalt  }
0x67: {  	_ =	shalt  }
0x68: {  	_ =	shalt  }
0x69: {  	_ =	shalt  }
0x6a: {  	_ =	shalt  }
0x6b: {  	_ =	shalt  }
0x6c: {  	_ =	shalt  }
0x6d: {  	_ =	shalt  }
0x6e: {  	_ =	shalt  }
0x6f: {  	_ =	shalt  }
0x70: {  	_ =	shalt  }
0x71: {  	_ =	shalt  }
0x72: {  	_ =	shalt  }
0x73: {  	_ =	shalt  }
0x74: {  	_ =	shalt  }
0x75: {  	_ =	shalt  }
0x76: {  	_ =	shalt  }
0x77: {  	_ =	shalt  }
0x78: {  	_ =	shalt  }
0x79: {  	_ =	shalt  }
0x7a: {  	_ =	shalt  }
0x7b: {  	_ =	shalt  }
0x7c: {  	_ =	shalt  }
0x7d: {  	_ =	shalt  }
0x7e: {  	_ =	shalt  }
0x7f: {  	_ =	shalt  }
0x80: {  	_ =	shalt  }
0x81: {  	_ =	shalt  }
0x82: {  	_ =	shalt  }
0x83: {  	_ =	shalt  }
0x84: {  	_ =	shalt  }
0x85: {  	_ =	shalt  }
0x86: {  	_ =	shalt  }
0x87: {  	_ =	shalt  }
.Lfunc_end0:
.L_simem_size_0:
called_computation_lowered:
.L_overlay_start_0:
0x88: {  	s2 =	sld [smem:$0x3FD9]  }
0x89: {  	s3 =	sld [smem:$0x3FFE];
	_ =	sdelay $0x1  }
0x8a: {  	s1 =	srdreg.scid  }
0x8b: {  	s0 =	sand.u32 $0x1, s1  }
0x8c: {  	s17 =	sshll.u32 s0, $0xA;
	s2 =	sadd.s32 s3, s2  }
0x8d: {  	s2 =	sadd.s32 s2, s17  }
0x8e: {  	[smem:$0x3FC5] =	sst s2  }
0x8f: {  	_ = 	snop  }
0x90: {  	s2 =	sld [smem:$0x3FC8]  }
0x91: {  	s18 =	sld [smem:$0x3FC7]  }
0x92: {  	s4 =	sld [smem:$0x3FD0];
	(tm) =	ssettm $0x1  }
0x93: {  	s5 =	sld [smem:$0x3FFB];
	_ =	sdelay $0x3  }
0x94: {  	_ =	strace s5  }
0x95: {  	s5 =	sld [smem:$0x3FFC];
	_ =	sdelay $0x3  }
0x96: {  	_ =	strace s5  }
0x97: {  	s5 =	sld [smem:$0x3FFD];
	_ =	sdelay $0x3  }
0x98: {  	_ =	strace s5  }
0x99: {  	_ =	strace $0x8FFFFFFF  }
0x9a: {  	s19 =	sld [smem:$0x3FDB];
	_ =	sdelay $0x1  }
0x9b: {  	s6 =	simm.s32 $_scs_section_size  }
0x9c: {  	s7 =	simm.s32 $_size__tile_overlayer_lowered;
	s8 =	simm.s32 $_tile_overlayer_lowered  }
0x9d: {  	s22 =	simm.s32 $0x1BFF;
	s21 =	sshll.u32 s8, $0x1;
	s5 =	sadd.s32 s6, s19  }
0x9e: {  	s9 =	simm.s32 $0x0;
	s20 =	sshll.u32 s7, $0x1;
	s7 =	sadd.s32 s21, s5  }
0x9f: {  	[timem:s9], [sflag:s22] =	dma.local [hbm:s7], s20  }
0xa0: {  	_ =	swait.ge [sflag:s22], s20  }
0xa1: {  	s6 =	ssub.s32 $0x0, s20;
	[sflag:s22] =	ssyncset.done $0x0  }
0xa2: {  	[sflag:s22] =	ssyncadd.s32 s6;
	_ =	sdelay $0x1  }
0xa3: {  	s23 =	simm.s32 $0x1B8B  }
0xa4: {  	_ =	swait.ge [sflag:s23], $0x1  }
0xa5: {  	[sflag:s23] =	ssyncset.done $0x0  }
0xa6: {  	s25 =	simm.s32 $0x1B8E;
	s24 =	sld [smem:$0x3FFE];
	[sflag:s23] =	ssyncadd.s32 $0xFFFFFFFF  }
0xa7: {  	s26 =	simm.s32 $execute0_lowered;
	[smem:$0x3FD2] =	sst s25  }
0xa8: {  	s7 =	sshll.u32 s26, $0x1;
	_ =	strace $0x80000046;
	[dreg:$0x1] =	wrdreg $0xFFFFFFFF  }
0xa9: {  	s28 =	simm.s32 $_size_execute0_lowered;
	s5 =	sadd.s32 s5, s7;
	[dreg:$0x0] =	wrdreg $0x0  }
0xaa: {  	s7 =	sshll.u32 s28, $0x1;
	[dreg:$0x2] =	wrdreg s5  }
0xab: {  	[dreg:$0x3] =	wrdreg s7  }
0xac: {  	[dreg:$0x4] =	wrdreg $0xC0  }
0xad: {  	_ =	task [dreg:s9], $0x5FFFF  }
0xae: {  	[dreg:$0x1] =	wrdreg $0xFFFFFFFF  }
0xaf: {  	[dreg:$0x0] =	wrdreg $0x60  }
0xb0: {  	[dreg:$0x2] =	wrdreg s24  }
0xb1: {  	[dreg:$0x3] =	wrdreg s2  }
0xb2: {  	[dreg:$0x4] =	wrdreg s18  }
0xb3: {  	[dreg:$0x5] =	wrdreg s4  }
0xb4: {  	[dreg:$0x6] =	wrdreg $0x9  }
0xb5: {  	_ =	task.clear_ibuf [dreg:s9], $0x7FFFF;
	_ =	strace $0x90000046  }
0xb6: {  	s29 =	simm.s32 $0x9;
	_ =	strace $0x80000048  }
0xb7: {  	_ =	swait.ge [sflag:s29], $0x1  }
0xb8: {  	[sflag:s29] =	ssyncadd.s32 $0xFFFFFFFF  }
0xb9: {  	_ =	strace $0x90000048  }
0xba: {  	_ =	sfence  }
0xbb: {  	s30 =	sld [smem:$0x0];
	_ =	sdelay $0x2  }
0xbc: {  	s31 =	sshll.u32 s1, $0xD;
	s1 =	sshrl.u32 s1, $0x2  }
0xbd: {  	s3 =	sand.u32 $0x4000, s31;
	s1 =	sadd.s32 s1, s30  }
0xbe: {  	s0 =	sor.u32 s3, s0;
	s1 =	sshll.u32 s1, $0x11  }
0xbf: {  	s0 =	sor.u32 s1, s0  }
0xc0: {  	s0 =	sadd.s32 $0x8F2B, s0  }
0xc1: {  	[sflag:s0] =	ssyncadd.remote.s32 $0x1  }
0xc2: {  	_ =	sfence.sel $0xFFFF  }
0xc3: {  	[dreg:$0x0] =	wrdreg $0xFFFFFFFF;
	(pc) =	sbr.abs _section_cstart, $3  }
0xc4: {  	[dreg:$0x1] =	wrdreg $0xFFFFFFFF  }
0xc5: {  	_ =	task.clear_ibuf [dreg:s9], $0x2FFFF;
	_ =	strace $0x9FFFFFFF  }
0xc6: {  	(tm) =	ssettm $0x7FFFFFFF  }
0xc7: {  	_ =	shalt  }
tec
execute0_lowered:
.L_overlay_start_1:
0x0: {  	(tag) =	ssettag $0x1  }
0x1: {  	s0 =	rddreg [dreg:$0x0]  }
0x2: {  	s2 =	rddreg [dreg:$0x1]  }
0x3: {  	s1 =	rddreg [dreg:$0x2]  }
0x4: {  	s4 =	rddreg [dreg:$0x3];
	s3 =	srdreg.scid  }
0x5: {  	s7 =	stileid.u32;
	s28 =	simm.s32 $0x8200;
	s30 =	simm.s32 $0xC200  }
0x6: {  	s31 =	simm.s32 $0x2;
	s5 =	sand.u32 $0x1, s3;
	s3 =	simm.s32 $0x0  }
0x7: {  	s29 =	simm.s32 $0x3;
	s6 =	sshll.u32 s5, $0x4;
	[smem:$0x7FF] =	sst s3  }
0x8: {  	s5 =	ssub.s32 $0x2, s5;
	s6 =	sor.u32 s7, s6;
	_ =	strace $0x80000047  }
0x9: {  	s21 =	sshrl.u32 s5, $0x1;
	s7 =	sshll.u32 s6, $0x6;
	s6 =	sshll.u32 s6, $0xB  }
0xa: {  	s0 =	sadd.s32 s7, s0;
	s7 =	ssub.s32 s5, s21;
	s5 =	sadd.s32 s4, s6  }
0xb: {  	s22 =	sadd.s32 s2, s6;
	s2 =	simm.s32 $0x6;
	s4 =	simm.s32 $0x4  }
0xc: {  	s6 =	simm.s32 $0x5;
	s0 =	sadd.s32 $0x400, s0;
	[dreg:$0x6] =	wrdreg s22  }
0xd: {  	s23 =	sadd.s32 $0x10000, s5;
	s24 =	sadd.s32 $0x20000, s5;
	s25 =	sadd.s32 $0x30000, s5  }
0xe: {  	s26 =	sadd.s32 $0x200, s5;
	s11 =	sadd.s32 $0x10200, s5;
	s12 =	sadd.s32 $0x20200, s5  }
0xf: {  	s13 =	sadd.s32 $0x30200, s5;
	s14 =	sadd.s32 $0x400, s5;
	s15 =	sadd.s32 $0x10400, s5  }
0x10: {  	s16 =	sadd.s32 $0x20400, s5;
	s17 =	sadd.s32 $0x30400, s5;
	[dreg:$0x5] =	wrdreg s0  }
0x11: {  	s18 =	sadd.s32 $0x600, s5;
	s19 =	sadd.s32 $0x10600, s5;
	[dreg:$0x7] =	wrdreg s23  }
0x12: {  	s20 =	sadd.s32 $0x20600, s5;
	s21 =	sadd.s32 $0x30600, s5;
	[dreg:$0x8] =	wrdreg s24  }
0x13: {  	s22 =	smax.u32 s7, $0x1;
	s7 =	simm.s32 $0x0;
	[dreg:$0x9] =	wrdreg s25  }
0x14: {  	[dreg:$0xa] =	wrdreg s26;
	s23 =	simm.s32 $0x7;
	s25 =	simm.s32 $0x80  }
0x15: {  	s26 =	simm.s32 $0x4200;
	s0 =	simm.s32 $0x10200;
	s24 =	simm.s32 $0x1  }
.LBB2_1:
0x16: {  	s8 =	rddreg [dreg:$0x5]  }
0x17: {  	[tilespmem:s3], [sflag:$0x7] =	stream.linear.gather [hbm4b:s8+s3], $0x200, $0x38;
	[tilespmem:$0x14200] =	vst v63  }
0x18: {  	_ =	swait.ge [sflag:s23], $0x200  }
0x19: {  	[sflag:s23] =	ssyncset.done $0x0  }
0x1a: {  	s9 =	simm.s32 $0x200;
	s10 =	rddreg [dreg:$0x6];
	[sflag:s23] =	ssyncadd.s32 $0xFFFFFE00  }
0x1b: {  	[tilespmem:s9], [sflag:$0x6] =	stream.linear.gather [hbm4b:s10+s3], $0x4000, $0x38;
	[tilespmem:$0x14200] =	vst v63  }
0x1c: {  	_ = 	snop  }
0x1d: {  	[tilespmem:s26], [sflag:$0x1] =	stream.indirect.gather [hbm4b:s1+s25], $0x80, s3, s25, $0xb8;
	[tilespmem:$0x14200] =	vst v63  }
0x1e: {  	_ = 	snop  }
0x1f: {  	[tilespmem:s28], [sflag:$0x2] =	stream.indirect.gather [hbm4b:s1+s25], $0x80, s25, s25, $0xb8;
	[tilespmem:$0x14200] =	vst v63  }
0x20: {  	s9 =	simm.s32 $0x100  }
0x21: {  	[tilespmem:s30], [sflag:$0x3] =	stream.indirect.gather [hbm4b:s1+s25], $0x80, s9, s25, $0xb8;
	[tilespmem:$0x14200] =	vst v63  }
0x22: {  	s10 =	simm.s32 $0x180  }
0x23: {  	[tilespmem:s0], [sflag:$0x4] =	stream.indirect.gather [hbm4b:s1+s25], $0x80, s10, s25, $0xb8;
	[tilespmem:$0x14200] =	vst v63  }
0x24: {  	_ =	swait.ge [sflag:s2], $0x4000  }
0x25: {  	[sflag:s2] =	ssyncset.done $0x0  }
0x26: {  	[sflag:s2] =	ssyncadd.s32 $0xFFFFC000  }
0x27: {  	_ =	swait.ge [sflag:s24], $0x4000  }
0x28: {  	[sflag:s24] =	ssyncset.done $0x0  }
0x29: {  	s8 =	simm.s32 $0x0;
	s9 =	simm.s32 $0x200;
	[sflag:s24] =	ssyncadd.s32 $0xFFFFC000  }
.LBB2_2:
0x2a: {  	p0 =	sne.s32 s9, $0x3E00;
	v0 =	vld [tilespmem:s8+$0x270]  }
0x2b: {  	v1 =	vld [tilespmem:s8+$0x200]  }
0x2c: {  	v2 =	vld [tilespmem:s8+$0x210]  }
0x2d: {  	v3 =	vld [tilespmem:s8+$0x220]  }
0x2e: {  	v4 =	vld [tilespmem:s8+$0x230]  }
0x2f: {  	[tilespmem:s8+$0x7270] =	vst.add.f32.msk $0xffff, v0  }
0x30: {  	v5 =	vld [tilespmem:s8+$0x240]  }
0x31: {  	v6 =	vld [tilespmem:s8+$0x250]  }
0x32: {  	v7 =	vld [tilespmem:s8+$0x260]  }
0x33: {  	[tilespmem:s8+$0x4200] =	vst.add.f32.msk $0xffff, v1  }
0x34: {  	[tilespmem:s8+$0x4210] =	vst.add.f32.msk $0xffff, v2  }
0x35: {  	[tilespmem:s8+$0x4220] =	vst.add.f32.msk $0xffff, v3  }
0x36: {  	[tilespmem:s8+$0x4230] =	vst.add.f32.msk $0xffff, v4  }
0x37: {  	[tilespmem:s8+$0x4240] =	vst.add.f32.msk $0xffff, v5  }
0x38: {  	[tilespmem:s8+$0x4250] =	vst.add.f32.msk $0xffff, v6  }
0x39: {  	[tilespmem:s8+$0x4260] =	vst.add.f32.msk $0xffff, v7  }
0x3a: {  	[tilespmem:s8+$0x4270] =	vst.add.f32.msk $0xffff, v0  }
0x3b: {  	[tilespmem:s8+$0x5200] =	vst.add.f32.msk $0xffff, v1  }
0x3c: {  	[tilespmem:s8+$0x5210] =	vst.add.f32.msk $0xffff, v2  }
0x3d: {  	[tilespmem:s8+$0x5220] =	vst.add.f32.msk $0xffff, v3  }
0x3e: {  	[tilespmem:s8+$0x5230] =	vst.add.f32.msk $0xffff, v4  }
0x3f: {  	[tilespmem:s8+$0x5240] =	vst.add.f32.msk $0xffff, v5  }
0x40: {  	[tilespmem:s8+$0x5250] =	vst.add.f32.msk $0xffff, v6  }
0x41: {  	[tilespmem:s8+$0x5260] =	vst.add.f32.msk $0xffff, v7  }
0x42: {  	[tilespmem:s8+$0x5270] =	vst.add.f32.msk $0xffff, v0  }
0x43: {  	[tilespmem:s8+$0x6200] =	vst.add.f32.msk $0xffff, v1  }
0x44: {  	[tilespmem:s8+$0x6210] =	vst.add.f32.msk $0xffff, v2  }
0x45: {  	[tilespmem:s8+$0x6220] =	vst.add.f32.msk $0xffff, v3  }
0x46: {  	[tilespmem:s8+$0x6230] =	vst.add.f32.msk $0xffff, v4  }
0x47: {  	[tilespmem:s8+$0x6240] =	vst.add.f32.msk $0xffff, v5  }
0x48: {  	[tilespmem:s8+$0x6250] =	vst.add.f32.msk $0xffff, v6  }
0x49: {  	[tilespmem:s8+$0x6260] =	vst.add.f32.msk $0xffff, v7  }
0x4a: {  	[tilespmem:s8+$0x6270] =	vst.add.f32.msk $0xffff, v0  }
0x4b: {  	[tilespmem:s8+$0x7200] =	vst.add.f32.msk $0xffff, v1  }
0x4c: {  	[tilespmem:s8+$0x7210] =	vst.add.f32.msk $0xffff, v2  }
.Ltmp0:
0x4d: {  	[tilespmem:s8+$0x7220] =	vst.add.f32.msk $0xffff, v3;
	(pc) =	sbr.rel @p0 .LBB2_2-.Ltmp0, $4  }
0x4e: {  	[tilespmem:s8+$0x7230] =	vst.add.f32.msk $0xffff, v4  }
0x4f: {  	[tilespmem:s8+$0x7240] =	vst.add.f32.msk $0xffff, v5  }
0x50: {  	[tilespmem:s8+$0x7250] =	vst.add.f32.msk $0xffff, v6  }
0x51: {  	[tilespmem:s8+$0x7260] =	vst.add.f32.msk $0xffff, v7;
	s8 =	sshra.s32 s9, $0x2;
	s9 =	sadd.s32 $0x200, s9  }
0x52: {  	v0 =	vld [tilespmem:s8+$0x270]  }
0x53: {  	v1 =	vld [tilespmem:s8+$0x200]  }
0x54: {  	v2 =	vld [tilespmem:s8+$0x210]  }
0x55: {  	v3 =	vld [tilespmem:s8+$0x220]  }
0x56: {  	v4 =	vld [tilespmem:s8+$0x230]  }
0x57: {  	v5 =	vld [tilespmem:s8+$0x240]  }
0x58: {  	v6 =	vld [tilespmem:s8+$0x250]  }
0x59: {  	v7 =	vld [tilespmem:s8+$0x260]  }
0x5a: {  	[tilespmem:s8+$0x7270] =	vst.add.f32.msk $0xffff, v0  }
0x5b: {  	[tilespmem:s8+$0x4200] =	vst.add.f32.msk $0xffff, v1  }
0x5c: {  	[tilespmem:s8+$0x4210] =	vst.add.f32.msk $0xffff, v2  }
0x5d: {  	[tilespmem:s8+$0x4220] =	vst.add.f32.msk $0xffff, v3  }
0x5e: {  	[tilespmem:s8+$0x4230] =	vst.add.f32.msk $0xffff, v4  }
0x5f: {  	[tilespmem:s8+$0x4240] =	vst.add.f32.msk $0xffff, v5  }
0x60: {  	[tilespmem:s8+$0x4250] =	vst.add.f32.msk $0xffff, v6  }
0x61: {  	[tilespmem:s8+$0x4260] =	vst.add.f32.msk $0xffff, v7  }
0x62: {  	[tilespmem:s8+$0x4270] =	vst.add.f32.msk $0xffff, v0  }
0x63: {  	[tilespmem:s8+$0x5200] =	vst.add.f32.msk $0xffff, v1  }
0x64: {  	[tilespmem:s8+$0x5210] =	vst.add.f32.msk $0xffff, v2  }
0x65: {  	[tilespmem:s8+$0x5220] =	vst.add.f32.msk $0xffff, v3  }
0x66: {  	[tilespmem:s8+$0x5230] =	vst.add.f32.msk $0xffff, v4  }
0x67: {  	[tilespmem:s8+$0x5240] =	vst.add.f32.msk $0xffff, v5  }
0x68: {  	[tilespmem:s8+$0x5250] =	vst.add.f32.msk $0xffff, v6  }
0x69: {  	[tilespmem:s8+$0x5260] =	vst.add.f32.msk $0xffff, v7  }
0x6a: {  	[tilespmem:s8+$0x5270] =	vst.add.f32.msk $0xffff, v0  }
0x6b: {  	[tilespmem:s8+$0x6200] =	vst.add.f32.msk $0xffff, v1  }
0x6c: {  	[tilespmem:s8+$0x6210] =	vst.add.f32.msk $0xffff, v2  }
0x6d: {  	[tilespmem:s8+$0x6220] =	vst.add.f32.msk $0xffff, v3  }
0x6e: {  	[tilespmem:s8+$0x6230] =	vst.add.f32.msk $0xffff, v4  }
0x6f: {  	[tilespmem:s8+$0x6240] =	vst.add.f32.msk $0xffff, v5  }
0x70: {  	[tilespmem:s8+$0x6250] =	vst.add.f32.msk $0xffff, v6  }
0x71: {  	[tilespmem:s8+$0x6260] =	vst.add.f32.msk $0xffff, v7  }
0x72: {  	[tilespmem:s8+$0x6270] =	vst.add.f32.msk $0xffff, v0  }
0x73: {  	[tilespmem:s8+$0x7200] =	vst.add.f32.msk $0xffff, v1  }
0x74: {  	[tilespmem:s8+$0x7210] =	vst.add.f32.msk $0xffff, v2  }
0x75: {  	[tilespmem:s8+$0x7220] =	vst.add.f32.msk $0xffff, v3  }
0x76: {  	[tilespmem:s8+$0x7230] =	vst.add.f32.msk $0xffff, v4  }
0x77: {  	[tilespmem:s8+$0x7240] =	vst.add.f32.msk $0xffff, v5  }
0x78: {  	[tilespmem:s8+$0x7250] =	vst.add.f32.msk $0xffff, v6  }
0x79: {  	[tilespmem:s8+$0x7260] =	vst.add.f32.msk $0xffff, v7;
	s8 =	simm.s32 $0x0  }
0x7a: {  	[hbm4b:s5+s8] =	stream.linear.scatter [tilespmem:s26], [sflag:$0x5], $0x1000, $0x38;
	[tilespmem:$0x14200] =	vst v63  }
0x7b: {  	s9 =	rddreg [dreg:$0x7];
	s10 =	simm.s32 $0x5200  }
0x7c: {  	[hbm4b:s9+s8] =	stream.linear.scatter [tilespmem:s10], [sflag:$0x5], $0x1000, $0x38;
	[tilespmem:$0x14200] =	vst v63  }
0x7d: {  	s9 =	rddreg [dreg:$0x8];
	s10 =	simm.s32 $0x6200  }
0x7e: {  	[hbm4b:s9+s8] =	stream.linear.scatter [tilespmem:s10], [sflag:$0x5], $0x1000, $0x38;
	[tilespmem:$0x14200] =	vst v63  }
0x7f: {  	s9 =	rddreg [dreg:$0x9];
	s10 =	simm.s32 $0x7200  }
0x80: {  	[hbm4b:s9+s8] =	stream.linear.scatter [tilespmem:s10], [sflag:$0x5], $0x1000, $0x38;
	[tilespmem:$0x14200] =	vst v63  }
0x81: {  	_ =	swait.ge [sflag:s31], $0x4000  }
0x82: {  	[sflag:s31] =	ssyncset.done $0x0  }
0x83: {  	s8 =	simm.s32 $0x0;
	s9 =	simm.s32 $0x200;
	[sflag:s31] =	ssyncadd.s32 $0xFFFFC000  }
.LBB2_4:
0x84: {  	p0 =	sne.s32 s9, $0x3E00;
	v0 =	vld [tilespmem:s8+$0x1270]  }
0x85: {  	v1 =	vld [tilespmem:s8+$0x1200]  }
0x86: {  	v2 =	vld [tilespmem:s8+$0x1210]  }
0x87: {  	v3 =	vld [tilespmem:s8+$0x1220]  }
0x88: {  	v4 =	vld [tilespmem:s8+$0x1230]  }
0x89: {  	[tilespmem:s8+$0xB270] =	vst.add.f32.msk $0xffff, v0  }
0x8a: {  	v5 =	vld [tilespmem:s8+$0x1240]  }
0x8b: {  	v6 =	vld [tilespmem:s8+$0x1250]  }
0x8c: {  	v7 =	vld [tilespmem:s8+$0x1260]  }
0x8d: {  	[tilespmem:s8+$0x8200] =	vst.add.f32.msk $0xffff, v1  }
0x8e: {  	[tilespmem:s8+$0x8210] =	vst.add.f32.msk $0xffff, v2  }
0x8f: {  	[tilespmem:s8+$0x8220] =	vst.add.f32.msk $0xffff, v3  }
0x90: {  	[tilespmem:s8+$0x8230] =	vst.add.f32.msk $0xffff, v4  }
0x91: {  	[tilespmem:s8+$0x8240] =	vst.add.f32.msk $0xffff, v5  }
0x92: {  	[tilespmem:s8+$0x8250] =	vst.add.f32.msk $0xffff, v6  }
0x93: {  	[tilespmem:s8+$0x8260] =	vst.add.f32.msk $0xffff, v7  }
0x94: {  	[tilespmem:s8+$0x8270] =	vst.add.f32.msk $0xffff, v0  }
0x95: {  	[tilespmem:s8+$0x9200] =	vst.add.f32.msk $0xffff, v1  }
0x96: {  	[tilespmem:s8+$0x9210] =	vst.add.f32.msk $0xffff, v2  }
0x97: {  	[tilespmem:s8+$0x9220] =	vst.add.f32.msk $0xffff, v3  }
0x98: {  	[tilespmem:s8+$0x9230] =	vst.add.f32.msk $0xffff, v4  }
0x99: {  	[tilespmem:s8+$0x9240] =	vst.add.f32.msk $0xffff, v5  }
0x9a: {  	[tilespmem:s8+$0x9250] =	vst.add.f32.msk $0xffff, v6  }
0x9b: {  	[tilespmem:s8+$0x9260] =	vst.add.f32.msk $0xffff, v7  }
0x9c: {  	[tilespmem:s8+$0x9270] =	vst.add.f32.msk $0xffff, v0  }
0x9d: {  	[tilespmem:s8+$0xA200] =	vst.add.f32.msk $0xffff, v1  }
0x9e: {  	[tilespmem:s8+$0xA210] =	vst.add.f32.msk $0xffff, v2  }
0x9f: {  	[tilespmem:s8+$0xA220] =	vst.add.f32.msk $0xffff, v3  }
0xa0: {  	[tilespmem:s8+$0xA230] =	vst.add.f32.msk $0xffff, v4  }
0xa1: {  	[tilespmem:s8+$0xA240] =	vst.add.f32.msk $0xffff, v5  }
0xa2: {  	[tilespmem:s8+$0xA250] =	vst.add.f32.msk $0xffff, v6  }
0xa3: {  	[tilespmem:s8+$0xA260] =	vst.add.f32.msk $0xffff, v7  }
0xa4: {  	[tilespmem:s8+$0xA270] =	vst.add.f32.msk $0xffff, v0  }
0xa5: {  	[tilespmem:s8+$0xB200] =	vst.add.f32.msk $0xffff, v1  }
0xa6: {  	[tilespmem:s8+$0xB210] =	vst.add.f32.msk $0xffff, v2  }
.Ltmp1:
0xa7: {  	[tilespmem:s8+$0xB220] =	vst.add.f32.msk $0xffff, v3;
	(pc) =	sbr.rel @p0 .LBB2_4-.Ltmp1, $4  }
0xa8: {  	[tilespmem:s8+$0xB230] =	vst.add.f32.msk $0xffff, v4  }
0xa9: {  	[tilespmem:s8+$0xB240] =	vst.add.f32.msk $0xffff, v5  }
0xaa: {  	[tilespmem:s8+$0xB250] =	vst.add.f32.msk $0xffff, v6  }
0xab: {  	[tilespmem:s8+$0xB260] =	vst.add.f32.msk $0xffff, v7;
	s8 =	sshra.s32 s9, $0x2;
	s9 =	sadd.s32 $0x200, s9  }
0xac: {  	v0 =	vld [tilespmem:s8+$0x1270]  }
0xad: {  	v1 =	vld [tilespmem:s8+$0x1200]  }
0xae: {  	v2 =	vld [tilespmem:s8+$0x1210]  }
0xaf: {  	v3 =	vld [tilespmem:s8+$0x1220]  }
0xb0: {  	v4 =	vld [tilespmem:s8+$0x1230]  }
0xb1: {  	v5 =	vld [tilespmem:s8+$0x1240]  }
0xb2: {  	v6 =	vld [tilespmem:s8+$0x1250]  }
0xb3: {  	v7 =	vld [tilespmem:s8+$0x1260]  }
0xb4: {  	[tilespmem:s8+$0xB270] =	vst.add.f32.msk $0xffff, v0  }
0xb5: {  	[tilespmem:s8+$0x8200] =	vst.add.f32.msk $0xffff, v1  }
0xb6: {  	[tilespmem:s8+$0x8210] =	vst.add.f32.msk $0xffff, v2  }
0xb7: {  	[tilespmem:s8+$0x8220] =	vst.add.f32.msk $0xffff, v3  }
0xb8: {  	[tilespmem:s8+$0x8230] =	vst.add.f32.msk $0xffff, v4  }
0xb9: {  	[tilespmem:s8+$0x8240] =	vst.add.f32.msk $0xffff, v5  }
0xba: {  	[tilespmem:s8+$0x8250] =	vst.add.f32.msk $0xffff, v6  }
0xbb: {  	[tilespmem:s8+$0x8260] =	vst.add.f32.msk $0xffff, v7  }
0xbc: {  	[tilespmem:s8+$0x8270] =	vst.add.f32.msk $0xffff, v0  }
0xbd: {  	[tilespmem:s8+$0x9200] =	vst.add.f32.msk $0xffff, v1  }
0xbe: {  	[tilespmem:s8+$0x9210] =	vst.add.f32.msk $0xffff, v2  }
0xbf: {  	[tilespmem:s8+$0x9220] =	vst.add.f32.msk $0xffff, v3  }
0xc0: {  	[tilespmem:s8+$0x9230] =	vst.add.f32.msk $0xffff, v4  }
0xc1: {  	[tilespmem:s8+$0x9240] =	vst.add.f32.msk $0xffff, v5  }
0xc2: {  	[tilespmem:s8+$0x9250] =	vst.add.f32.msk $0xffff, v6  }
0xc3: {  	[tilespmem:s8+$0x9260] =	vst.add.f32.msk $0xffff, v7  }
0xc4: {  	[tilespmem:s8+$0x9270] =	vst.add.f32.msk $0xffff, v0  }
0xc5: {  	[tilespmem:s8+$0xA200] =	vst.add.f32.msk $0xffff, v1  }
0xc6: {  	[tilespmem:s8+$0xA210] =	vst.add.f32.msk $0xffff, v2  }
0xc7: {  	[tilespmem:s8+$0xA220] =	vst.add.f32.msk $0xffff, v3  }
0xc8: {  	[tilespmem:s8+$0xA230] =	vst.add.f32.msk $0xffff, v4  }
0xc9: {  	[tilespmem:s8+$0xA240] =	vst.add.f32.msk $0xffff, v5  }
0xca: {  	[tilespmem:s8+$0xA250] =	vst.add.f32.msk $0xffff, v6  }
0xcb: {  	[tilespmem:s8+$0xA260] =	vst.add.f32.msk $0xffff, v7  }
0xcc: {  	[tilespmem:s8+$0xA270] =	vst.add.f32.msk $0xffff, v0  }
0xcd: {  	[tilespmem:s8+$0xB200] =	vst.add.f32.msk $0xffff, v1  }
0xce: {  	[tilespmem:s8+$0xB210] =	vst.add.f32.msk $0xffff, v2  }
0xcf: {  	[tilespmem:s8+$0xB220] =	vst.add.f32.msk $0xffff, v3  }
0xd0: {  	[tilespmem:s8+$0xB230] =	vst.add.f32.msk $0xffff, v4  }
0xd1: {  	[tilespmem:s8+$0xB240] =	vst.add.f32.msk $0xffff, v5  }
0xd2: {  	[tilespmem:s8+$0xB250] =	vst.add.f32.msk $0xffff, v6  }
0xd3: {  	s9 =	rddreg [dreg:$0xa];
	[tilespmem:s8+$0xB260] =	vst.add.f32.msk $0xffff, v7;
	s8 =	simm.s32 $0x0  }
0xd4: {  	[hbm4b:s9+s8] =	stream.linear.scatter [tilespmem:s28], [sflag:$0x5], $0x1000, $0x38;
	[tilespmem:$0x14200] =	vst v63  }
0xd5: {  	s10 =	simm.s32 $0x9200  }
0xd6: {  	[hbm4b:s11+s8] =	stream.linear.scatter [tilespmem:s10], [sflag:$0x5], $0x1000, $0x38;
	[tilespmem:$0x14200] =	vst v63  }
0xd7: {  	s10 =	simm.s32 $0xA200  }
0xd8: {  	[hbm4b:s12+s8] =	stream.linear.scatter [tilespmem:s10], [sflag:$0x5], $0x1000, $0x38;
	[tilespmem:$0x14200] =	vst v63  }
0xd9: {  	s10 =	simm.s32 $0xB200  }
0xda: {  	[hbm4b:s13+s8] =	stream.linear.scatter [tilespmem:s10], [sflag:$0x5], $0x1000, $0x38;
	[tilespmem:$0x14200] =	vst v63  }
0xdb: {  	_ =	swait.ge [sflag:s29], $0x4000  }
0xdc: {  	[sflag:s29] =	ssyncset.done $0x0  }
0xdd: {  	s9 =	simm.s32 $0x200;
	s8 =	simm.s32 $0x0;
	[sflag:s29] =	ssyncadd.s32 $0xFFFFC000  }
.LBB2_6:
0xde: {  	p0 =	sne.s32 s9, $0x3E00;
	v0 =	vld [tilespmem:s8+$0x2270]  }
0xdf: {  	v1 =	vld [tilespmem:s8+$0x2200]  }
0xe0: {  	v2 =	vld [tilespmem:s8+$0x2210]  }
0xe1: {  	v3 =	vld [tilespmem:s8+$0x2220]  }
0xe2: {  	v4 =	vld [tilespmem:s8+$0x2230]  }
0xe3: {  	[tilespmem:s8+$0xF270] =	vst.add.f32.msk $0xffff, v0  }
0xe4: {  	v5 =	vld [tilespmem:s8+$0x2240]  }
0xe5: {  	v6 =	vld [tilespmem:s8+$0x2250]  }
0xe6: {  	v7 =	vld [tilespmem:s8+$0x2260]  }
0xe7: {  	[tilespmem:s8+$0xC200] =	vst.add.f32.msk $0xffff, v1  }
0xe8: {  	[tilespmem:s8+$0xC210] =	vst.add.f32.msk $0xffff, v2  }
0xe9: {  	[tilespmem:s8+$0xC220] =	vst.add.f32.msk $0xffff, v3  }
0xea: {  	[tilespmem:s8+$0xC230] =	vst.add.f32.msk $0xffff, v4  }
0xeb: {  	[tilespmem:s8+$0xC240] =	vst.add.f32.msk $0xffff, v5  }
0xec: {  	[tilespmem:s8+$0xC250] =	vst.add.f32.msk $0xffff, v6  }
0xed: {  	[tilespmem:s8+$0xC260] =	vst.add.f32.msk $0xffff, v7  }
0xee: {  	[tilespmem:s8+$0xC270] =	vst.add.f32.msk $0xffff, v0  }
0xef: {  	[tilespmem:s8+$0xD200] =	vst.add.f32.msk $0xffff, v1  }
0xf0: {  	[tilespmem:s8+$0xD210] =	vst.add.f32.msk $0xffff, v2  }
0xf1: {  	[tilespmem:s8+$0xD220] =	vst.add.f32.msk $0xffff, v3  }
0xf2: {  	[tilespmem:s8+$0xD230] =	vst.add.f32.msk $0xffff, v4  }
0xf3: {  	[tilespmem:s8+$0xD240] =	vst.add.f32.msk $0xffff, v5  }
0xf4: {  	[tilespmem:s8+$0xD250] =	vst.add.f32.msk $0xffff, v6  }
0xf5: {  	[tilespmem:s8+$0xD260] =	vst.add.f32.msk $0xffff, v7  }
0xf6: {  	[tilespmem:s8+$0xD270] =	vst.add.f32.msk $0xffff, v0  }
0xf7: {  	[tilespmem:s8+$0xE200] =	vst.add.f32.msk $0xffff, v1  }
0xf8: {  	[tilespmem:s8+$0xE210] =	vst.add.f32.msk $0xffff, v2  }
0xf9: {  	[tilespmem:s8+$0xE220] =	vst.add.f32.msk $0xffff, v3  }
0xfa: {  	[tilespmem:s8+$0xE230] =	vst.add.f32.msk $0xffff, v4  }
0xfb: {  	[tilespmem:s8+$0xE240] =	vst.add.f32.msk $0xffff, v5  }
0xfc: {  	[tilespmem:s8+$0xE250] =	vst.add.f32.msk $0xffff, v6  }
0xfd: {  	[tilespmem:s8+$0xE260] =	vst.add.f32.msk $0xffff, v7  }
0xfe: {  	[tilespmem:s8+$0xE270] =	vst.add.f32.msk $0xffff, v0  }
0xff: {  	[tilespmem:s8+$0xF200] =	vst.add.f32.msk $0xffff, v1  }
0x100: {  	[tilespmem:s8+$0xF210] =	vst.add.f32.msk $0xffff, v2  }
.Ltmp2:
0x101: {  	[tilespmem:s8+$0xF220] =	vst.add.f32.msk $0xffff, v3;
	(pc) =	sbr.rel @p0 .LBB2_6-.Ltmp2, $4  }
0x102: {  	[tilespmem:s8+$0xF230] =	vst.add.f32.msk $0xffff, v4  }
0x103: {  	[tilespmem:s8+$0xF240] =	vst.add.f32.msk $0xffff, v5  }
0x104: {  	[tilespmem:s8+$0xF250] =	vst.add.f32.msk $0xffff, v6  }
0x105: {  	[tilespmem:s8+$0xF260] =	vst.add.f32.msk $0xffff, v7;
	s8 =	sshra.s32 s9, $0x2;
	s9 =	sadd.s32 $0x200, s9  }
0x106: {  	v0 =	vld [tilespmem:s8+$0x2270]  }
0x107: {  	v1 =	vld [tilespmem:s8+$0x2200]  }
0x108: {  	v2 =	vld [tilespmem:s8+$0x2210]  }
0x109: {  	v3 =	vld [tilespmem:s8+$0x2220]  }
0x10a: {  	v4 =	vld [tilespmem:s8+$0x2230]  }
0x10b: {  	v5 =	vld [tilespmem:s8+$0x2240]  }
0x10c: {  	v6 =	vld [tilespmem:s8+$0x2250]  }
0x10d: {  	v7 =	vld [tilespmem:s8+$0x2260]  }
0x10e: {  	[tilespmem:s8+$0xF270] =	vst.add.f32.msk $0xffff, v0  }
0x10f: {  	[tilespmem:s8+$0xC200] =	vst.add.f32.msk $0xffff, v1  }
0x110: {  	[tilespmem:s8+$0xC210] =	vst.add.f32.msk $0xffff, v2  }
0x111: {  	[tilespmem:s8+$0xC220] =	vst.add.f32.msk $0xffff, v3  }
0x112: {  	[tilespmem:s8+$0xC230] =	vst.add.f32.msk $0xffff, v4  }
0x113: {  	[tilespmem:s8+$0xC240] =	vst.add.f32.msk $0xffff, v5  }
0x114: {  	[tilespmem:s8+$0xC250] =	vst.add.f32.msk $0xffff, v6  }
0x115: {  	[tilespmem:s8+$0xC260] =	vst.add.f32.msk $0xffff, v7  }
0x116: {  	[tilespmem:s8+$0xC270] =	vst.add.f32.msk $0xffff, v0  }
0x117: {  	[tilespmem:s8+$0xD200] =	vst.add.f32.msk $0xffff, v1  }
0x118: {  	[tilespmem:s8+$0xD210] =	vst.add.f32.msk $0xffff, v2  }
0x119: {  	[tilespmem:s8+$0xD220] =	vst.add.f32.msk $0xffff, v3  }
0x11a: {  	[tilespmem:s8+$0xD230] =	vst.add.f32.msk $0xffff, v4  }
0x11b: {  	[tilespmem:s8+$0xD240] =	vst.add.f32.msk $0xffff, v5  }
0x11c: {  	[tilespmem:s8+$0xD250] =	vst.add.f32.msk $0xffff, v6  }
0x11d: {  	[tilespmem:s8+$0xD260] =	vst.add.f32.msk $0xffff, v7  }
0x11e: {  	[tilespmem:s8+$0xD270] =	vst.add.f32.msk $0xffff, v0  }
0x11f: {  	[tilespmem:s8+$0xE200] =	vst.add.f32.msk $0xffff, v1  }
0x120: {  	[tilespmem:s8+$0xE210] =	vst.add.f32.msk $0xffff, v2  }
0x121: {  	[tilespmem:s8+$0xE220] =	vst.add.f32.msk $0xffff, v3  }
0x122: {  	[tilespmem:s8+$0xE230] =	vst.add.f32.msk $0xffff, v4  }
0x123: {  	[tilespmem:s8+$0xE240] =	vst.add.f32.msk $0xffff, v5  }
0x124: {  	[tilespmem:s8+$0xE250] =	vst.add.f32.msk $0xffff, v6  }
0x125: {  	[tilespmem:s8+$0xE260] =	vst.add.f32.msk $0xffff, v7  }
0x126: {  	[tilespmem:s8+$0xE270] =	vst.add.f32.msk $0xffff, v0  }
0x127: {  	[tilespmem:s8+$0xF200] =	vst.add.f32.msk $0xffff, v1  }
0x128: {  	[tilespmem:s8+$0xF210] =	vst.add.f32.msk $0xffff, v2  }
0x129: {  	[tilespmem:s8+$0xF220] =	vst.add.f32.msk $0xffff, v3  }
0x12a: {  	[tilespmem:s8+$0xF230] =	vst.add.f32.msk $0xffff, v4  }
0x12b: {  	[tilespmem:s8+$0xF240] =	vst.add.f32.msk $0xffff, v5  }
0x12c: {  	[tilespmem:s8+$0xF250] =	vst.add.f32.msk $0xffff, v6  }
0x12d: {  	[tilespmem:s8+$0xF260] =	vst.add.f32.msk $0xffff, v7;
	s8 =	simm.s32 $0x0  }
0x12e: {  	[hbm4b:s14+s8] =	stream.linear.scatter [tilespmem:s30], [sflag:$0x5], $0x1000, $0x38;
	[tilespmem:$0x14200] =	vst v63  }
0x12f: {  	s9 =	simm.s32 $0xD200  }
0x130: {  	[hbm4b:s15+s8] =	stream.linear.scatter [tilespmem:s9], [sflag:$0x5], $0x1000, $0x38;
	[tilespmem:$0x14200] =	vst v63  }
0x131: {  	s10 =	simm.s32 $0xE200  }
0x132: {  	[hbm4b:s16+s8] =	stream.linear.scatter [tilespmem:s10], [sflag:$0x5], $0x1000, $0x38;
	[tilespmem:$0x14200] =	vst v63  }
0x133: {  	s10 =	simm.s32 $0xF200  }
0x134: {  	[hbm4b:s17+s8] =	stream.linear.scatter [tilespmem:s10], [sflag:$0x5], $0x1000, $0x38;
	[tilespmem:$0x14200] =	vst v63  }
0x135: {  	_ =	swait.ge [sflag:s4], $0x4000  }
0x136: {  	[sflag:s4] =	ssyncset.done $0x0  }
0x137: {  	s9 =	simm.s32 $0x200;
	s8 =	simm.s32 $0x0;
	[sflag:s4] =	ssyncadd.s32 $0xFFFFC000  }
.LBB2_8:
0x138: {  	p0 =	sne.s32 s9, $0x3E00;
	v0 =	vld [tilespmem:s8+$0x3270]  }
0x139: {  	v1 =	vld [tilespmem:s8+$0x3200]  }
0x13a: {  	v2 =	vld [tilespmem:s8+$0x3210]  }
0x13b: {  	v3 =	vld [tilespmem:s8+$0x3220]  }
0x13c: {  	v4 =	vld [tilespmem:s8+$0x3230]  }
0x13d: {  	[tilespmem:s8+$0x13270] =	vst.add.f32.msk $0xffff, v0  }
0x13e: {  	v5 =	vld [tilespmem:s8+$0x3240]  }
0x13f: {  	v6 =	vld [tilespmem:s8+$0x3250]  }
0x140: {  	v7 =	vld [tilespmem:s8+$0x3260]  }
0x141: {  	[tilespmem:s8+$0x10200] =	vst.add.f32.msk $0xffff, v1  }
0x142: {  	[tilespmem:s8+$0x10210] =	vst.add.f32.msk $0xffff, v2  }
0x143: {  	[tilespmem:s8+$0x10220] =	vst.add.f32.msk $0xffff, v3  }
0x144: {  	[tilespmem:s8+$0x10230] =	vst.add.f32.msk $0xffff, v4  }
0x145: {  	[tilespmem:s8+$0x10240] =	vst.add.f32.msk $0xffff, v5  }
0x146: {  	[tilespmem:s8+$0x10250] =	vst.add.f32.msk $0xffff, v6  }
0x147: {  	[tilespmem:s8+$0x10260] =	vst.add.f32.msk $0xffff, v7  }
0x148: {  	[tilespmem:s8+$0x10270] =	vst.add.f32.msk $0xffff, v0  }
0x149: {  	[tilespmem:s8+$0x11200] =	vst.add.f32.msk $0xffff, v1  }
0x14a: {  	[tilespmem:s8+$0x11210] =	vst.add.f32.msk $0xffff, v2  }
0x14b: {  	[tilespmem:s8+$0x11220] =	vst.add.f32.msk $0xffff, v3  }
0x14c: {  	[tilespmem:s8+$0x11230] =	vst.add.f32.msk $0xffff, v4  }
0x14d: {  	[tilespmem:s8+$0x11240] =	vst.add.f32.msk $0xffff, v5  }
0x14e: {  	[tilespmem:s8+$0x11250] =	vst.add.f32.msk $0xffff, v6  }
0x14f: {  	[tilespmem:s8+$0x11260] =	vst.add.f32.msk $0xffff, v7  }
0x150: {  	[tilespmem:s8+$0x11270] =	vst.add.f32.msk $0xffff, v0  }
0x151: {  	[tilespmem:s8+$0x12200] =	vst.add.f32.msk $0xffff, v1  }
0x152: {  	[tilespmem:s8+$0x12210] =	vst.add.f32.msk $0xffff, v2  }
0x153: {  	[tilespmem:s8+$0x12220] =	vst.add.f32.msk $0xffff, v3  }
0x154: {  	[tilespmem:s8+$0x12230] =	vst.add.f32.msk $0xffff, v4  }
0x155: {  	[tilespmem:s8+$0x12240] =	vst.add.f32.msk $0xffff, v5  }
0x156: {  	[tilespmem:s8+$0x12250] =	vst.add.f32.msk $0xffff, v6  }
0x157: {  	[tilespmem:s8+$0x12260] =	vst.add.f32.msk $0xffff, v7  }
0x158: {  	[tilespmem:s8+$0x12270] =	vst.add.f32.msk $0xffff, v0  }
0x159: {  	[tilespmem:s8+$0x13200] =	vst.add.f32.msk $0xffff, v1  }
0x15a: {  	[tilespmem:s8+$0x13210] =	vst.add.f32.msk $0xffff, v2  }
.Ltmp3:
0x15b: {  	[tilespmem:s8+$0x13220] =	vst.add.f32.msk $0xffff, v3;
	(pc) =	sbr.rel @p0 .LBB2_8-.Ltmp3, $4  }
0x15c: {  	[tilespmem:s8+$0x13230] =	vst.add.f32.msk $0xffff, v4  }
0x15d: {  	[tilespmem:s8+$0x13240] =	vst.add.f32.msk $0xffff, v5  }
0x15e: {  	[tilespmem:s8+$0x13250] =	vst.add.f32.msk $0xffff, v6  }
0x15f: {  	[tilespmem:s8+$0x13260] =	vst.add.f32.msk $0xffff, v7;
	s8 =	sshra.s32 s9, $0x2;
	s9 =	sadd.s32 $0x200, s9  }
0x160: {  	v0 =	vld [tilespmem:s8+$0x3270]  }
0x161: {  	v1 =	vld [tilespmem:s8+$0x3200]  }
0x162: {  	v2 =	vld [tilespmem:s8+$0x3210]  }
0x163: {  	v3 =	vld [tilespmem:s8+$0x3220]  }
0x164: {  	v4 =	vld [tilespmem:s8+$0x3230]  }
0x165: {  	v5 =	vld [tilespmem:s8+$0x3240]  }
0x166: {  	v6 =	vld [tilespmem:s8+$0x3250]  }
0x167: {  	v7 =	vld [tilespmem:s8+$0x3260]  }
0x168: {  	[tilespmem:s8+$0x13270] =	vst.add.f32.msk $0xffff, v0  }
0x169: {  	[tilespmem:s8+$0x10200] =	vst.add.f32.msk $0xffff, v1  }
0x16a: {  	[tilespmem:s8+$0x10210] =	vst.add.f32.msk $0xffff, v2  }
0x16b: {  	[tilespmem:s8+$0x10220] =	vst.add.f32.msk $0xffff, v3  }
0x16c: {  	[tilespmem:s8+$0x10230] =	vst.add.f32.msk $0xffff, v4  }
0x16d: {  	[tilespmem:s8+$0x10240] =	vst.add.f32.msk $0xffff, v5  }
0x16e: {  	[tilespmem:s8+$0x10250] =	vst.add.f32.msk $0xffff, v6  }
0x16f: {  	[tilespmem:s8+$0x10260] =	vst.add.f32.msk $0xffff, v7  }
0x170: {  	[tilespmem:s8+$0x10270] =	vst.add.f32.msk $0xffff, v0  }
0x171: {  	[tilespmem:s8+$0x11200] =	vst.add.f32.msk $0xffff, v1  }
0x172: {  	[tilespmem:s8+$0x11210] =	vst.add.f32.msk $0xffff, v2  }
0x173: {  	[tilespmem:s8+$0x11220] =	vst.add.f32.msk $0xffff, v3  }
0x174: {  	[tilespmem:s8+$0x11230] =	vst.add.f32.msk $0xffff, v4  }
0x175: {  	[tilespmem:s8+$0x11240] =	vst.add.f32.msk $0xffff, v5  }
0x176: {  	[tilespmem:s8+$0x11250] =	vst.add.f32.msk $0xffff, v6  }
0x177: {  	[tilespmem:s8+$0x11260] =	vst.add.f32.msk $0xffff, v7  }
0x178: {  	[tilespmem:s8+$0x11270] =	vst.add.f32.msk $0xffff, v0  }
0x179: {  	[tilespmem:s8+$0x12200] =	vst.add.f32.msk $0xffff, v1  }
0x17a: {  	[tilespmem:s8+$0x12210] =	vst.add.f32.msk $0xffff, v2  }
0x17b: {  	[tilespmem:s8+$0x12220] =	vst.add.f32.msk $0xffff, v3  }
0x17c: {  	[tilespmem:s8+$0x12230] =	vst.add.f32.msk $0xffff, v4  }
0x17d: {  	[tilespmem:s8+$0x12240] =	vst.add.f32.msk $0xffff, v5  }
0x17e: {  	[tilespmem:s8+$0x12250] =	vst.add.f32.msk $0xffff, v6  }
0x17f: {  	[tilespmem:s8+$0x12260] =	vst.add.f32.msk $0xffff, v7  }
0x180: {  	[tilespmem:s8+$0x12270] =	vst.add.f32.msk $0xffff, v0  }
0x181: {  	[tilespmem:s8+$0x13200] =	vst.add.f32.msk $0xffff, v1  }
0x182: {  	[tilespmem:s8+$0x13210] =	vst.add.f32.msk $0xffff, v2  }
0x183: {  	[tilespmem:s8+$0x13220] =	vst.add.f32.msk $0xffff, v3  }
0x184: {  	[tilespmem:s8+$0x13230] =	vst.add.f32.msk $0xffff, v4  }
0x185: {  	[tilespmem:s8+$0x13240] =	vst.add.f32.msk $0xffff, v5  }
0x186: {  	[tilespmem:s8+$0x13250] =	vst.add.f32.msk $0xffff, v6  }
0x187: {  	[tilespmem:s8+$0x13260] =	vst.add.f32.msk $0xffff, v7  }
0x188: {  	[hbm4b:s18+s3] =	stream.linear.scatter [tilespmem:s0], [sflag:$0x5], $0x1000, $0x38;
	[tilespmem:$0x14200] =	vst v63  }
0x189: {  	s10 =	simm.s32 $0x11200  }
0x18a: {  	[hbm4b:s19+s3] =	stream.linear.scatter [tilespmem:s10], [sflag:$0x5], $0x1000, $0x38;
	[tilespmem:$0x14200] =	vst v63  }
0x18b: {  	s9 =	simm.s32 $0x12200  }
0x18c: {  	[hbm4b:s20+s3] =	stream.linear.scatter [tilespmem:s9], [sflag:$0x5], $0x1000, $0x38;
	[tilespmem:$0x14200] =	vst v63  }
0x18d: {  	s10 =	simm.s32 $0x13200  }
0x18e: {  	[hbm4b:s21+s3] =	stream.linear.scatter [tilespmem:s10], [sflag:$0x5], $0x1000, $0x38;
	[tilespmem:$0x14200] =	vst v63  }
0x18f: {  	_ =	swait.ge [sflag:s6], $0x1000  }
0x190: {  	[sflag:s6] =	ssyncset.done $0x0  }
0x191: {  	[sflag:s6] =	ssyncadd.s32 $0xFFFFF000  }
0x192: {  	_ =	swait.ge [sflag:s6], $0x1000  }
0x193: {  	[sflag:s6] =	ssyncset.done $0x0  }
0x194: {  	[sflag:s6] =	ssyncadd.s32 $0xFFFFF000  }
0x195: {  	_ =	swait.ge [sflag:s6], $0x1000  }
0x196: {  	[sflag:s6] =	ssyncset.done $0x0  }
0x197: {  	[sflag:s6] =	ssyncadd.s32 $0xFFFFF000  }
0x198: {  	_ =	swait.ge [sflag:s6], $0x1000  }
0x199: {  	[sflag:s6] =	ssyncset.done $0x0  }
0x19a: {  	[sflag:s6] =	ssyncadd.s32 $0xFFFFF000  }
0x19b: {  	_ =	swait.ge [sflag:s6], $0x1000  }
0x19c: {  	[sflag:s6] =	ssyncset.done $0x0  }
0x19d: {  	[sflag:s6] =	ssyncadd.s32 $0xFFFFF000  }
0x19e: {  	_ =	swait.ge [sflag:s6], $0x1000  }
0x19f: {  	[sflag:s6] =	ssyncset.done $0x0  }
0x1a0: {  	[sflag:s6] =	ssyncadd.s32 $0xFFFFF000  }
0x1a1: {  	_ =	swait.ge [sflag:s6], $0x1000  }
0x1a2: {  	[sflag:s6] =	ssyncset.done $0x0  }
0x1a3: {  	[sflag:s6] =	ssyncadd.s32 $0xFFFFF000  }
0x1a4: {  	_ =	swait.ge [sflag:s6], $0x1000  }
0x1a5: {  	[sflag:s6] =	ssyncset.done $0x0  }
0x1a6: {  	[sflag:s6] =	ssyncadd.s32 $0xFFFFF000  }
0x1a7: {  	_ =	swait.ge [sflag:s6], $0x1000  }
0x1a8: {  	[sflag:s6] =	ssyncset.done $0x0  }
0x1a9: {  	[sflag:s6] =	ssyncadd.s32 $0xFFFFF000  }
0x1aa: {  	_ =	swait.ge [sflag:s6], $0x1000  }
0x1ab: {  	[sflag:s6] =	ssyncset.done $0x0  }
0x1ac: {  	[sflag:s6] =	ssyncadd.s32 $0xFFFFF000  }
0x1ad: {  	_ =	swait.ge [sflag:s6], $0x1000  }
0x1ae: {  	[sflag:s6] =	ssyncset.done $0x0  }
0x1af: {  	[sflag:s6] =	ssyncadd.s32 $0xFFFFF000  }
0x1b0: {  	_ =	swait.ge [sflag:s6], $0x1000  }
0x1b1: {  	[sflag:s6] =	ssyncset.done $0x0  }
0x1b2: {  	[sflag:s6] =	ssyncadd.s32 $0xFFFFF000  }
0x1b3: {  	_ =	swait.ge [sflag:s6], $0x1000  }
0x1b4: {  	[sflag:s6] =	ssyncset.done $0x0  }
0x1b5: {  	[sflag:s6] =	ssyncadd.s32 $0xFFFFF000  }
0x1b6: {  	_ =	swait.ge [sflag:s6], $0x1000  }
0x1b7: {  	[sflag:s6] =	ssyncset.done $0x0  }
0x1b8: {  	s7 =	sadd.s32 $0x1, s7;
	[sflag:s6] =	ssyncadd.s32 $0xFFFFF000  }
0x1b9: {  	p0 =	sne.s32 s7, s22;
	_ =	swait.ge [sflag:s6], $0x1000  }
.Ltmp4:
0x1ba: {  	[sflag:s6] =	ssyncset.done $0x0;
	(pc) =	sbr.rel @p0 .LBB2_1-.Ltmp4, $4  }
0x1bb: {  	[sflag:s6] =	ssyncadd.s32 $0xFFFFF000  }
0x1bc: {  	_ =	swait.ge [sflag:s6], $0x1000  }
0x1bd: {  	[sflag:s6] =	ssyncset.done $0x0  }
0x1be: {  	[sflag:s6] =	ssyncadd.s32 $0xFFFFF000  }
0x1bf: {  	_ =	sfence.sel $0x180000  }
0x1c0: {  	[bflag:$0x0] =	sbarrier.arrive $0xFFFF  }
0x1c1: {  	_ =	strace $0x90000047  }
0x1c2: {  	s0 =	stileid.u32;
	[bflag:$0x2] =	sbarrier.arrive $0xFFFF  }
0x1c3: {  	p0 =	sne.s32 s0, $0x0;
	s0 =	rddreg [dreg:$0x4]  }
0x1c4: {  	s0 =	sadd.s32 @!p0 $0x100000, s0  }
0x1c5: {  	[sflag:s0] =	ssyncadd.tile.s32 @!p0 $0x1;
	_ =	shalt  }
.Lfunc_end2:
_tile_overlayer_lowered:
.L_overlay_start_2:
0x1c6: {  	(tag) =	ssettag $0x2  }
0x1c7: {  	s0 =	rddreg [dreg:$0x0];
	s2 =	stileid.u32  }
0x1c8: {  	s1 =	rddreg [dreg:$0x1];
	p0 =	sne.s32 s2, $0x0  }
0x1c9: {  	s3 =	rddreg [dreg:$0x2];
	[bflag:$0x3] =	sbarrier.arrive $0xFFFF;
	s2 =	simm.s32 @!p0 $0x1C07  }
0x1ca: {  	[timem:s3], [sflag:s2] =	dma.local @!p0 [hbm:s0], s1  }
0x1cb: {  	s0 =	simm.s32 @!p0 $0x7  }
0x1cc: {  	_ =	swait.ge @!p0 [sflag:s0], s1  }
0x1cd: {  	s1 =	ssub.s32 @!p0 $0x0, s1;
	[sflag:s0] =	ssyncset.done @!p0 $0x0  }
0x1ce: {  	[sflag:s0] =	ssyncadd.s32 @!p0 s1  }
0x1cf: {  	[bflag:$0x3] =	sbarrier.arrive $0xFFFF  }
0x1d0: {  	_ =	shalt  }

</sc_bundles>
